<compile_context>
chip_gen: v7x
topology: tpu7x:2x2x1
jax: 0.10.2.dev20260603
libtpu: 0.0.44.dev20260713+nightly
codegen_flags: <defaults>
</compile_context>

<pallas_src>
import functools

import jax
import jax.numpy as jnp
from jax import lax
from jax.experimental import pallas as pl
from jax.experimental.pallas import tpu as pltpu
from jax.experimental.pallas import tpu_sc as plsc

B = 16384
D = 32
NC = 2
NS = 16
NW = NC * NS
BPW = B // NW
SUB = 4
NSTEP = BPW // SUB
WIN = 128
LAST_TILE = (1000000 // 128) * 128


@functools.cache
def _sc_gather2():
    mesh = plsc.VectorSubcoreMesh(core_axis_name="c", subcore_axis_name="s",
                                  num_cores=NC, num_subcores=NS)

    @functools.partial(
        pl.kernel,
        out_type=[
            jax.ShapeDtypeStruct((B, D), jnp.float32),
            jax.ShapeDtypeStruct((B, D), jnp.float32),
        ],
        mesh=mesh,
        scratch_types=[
            pltpu.VMEM((BPW,), jnp.int32),
            pltpu.VMEM((BPW,), jnp.int32),
            [pltpu.VMEM((D, 128), jnp.float32)] * (4 * SUB),
            pltpu.VMEM((WIN, D), jnp.float32),
            pltpu.VMEM((WIN, D), jnp.float32),
            [pltpu.SemaphoreType.DMA] * (4 * SUB),
            pltpu.SemaphoreType.DMA,
            pltpu.SemaphoreType.DMA,
        ],
        compiler_params=pltpu.CompilerParams(needs_layout_passes=False),
    )
    def gather2(uid_hbm, iid_hbm, utabT_hbm, itabT_hbm, uout_hbm, iout_hbm,
                uids_v, iids_v, blks, ubuf, ibuf, sems, fsem_u, fsem_i):
        wid = lax.axis_index("s") * NC + lax.axis_index("c")
        base = wid * BPW
        pltpu.sync_copy(uid_hbm.at[pl.ds(base, BPW)], uids_v)
        pltpu.sync_copy(iid_hbm.at[pl.ds(base, BPW)], iids_v)

        iota16 = lax.iota(jnp.int32, 16)

        def hilo(ss):
            uv = uids_v[pl.ds(ss * 16, 16)]
            iv = iids_v[pl.ds(ss * 16, 16)]
            return (jnp.right_shift(uv, 7), jnp.bitwise_and(uv, 127),
                    jnp.right_shift(iv, 7), jnp.bitwise_and(iv, 127))

        def issue(lane, hivecs, par):
            for idp in range(SUB):
                for t, tab in ((0, utabT_hbm), (1, itabT_hbm)):
                    k = 2 * idp + t + 8 * par
                    hi = hivecs[2 * t][lane + idp]
                    off = pl.multiple_of(
                        jnp.where(hi >= 7812, 0, hi * 128), 128)
                    pltpu.async_copy(tab.at[:, pl.ds(off, 128)],
                                     blks[k], sems[k])

        def extract(sp, lane, lovecs, par):
            for idp in range(SUB):
                jm = jnp.bitwise_and(sp * SUB + idp, WIN - 1)
                for t, outb in ((0, ubuf), (1, ibuf)):
                    k = 2 * idp + t + 8 * par
                    pltpu.make_async_copy(utabT_hbm.at[:, pl.ds(0, 128)],
                                          blks[k], sems[k]).wait()
                    rlo = jnp.full((16,), lovecs[2 * t + 1][lane + idp],
                                   jnp.int32)
                    vlo = plsc.load_gather(blks[k], [iota16, rlo])
                    vhi = plsc.load_gather(blks[k], [iota16 + 16, rlo])
                    outb[jm, pl.ds(0, 16)] = vlo
                    outb[jm, pl.ds(16, 16)] = vhi

        def drain_flush():
            pltpu.make_async_copy(uout_hbm.at[pl.ds(0, 64)],
                                  ubuf.at[pl.ds(0, 64)], fsem_u).wait()
            pltpu.make_async_copy(iout_hbm.at[pl.ds(0, 64)],
                                  ibuf.at[pl.ds(0, 64)], fsem_i).wait()

        def flush(row0):
            bo = jnp.bitwise_and(row0, WIN - 1)
            pltpu.async_copy(ubuf.at[pl.ds(bo, 64)],
                             uout_hbm.at[pl.ds(base + row0, 64)], fsem_u)
            pltpu.async_copy(ibuf.at[pl.ds(bo, 64)],
                             iout_hbm.at[pl.ds(base + row0, 64)], fsem_i)

        @pl.loop(0, NSTEP // SUB)
        def _(ss):
            cur = hilo(ss)

            @pl.when(ss > 0)
            def _():
                prev = hilo(ss - 1)
                extract(SUB * ss - 2, 8, prev, 0)

            issue(0, cur, 0)

            @pl.when(ss > 0)
            def _():
                prev = hilo(ss - 1)
                extract(SUB * ss - 1, 12, prev, 1)

                @pl.when(jnp.bitwise_and(ss, 3) == 0)
                def _():
                    @pl.when(ss > 4)
                    def _():
                        drain_flush()

                    flush(16 * ss - 64)

            issue(4, cur, 1)

            extract(SUB * ss, 0, cur, 0)
            issue(8, cur, 0)
            extract(SUB * ss + 1, 4, cur, 1)
            issue(12, cur, 1)

        last = hilo(NSTEP // SUB - 1)
        extract(NSTEP - 2, 8, last, 0)
        extract(NSTEP - 1, 12, last, 1)
        drain_flush()
        flush(BPW - 64)
        drain_flush()

    return gather2


BLK = 2048


def _fixup(vec, ids_ref, tail_ref):
    rel = ids_ref[...] - LAST_TILE
    iot = lax.broadcasted_iota(jnp.int32, (BLK, 64), 1)
    oh = (rel == iot).astype(jnp.float32)
    fix = jnp.dot(oh, tail_ref[...], preferred_element_type=jnp.float32)
    return jnp.where(rel >= 0, fix, vec)


def _mlp_body(u_ref, i_ref, uid_ref, iid_ref, utail_ref, itail_ref,
              w1u_ref, w1i_ref, b1_ref, w2_ref, b2_ref,
              w3_ref, b3_ref, out_ref):
    u = _fixup(u_ref[...], uid_ref, utail_ref)
    i = _fixup(i_ref[...], iid_ref, itail_ref)
    h = jnp.dot(u, w1u_ref[...], preferred_element_type=jnp.float32)
    h = h + jnp.dot(i, w1i_ref[...],
                    preferred_element_type=jnp.float32)
    h = jnp.maximum(h + b1_ref[...], 0.0)
    h = jnp.dot(h, w2_ref[...], preferred_element_type=jnp.float32)
    h = jnp.maximum(h + b2_ref[...], 0.0)
    out_ref[...] = jnp.sum(h * w3_ref[...], axis=1) + b3_ref[0, 0]


def _mlp(uvec, ivec, uid, iid, utail, itail, w1uT, w1iT, b1, w2T, b2, w3, b3):
    grid = (B // BLK,)
    full = lambda shape: pl.BlockSpec(shape, lambda i: (0, 0))
    return pl.pallas_call(
        _mlp_body,
        grid=grid,
        in_specs=[
            pl.BlockSpec((BLK, D), lambda i: (i, 0)),
            pl.BlockSpec((BLK, D), lambda i: (i, 0)),
            pl.BlockSpec((BLK, 1), lambda i: (i, 0)),
            pl.BlockSpec((BLK, 1), lambda i: (i, 0)),
            full((64, D)),
            full((64, D)),
            full((D, 128)),
            full((D, 128)),
            full((1, 128)),
            full((128, 64)),
            full((1, 64)),
            full((1, 64)),
            full((1, 1)),
        ],
        out_specs=pl.BlockSpec((BLK,), lambda i: (i,)),
        out_shape=jax.ShapeDtypeStruct((B,), jnp.float32),
    )(uvec, ivec, uid.reshape(B, 1), iid.reshape(B, 1), utail, itail,
      w1uT, w1iT, b1, w2T, b2, w3, b3)


def kernel(user_ids, item_ids, user_table, item_table, user_bias_t,
           item_bias_t, W1, b1, W2, b2, W3, b3):
    uid = user_ids.astype(jnp.int32)
    iid = item_ids.astype(jnp.int32)
    uvec, ivec = _sc_gather2()(uid, iid, user_table.T, item_table.T)
    w1uT = W1[:, :D].T
    w1iT = W1[:, D:].T
    return _mlp(uvec, ivec, uid, iid, user_table[LAST_TILE:],
                item_table[LAST_TILE:], w1uT, w1iT, b1.reshape(1, 128),
                W2.T, b2.reshape(1, 64), W3, b3.reshape(1, 1))

# --- scband reference (transcript-rebuilt; emitter-appended) ---
"""Pipeline reference for scband-recommender-model-6038724018332 (READ-ONLY COPY).

The authoritative reference and input builder live on the scoring server;
editing this copy changes nothing except your own understanding.
"""

import jax, jax.numpy as jnp
import numpy as np

NUM_USERS = 1000000
NUM_ITEMS = 1000000
EMBED_DIM = 32
BATCH = 16384


def setup_inputs(seed: int = 0) -> dict:
    key = jax.random.key(seed)
    ks = jax.random.split(key, 12)
    user_ids = jax.random.randint(ks[0], (BATCH,), 0, NUM_USERS, dtype=jnp.int32).astype(jnp.int64)
    item_ids = jax.random.randint(ks[1], (BATCH,), 0, NUM_ITEMS, dtype=jnp.int32).astype(jnp.int64)
    # Embedding tables (init: normal std=0.01 for embeddings, zeros for biases)
    user_table = 0.01 * jax.random.normal(ks[2], (NUM_USERS, EMBED_DIM), dtype=jnp.float32)
    item_table = 0.01 * jax.random.normal(ks[3], (NUM_ITEMS, EMBED_DIM), dtype=jnp.float32)
    user_bias_t = jnp.zeros((NUM_USERS, 1), dtype=jnp.float32)
    item_bias_t = jnp.zeros((NUM_ITEMS, 1), dtype=jnp.float32)
    # MLP: Linear(64->128), ReLU, Dropout(eval=identity), Linear(128->64), ReLU, Linear(64->1)
    def kaiming_uniform(k, fan_in, shape):
        bound = float(np.sqrt(1.0 / fan_in))
        return jax.random.uniform(k, shape, jnp.float32, -bound, bound)
    W1 = kaiming_uniform(ks[4], 2 * EMBED_DIM, (128, 2 * EMBED_DIM))
    b1 = kaiming_uniform(ks[5], 2 * EMBED_DIM, (128,))
    W2 = kaiming_uniform(ks[6], 128, (64, 128))
    b2 = kaiming_uniform(ks[7], 128, (64,))
    W3 = kaiming_uniform(ks[8], 64, (1, 64))
    b3 = kaiming_uniform(ks[9], 64, (1,))
    return {
        "user_ids": user_ids, "item_ids": item_ids,
        "user_table": user_table, "item_table": item_table,
        "user_bias_t": user_bias_t, "item_bias_t": item_bias_t,
        "W1": W1, "b1": b1, "W2": W2, "b2": b2, "W3": W3, "b3": b3,
    }


def reference(user_ids, item_ids, user_table, item_table, user_bias_t, item_bias_t,
              W1, b1, W2, b2, W3, b3):
    user_vec = jnp.take(user_table, user_ids, axis=0)          # [B, 32]
    item_vec = jnp.take(item_table, item_ids, axis=0)          # [B, 32]
    x = jnp.concatenate([user_vec, item_vec], axis=1)           # [B, 64]
    h = jax.nn.relu(x @ W1.T + b1)                               # [B, 128]
    # Dropout(0.2) is identity at inference
    h = jax.nn.relu(h @ W2.T + b2)                               # [B, 64]
    out = h @ W3.T + b3                                          # [B, 1]
    bias = jnp.take(user_bias_t, user_ids, axis=0) + jnp.take(item_bias_t, item_ids, axis=0)  # [B, 1]
    return jnp.squeeze(out, axis=1) + jnp.squeeze(bias, axis=1)  # [B]

if __name__ == "__main__":
    import jax
    _d = setup_inputs()
    print(jax.jit(kernel)(*tuple(_d.values())))

</pallas_src>

<mosaic_0001>
#map = affine_map<(d0, d1) -> (0)>
#map1 = affine_map<(d0, d1) -> (0, 0)>
module attributes {stable_mosaic.version = 14 : i64} {
  func.func @gather2(%arg0: i32, %arg1: i32, %arg2: memref<16384xi32, #tpu.memory_space<hbm>>, %arg3: memref<16384xi32, #tpu.memory_space<hbm>>, %arg4: memref<32x1000000xf32, #tpu.memory_space<hbm>>, %arg5: memref<32x1000000xf32, #tpu.memory_space<hbm>>, %arg6: memref<16384x32xf32, #tpu.memory_space<hbm>>, %arg7: memref<16384x32xf32, #tpu.memory_space<hbm>>, %arg8: memref<512xi32, #tpu.memory_space<vmem>>, %arg9: memref<512xi32, #tpu.memory_space<vmem>>, %arg10: memref<32x128xf32, #tpu.memory_space<vmem>>, %arg11: memref<32x128xf32, #tpu.memory_space<vmem>>, %arg12: memref<32x128xf32, #tpu.memory_space<vmem>>, %arg13: memref<32x128xf32, #tpu.memory_space<vmem>>, %arg14: memref<32x128xf32, #tpu.memory_space<vmem>>, %arg15: memref<32x128xf32, #tpu.memory_space<vmem>>, %arg16: memref<32x128xf32, #tpu.memory_space<vmem>>, %arg17: memref<32x128xf32, #tpu.memory_space<vmem>>, %arg18: memref<32x128xf32, #tpu.memory_space<vmem>>, %arg19: memref<32x128xf32, #tpu.memory_space<vmem>>, %arg20: memref<32x128xf32, #tpu.memory_space<vmem>>, %arg21: memref<32x128xf32, #tpu.memory_space<vmem>>, %arg22: memref<32x128xf32, #tpu.memory_space<vmem>>, %arg23: memref<32x128xf32, #tpu.memory_space<vmem>>, %arg24: memref<32x128xf32, #tpu.memory_space<vmem>>, %arg25: memref<32x128xf32, #tpu.memory_space<vmem>>, %arg26: memref<128x32xf32, #tpu.memory_space<vmem>>, %arg27: memref<128x32xf32, #tpu.memory_space<vmem>>, %arg28: memref<!tpu.dma_semaphore, #tpu.memory_space<semaphore_mem>>, %arg29: memref<!tpu.dma_semaphore, #tpu.memory_space<semaphore_mem>>, %arg30: memref<!tpu.dma_semaphore, #tpu.memory_space<semaphore_mem>>, %arg31: memref<!tpu.dma_semaphore, #tpu.memory_space<semaphore_mem>>, %arg32: memref<!tpu.dma_semaphore, #tpu.memory_space<semaphore_mem>>, %arg33: memref<!tpu.dma_semaphore, #tpu.memory_space<semaphore_mem>>, %arg34: memref<!tpu.dma_semaphore, #tpu.memory_space<semaphore_mem>>, %arg35: memref<!tpu.dma_semaphore, #tpu.memory_space<semaphore_mem>>, %arg36: memref<!tpu.dma_semaphore, #tpu.memory_space<semaphore_mem>>, %arg37: memref<!tpu.dma_semaphore, #tpu.memory_space<semaphore_mem>>, %arg38: memref<!tpu.dma_semaphore, #tpu.memory_space<semaphore_mem>>, %arg39: memref<!tpu.dma_semaphore, #tpu.memory_space<semaphore_mem>>, %arg40: memref<!tpu.dma_semaphore, #tpu.memory_space<semaphore_mem>>, %arg41: memref<!tpu.dma_semaphore, #tpu.memory_space<semaphore_mem>>, %arg42: memref<!tpu.dma_semaphore, #tpu.memory_space<semaphore_mem>>, %arg43: memref<!tpu.dma_semaphore, #tpu.memory_space<semaphore_mem>>, %arg44: memref<!tpu.dma_semaphore, #tpu.memory_space<semaphore_mem>>, %arg45: memref<!tpu.dma_semaphore, #tpu.memory_space<semaphore_mem>>) attributes {dimension_semantics = [#tpu.dimension_semantics<core_parallel>, #tpu.dimension_semantics<subcore_parallel>], iteration_bounds = array<i64: 2, 16>, scalar_prefetch = 0 : i64, scratch_operands = 38 : i64, tpu.core_type = #tpu.core_type<sc_vector_subcore>, window_params = [{transform_indices = #map}, {transform_indices = #map}, {transform_indices = #map1}, {transform_indices = #map1}, {transform_indices = #map1}, {transform_indices = #map1}]} {
    %mul3A = arith.constant 2 : i32
    %mul3A_0 = arith.muli %arg1, %mul3A : i32
    %add3A = arith.addi %mul3A_0, %arg0 : i32
    %mul3A_1 = arith.constant 512 : i32
    %mul3A_2 = arith.muli %add3A, %mul3A_1 : i32
    "tpu.region"() ({
      %run_scoped3A = tpu.sem_alloc : memref<!tpu.dma_semaphore, #tpu.memory_space<semaphore_mem>>
      %dma_start3A_428 = tpu.memref_slice %arg2[%mul3A_2] : memref<16384xi32, #tpu.memory_space<hbm>> -> memref<512xi32, #tpu.memory_space<hbm>>
      %dma_start3A_429 = tpu.memref_slice %arg2[%mul3A_2] : memref<16384xi32, #tpu.memory_space<hbm>> -> memref<512xi32, #tpu.memory_space<hbm>>
      tpu.enqueue_dma source(%dma_start3A_429 : memref<512xi32, #tpu.memory_space<hbm>>) target(%arg8 : memref<512xi32, #tpu.memory_space<vmem>>) target_semaphore(%run_scoped3A : memref<!tpu.dma_semaphore, #tpu.memory_space<semaphore_mem>>)
      %dma_wait3A_430 = tpu.memref_slice %arg2[%mul3A_2] : memref<16384xi32, #tpu.memory_space<hbm>> -> memref<512xi32, #tpu.memory_space<hbm>>
      %dma_wait3A_431 = tpu.memref_slice %arg2[%mul3A_2] : memref<16384xi32, #tpu.memory_space<hbm>> -> memref<512xi32, #tpu.memory_space<hbm>>
      tpu.wait_dma2 semaphore(%run_scoped3A : memref<!tpu.dma_semaphore, #tpu.memory_space<semaphore_mem>>) src(%dma_wait3A_431 : memref<512xi32, #tpu.memory_space<hbm>>) dst(%arg8 : memref<512xi32, #tpu.memory_space<vmem>>)
      tpu.yield
    }) : () -> ()
    "tpu.region"() ({
      %run_scoped3A = tpu.sem_alloc : memref<!tpu.dma_semaphore, #tpu.memory_space<semaphore_mem>>
      %dma_start3A_428 = tpu.memref_slice %arg3[%mul3A_2] : memref<16384xi32, #tpu.memory_space<hbm>> -> memref<512xi32, #tpu.memory_space<hbm>>
      %dma_start3A_429 = tpu.memref_slice %arg3[%mul3A_2] : memref<16384xi32, #tpu.memory_space<hbm>> -> memref<512xi32, #tpu.memory_space<hbm>>
      tpu.enqueue_dma source(%dma_start3A_429 : memref<512xi32, #tpu.memory_space<hbm>>) target(%arg9 : memref<512xi32, #tpu.memory_space<vmem>>) target_semaphore(%run_scoped3A : memref<!tpu.dma_semaphore, #tpu.memory_space<semaphore_mem>>)
      %dma_wait3A_430 = tpu.memref_slice %arg3[%mul3A_2] : memref<16384xi32, #tpu.memory_space<hbm>> -> memref<512xi32, #tpu.memory_space<hbm>>
      %dma_wait3A_431 = tpu.memref_slice %arg3[%mul3A_2] : memref<16384xi32, #tpu.memory_space<hbm>> -> memref<512xi32, #tpu.memory_space<hbm>>
      tpu.wait_dma2 semaphore(%run_scoped3A : memref<!tpu.dma_semaphore, #tpu.memory_space<semaphore_mem>>) src(%dma_wait3A_431 : memref<512xi32, #tpu.memory_space<hbm>>) dst(%arg9 : memref<512xi32, #tpu.memory_space<vmem>>)
      tpu.yield
    }) : () -> ()
    %iota3A = tpu.iota {dimensions = array<i32: 0>} : vector<16xi32>
    %scan3A = arith.constant 0 : i32
    %scan3A_3 = arith.constant 32 : i32
    %scan3A_4 = arith.addi %scan3A, %scan3A_3 : i32
    %scan3A_5 = arith.constant 1 : i32
    scf.for %scan3A_428 = %scan3A to %scan3A_4 step %scan3A_5  : i32 {
      %mul3A_429 = arith.constant 1 : i32
      %mul3A_430 = arith.muli %scan3A_428, %mul3A_429 : i32
      %add3A_431 = arith.constant 0 : i32
      %add3A_432 = arith.addi %add3A_431, %mul3A_430 : i32
      %mul3A_433 = arith.constant 16 : i32
      %mul3A_434 = arith.muli %add3A_432, %mul3A_433 : i32
      %get3A_435 = arith.index_cast %mul3A_434 : i32 to index
      %get3A_436 = tpu.vector_load %arg8[%get3A_435] {strides = array<i32>} : memref<512xi32, #tpu.memory_space<vmem>>, vector<16xi32>,
      %mul3A_437 = arith.constant 16 : i32
      %mul3A_438 = arith.muli %add3A_432, %mul3A_437 : i32
      %get3A_439 = arith.index_cast %mul3A_438 : i32 to index
      %get3A_440 = tpu.vector_load %arg9[%get3A_439] {strides = array<i32>} : memref<512xi32, #tpu.memory_space<vmem>>, vector<16xi32>,
      %shift_right_arithmetic3A_441 = arith.constant 7 : i32
      %shift_right_arithmetic3A_442 = vector.broadcast %shift_right_arithmetic3A_441 : i32 to vector<16xi32>
      %shift_right_arithmetic3A_443 = arith.shrsi %get3A_436, %shift_right_arithmetic3A_442 : vector<16xi32>
      %and3A_444 = arith.constant 127 : i32
      %and3A_445 = vector.broadcast %and3A_444 : i32 to vector<16xi32>
      %and3A_446 = arith.andi %get3A_436, %and3A_445 : vector<16xi32>
      %shift_right_arithmetic3A_447 = arith.constant 7 : i32
      %shift_right_arithmetic3A_448 = vector.broadcast %shift_right_arithmetic3A_447 : i32 to vector<16xi32>
      %shift_right_arithmetic3A_449 = arith.shrsi %get3A_440, %shift_right_arithmetic3A_448 : vector<16xi32>
      %and3A_450 = arith.constant 127 : i32
      %and3A_451 = vector.broadcast %and3A_450 : i32 to vector<16xi32>
      %and3A_452 = arith.andi %get3A_440, %and3A_451 : vector<16xi32>
      %gt3A = arith.constant 0 : i32
      %gt3A_453 = arith.cmpi sgt, %add3A_432, %gt3A : i32
      %convert_element_type3A = arith.extui %gt3A_453 : i1 to i32
      %cond3A = arith.constant 0 : i32
      %cond3A_454 = arith.cmpi ne, %convert_element_type3A, %cond3A : i32
      scf.if %cond3A_454 {
        %sub3A = arith.constant 1 : i32
        %sub3A_1246 = arith.subi %add3A_432, %sub3A : i32
        %mul3A_1247 = arith.constant 16 : i32
        %mul3A_1248 = arith.muli %sub3A_1246, %mul3A_1247 : i32
        %get3A_1249 = arith.index_cast %mul3A_1248 : i32 to index
        %get3A_1250 = tpu.vector_load %arg8[%get3A_1249] {strides = array<i32>} : memref<512xi32, #tpu.memory_space<vmem>>, vector<16xi32>,
        %mul3A_1251 = arith.constant 16 : i32
        %mul3A_1252 = arith.muli %sub3A_1246, %mul3A_1251 : i32
        %get3A_1253 = arith.index_cast %mul3A_1252 : i32 to index
        %get3A_1254 = tpu.vector_load %arg9[%get3A_1253] {strides = array<i32>} : memref<512xi32, #tpu.memory_space<vmem>>, vector<16xi32>,
        %shift_right_arithmetic3A_1255 = arith.constant 7 : i32
        %shift_right_arithmetic3A_1256 = vector.broadcast %shift_right_arithmetic3A_1255 : i32 to vector<16xi32>
        %shift_right_arithmetic3A_1257 = arith.shrsi %get3A_1250, %shift_right_arithmetic3A_1256 : vector<16xi32>
        %and3A_1258 = arith.constant 127 : i32
        %and3A_1259 = vector.broadcast %and3A_1258 : i32 to vector<16xi32>
        %and3A_1260 = arith.andi %get3A_1250, %and3A_1259 : vector<16xi32>
        %shift_right_arithmetic3A_1261 = arith.constant 7 : i32
        %shift_right_arithmetic3A_1262 = vector.broadcast %shift_right_arithmetic3A_1261 : i32 to vector<16xi32>
        %shift_right_arithmetic3A_1263 = arith.shrsi %get3A_1254, %shift_right_arithmetic3A_1262 : vector<16xi32>
        %and3A_1264 = arith.constant 127 : i32
        %and3A_1265 = vector.broadcast %and3A_1264 : i32 to vector<16xi32>
        %and3A_1266 = arith.andi %get3A_1254, %and3A_1265 : vector<16xi32>
        %mul3A_1267 = arith.constant 4 : i32
        %mul3A_1268 = arith.muli %mul3A_1267, %add3A_432 : i32
        %sub3A_1269 = arith.constant 2 : i32
        %sub3A_1270 = arith.subi %mul3A_1268, %sub3A_1269 : i32
        %mul3A_1271 = arith.constant 4 : i32
        %mul3A_1272 = arith.muli %sub3A_1270, %mul3A_1271 : i32
        %add3A_1273 = arith.constant 0 : i32
        %add3A_1274 = arith.addi %mul3A_1272, %add3A_1273 : i32
        %and3A_1275 = arith.constant 127 : i32
        %and3A_1276 = arith.andi %add3A_1274, %and3A_1275 : i32
        %dma_wait3A_1277 = arith.constant 0 : i32
        %dma_wait3A_1278 = arith.constant 0 : i32
        %dma_wait3A_1279 = tpu.memref_slice %arg4[%dma_wait3A_1277, %dma_wait3A_1278] : memref<32x1000000xf32, #tpu.memory_space<hbm>> -> memref<32x128xf32, #tpu.memory_space<hbm>>
        %dma_wait3A_1280 = arith.constant 0 : i32
        %dma_wait3A_1281 = arith.constant 0 : i32
        %dma_wait3A_1282 = tpu.memref_slice %arg4[%dma_wait3A_1280, %dma_wait3A_1281] : memref<32x1000000xf32, #tpu.memory_space<hbm>> -> memref<32x128xf32, #tpu.memory_space<hbm>>
        tpu.wait_dma2 semaphore(%arg28 : memref<!tpu.dma_semaphore, #tpu.memory_space<semaphore_mem>>) src(%dma_wait3A_1282 : memref<32x128xf32, #tpu.memory_space<hbm>>) dst(%arg10 : memref<32x128xf32, #tpu.memory_space<vmem>>)
        %slice3A_1283 = vector.extract_strided_slice %and3A_1260 {offsets = [8], sizes = [1], strides = [1]} : vector<16xi32> to vector<1xi32>
        %squeeze3A_1284 = vector.extract %slice3A_1283[0] : i32 from vector<1xi32>
        %broadcast_in_dim3A_1285 = vector.broadcast %squeeze3A_1284 : i32 to vector<16xi32>
        %gather3A_1286 = tpu.vector_load_idx %arg10[%iota3A, %broadcast_in_dim3A_1285] : memref<32x128xf32, #tpu.memory_space<vmem>>[vector<16xi32>, vector<16xi32>], vector<16xf32>,
        %add3A_1287 = arith.constant 16 : i32
        %add3A_1288 = vector.broadcast %add3A_1287 : i32 to vector<16xi32>
        %add3A_1289 = arith.addi %iota3A, %add3A_1288 : vector<16xi32>
        %gather3A_1290 = tpu.vector_load_idx %arg10[%add3A_1289, %broadcast_in_dim3A_1285] : memref<32x128xf32, #tpu.memory_space<vmem>>[vector<16xi32>, vector<16xi32>], vector<16xf32>,
        %swap3A_1291 = arith.index_cast %and3A_1276 : i32 to index
        %swap3A_1292 = arith.constant 0 : index
        %swap3A_1293 = tpu.vector_load %arg26[%swap3A_1291, %swap3A_1292] {strides = array<i32>} : memref<128x32xf32, #tpu.memory_space<vmem>>, vector<16xf32>,
        tpu.vector_store %arg26[%swap3A_1291, %swap3A_1292], %gather3A_1286 {strides = array<i32>} : memref<128x32xf32, #tpu.memory_space<vmem>>, vector<16xf32>,
        %swap3A_1294 = arith.index_cast %and3A_1276 : i32 to index
        %swap3A_1295 = arith.constant 16 : index
        %swap3A_1296 = tpu.vector_load %arg26[%swap3A_1294, %swap3A_1295] {strides = array<i32>} : memref<128x32xf32, #tpu.memory_space<vmem>>, vector<16xf32>,
        tpu.vector_store %arg26[%swap3A_1294, %swap3A_1295], %gather3A_1290 {strides = array<i32>} : memref<128x32xf32, #tpu.memory_space<vmem>>, vector<16xf32>,
        %dma_wait3A_1297 = arith.constant 0 : i32
        %dma_wait3A_1298 = arith.constant 0 : i32
        %dma_wait3A_1299 = tpu.memref_slice %arg4[%dma_wait3A_1297, %dma_wait3A_1298] : memref<32x1000000xf32, #tpu.memory_space<hbm>> -> memref<32x128xf32, #tpu.memory_space<hbm>>
        %dma_wait3A_1300 = arith.constant 0 : i32
        %dma_wait3A_1301 = arith.constant 0 : i32
        %dma_wait3A_1302 = tpu.memref_slice %arg4[%dma_wait3A_1300, %dma_wait3A_1301] : memref<32x1000000xf32, #tpu.memory_space<hbm>> -> memref<32x128xf32, #tpu.memory_space<hbm>>
        tpu.wait_dma2 semaphore(%arg29 : memref<!tpu.dma_semaphore, #tpu.memory_space<semaphore_mem>>) src(%dma_wait3A_1302 : memref<32x128xf32, #tpu.memory_space<hbm>>) dst(%arg11 : memref<32x128xf32, #tpu.memory_space<vmem>>)
        %slice3A_1303 = vector.extract_strided_slice %and3A_1266 {offsets = [8], sizes = [1], strides = [1]} : vector<16xi32> to vector<1xi32>
        %squeeze3A_1304 = vector.extract %slice3A_1303[0] : i32 from vector<1xi32>
        %broadcast_in_dim3A_1305 = vector.broadcast %squeeze3A_1304 : i32 to vector<16xi32>
        %gather3A_1306 = tpu.vector_load_idx %arg11[%iota3A, %broadcast_in_dim3A_1305] : memref<32x128xf32, #tpu.memory_space<vmem>>[vector<16xi32>, vector<16xi32>], vector<16xf32>,
        %add3A_1307 = arith.constant 16 : i32
        %add3A_1308 = vector.broadcast %add3A_1307 : i32 to vector<16xi32>
        %add3A_1309 = arith.addi %iota3A, %add3A_1308 : vector<16xi32>
        %gather3A_1310 = tpu.vector_load_idx %arg11[%add3A_1309, %broadcast_in_dim3A_1305] : memref<32x128xf32, #tpu.memory_space<vmem>>[vector<16xi32>, vector<16xi32>], vector<16xf32>,
        %swap3A_1311 = arith.index_cast %and3A_1276 : i32 to index
        %swap3A_1312 = arith.constant 0 : index
        %swap3A_1313 = tpu.vector_load %arg27[%swap3A_1311, %swap3A_1312] {strides = array<i32>} : memref<128x32xf32, #tpu.memory_space<vmem>>, vector<16xf32>,
        tpu.vector_store %arg27[%swap3A_1311, %swap3A_1312], %gather3A_1306 {strides = array<i32>} : memref<128x32xf32, #tpu.memory_space<vmem>>, vector<16xf32>,
        %swap3A_1314 = arith.index_cast %and3A_1276 : i32 to index
        %swap3A_1315 = arith.constant 16 : index
        %swap3A_1316 = tpu.vector_load %arg27[%swap3A_1314, %swap3A_1315] {strides = array<i32>} : memref<128x32xf32, #tpu.memory_space<vmem>>, vector<16xf32>,
        tpu.vector_store %arg27[%swap3A_1314, %swap3A_1315], %gather3A_1310 {strides = array<i32>} : memref<128x32xf32, #tpu.memory_space<vmem>>, vector<16xf32>,
        %mul3A_1317 = arith.constant 4 : i32
        %mul3A_1318 = arith.muli %sub3A_1270, %mul3A_1317 : i32
        %add3A_1319 = arith.constant 1 : i32
        %add3A_1320 = arith.addi %mul3A_1318, %add3A_1319 : i32
        %and3A_1321 = arith.constant 127 : i32
        %and3A_1322 = arith.andi %add3A_1320, %and3A_1321 : i32
        %dma_wait3A_1323 = arith.constant 0 : i32
        %dma_wait3A_1324 = arith.constant 0 : i32
        %dma_wait3A_1325 = tpu.memref_slice %arg4[%dma_wait3A_1323, %dma_wait3A_1324] : memref<32x1000000xf32, #tpu.memory_space<hbm>> -> memref<32x128xf32, #tpu.memory_space<hbm>>
        %dma_wait3A_1326 = arith.constant 0 : i32
        %dma_wait3A_1327 = arith.constant 0 : i32
        %dma_wait3A_1328 = tpu.memref_slice %arg4[%dma_wait3A_1326, %dma_wait3A_1327] : memref<32x1000000xf32, #tpu.memory_space<hbm>> -> memref<32x128xf32, #tpu.memory_space<hbm>>
        tpu.wait_dma2 semaphore(%arg30 : memref<!tpu.dma_semaphore, #tpu.memory_space<semaphore_mem>>) src(%dma_wait3A_1328 : memref<32x128xf32, #tpu.memory_space<hbm>>) dst(%arg12 : memref<32x128xf32, #tpu.memory_space<vmem>>)
        %slice3A_1329 = vector.extract_strided_slice %and3A_1260 {offsets = [9], sizes = [1], strides = [1]} : vector<16xi32> to vector<1xi32>
        %squeeze3A_1330 = vector.extract %slice3A_1329[0] : i32 from vector<1xi32>
        %broadcast_in_dim3A_1331 = vector.broadcast %squeeze3A_1330 : i32 to vector<16xi32>
        %gather3A_1332 = tpu.vector_load_idx %arg12[%iota3A, %broadcast_in_dim3A_1331] : memref<32x128xf32, #tpu.memory_space<vmem>>[vector<16xi32>, vector<16xi32>], vector<16xf32>,
        %add3A_1333 = arith.constant 16 : i32
        %add3A_1334 = vector.broadcast %add3A_1333 : i32 to vector<16xi32>
        %add3A_1335 = arith.addi %iota3A, %add3A_1334 : vector<16xi32>
        %gather3A_1336 = tpu.vector_load_idx %arg12[%add3A_1335, %broadcast_in_dim3A_1331] : memref<32x128xf32, #tpu.memory_space<vmem>>[vector<16xi32>, vector<16xi32>], vector<16xf32>,
        %swap3A_1337 = arith.index_cast %and3A_1322 : i32 to index
        %swap3A_1338 = arith.constant 0 : index
        %swap3A_1339 = tpu.vector_load %arg26[%swap3A_1337, %swap3A_1338] {strides = array<i32>} : memref<128x32xf32, #tpu.memory_space<vmem>>, vector<16xf32>,
        tpu.vector_store %arg26[%swap3A_1337, %swap3A_1338], %gather3A_1332 {strides = array<i32>} : memref<128x32xf32, #tpu.memory_space<vmem>>, vector<16xf32>,
        %swap3A_1340 = arith.index_cast %and3A_1322 : i32 to index
        %swap3A_1341 = arith.constant 16 : index
        %swap3A_1342 = tpu.vector_load %arg26[%swap3A_1340, %swap3A_1341] {strides = array<i32>} : memref<128x32xf32, #tpu.memory_space<vmem>>, vector<16xf32>,
        tpu.vector_store %arg26[%swap3A_1340, %swap3A_1341], %gather3A_1336 {strides = array<i32>} : memref<128x32xf32, #tpu.memory_space<vmem>>, vector<16xf32>,
        %dma_wait3A_1343 = arith.constant 0 : i32
        %dma_wait3A_1344 = arith.constant 0 : i32
        %dma_wait3A_1345 = tpu.memref_slice %arg4[%dma_wait3A_1343, %dma_wait3A_1344] : memref<32x1000000xf32, #tpu.memory_space<hbm>> -> memref<32x128xf32, #tpu.memory_space<hbm>>
        %dma_wait3A_1346 = arith.constant 0 : i32
        %dma_wait3A_1347 = arith.constant 0 : i32
        %dma_wait3A_1348 = tpu.memref_slice %arg4[%dma_wait3A_1346, %dma_wait3A_1347] : memref<32x1000000xf32, #tpu.memory_space<hbm>> -> memref<32x128xf32, #tpu.memory_space<hbm>>
        tpu.wait_dma2 semaphore(%arg31 : memref<!tpu.dma_semaphore, #tpu.memory_space<semaphore_mem>>) src(%dma_wait3A_1348 : memref<32x128xf32, #tpu.memory_space<hbm>>) dst(%arg13 : memref<32x128xf32, #tpu.memory_space<vmem>>)
        %slice3A_1349 = vector.extract_strided_slice %and3A_1266 {offsets = [9], sizes = [1], strides = [1]} : vector<16xi32> to vector<1xi32>
        %squeeze3A_1350 = vector.extract %slice3A_1349[0] : i32 from vector<1xi32>
        %broadcast_in_dim3A_1351 = vector.broadcast %squeeze3A_1350 : i32 to vector<16xi32>
        %gather3A_1352 = tpu.vector_load_idx %arg13[%iota3A, %broadcast_in_dim3A_1351] : memref<32x128xf32, #tpu.memory_space<vmem>>[vector<16xi32>, vector<16xi32>], vector<16xf32>,
        %add3A_1353 = arith.constant 16 : i32
        %add3A_1354 = vector.broadcast %add3A_1353 : i32 to vector<16xi32>
        %add3A_1355 = arith.addi %iota3A, %add3A_1354 : vector<16xi32>
        %gather3A_1356 = tpu.vector_load_idx %arg13[%add3A_1355, %broadcast_in_dim3A_1351] : memref<32x128xf32, #tpu.memory_space<vmem>>[vector<16xi32>, vector<16xi32>], vector<16xf32>,
        %swap3A_1357 = arith.index_cast %and3A_1322 : i32 to index
        %swap3A_1358 = arith.constant 0 : index
        %swap3A_1359 = tpu.vector_load %arg27[%swap3A_1357, %swap3A_1358] {strides = array<i32>} : memref<128x32xf32, #tpu.memory_space<vmem>>, vector<16xf32>,
        tpu.vector_store %arg27[%swap3A_1357, %swap3A_1358], %gather3A_1352 {strides = array<i32>} : memref<128x32xf32, #tpu.memory_space<vmem>>, vector<16xf32>,
        %swap3A_1360 = arith.index_cast %and3A_1322 : i32 to index
        %swap3A_1361 = arith.constant 16 : index
        %swap3A_1362 = tpu.vector_load %arg27[%swap3A_1360, %swap3A_1361] {strides = array<i32>} : memref<128x32xf32, #tpu.memory_space<vmem>>, vector<16xf32>,
        tpu.vector_store %arg27[%swap3A_1360, %swap3A_1361], %gather3A_1356 {strides = array<i32>} : memref<128x32xf32, #tpu.memory_space<vmem>>, vector<16xf32>,
        %mul3A_1363 = arith.constant 4 : i32
        %mul3A_1364 = arith.muli %sub3A_1270, %mul3A_1363 : i32
        %add3A_1365 = arith.constant 2 : i32
        %add3A_1366 = arith.addi %mul3A_1364, %add3A_1365 : i32
        %and3A_1367 = arith.constant 127 : i32
        %and3A_1368 = arith.andi %add3A_1366, %and3A_1367 : i32
        %dma_wait3A_1369 = arith.constant 0 : i32
        %dma_wait3A_1370 = arith.constant 0 : i32
        %dma_wait3A_1371 = tpu.memref_slice %arg4[%dma_wait3A_1369, %dma_wait3A_1370] : memref<32x1000000xf32, #tpu.memory_space<hbm>> -> memref<32x128xf32, #tpu.memory_space<hbm>>
        %dma_wait3A_1372 = arith.constant 0 : i32
        %dma_wait3A_1373 = arith.constant 0 : i32
        %dma_wait3A_1374 = tpu.memref_slice %arg4[%dma_wait3A_1372, %dma_wait3A_1373] : memref<32x1000000xf32, #tpu.memory_space<hbm>> -> memref<32x128xf32, #tpu.memory_space<hbm>>
        tpu.wait_dma2 semaphore(%arg32 : memref<!tpu.dma_semaphore, #tpu.memory_space<semaphore_mem>>) src(%dma_wait3A_1374 : memref<32x128xf32, #tpu.memory_space<hbm>>) dst(%arg14 : memref<32x128xf32, #tpu.memory_space<vmem>>)
        %slice3A_1375 = vector.extract_strided_slice %and3A_1260 {offsets = [10], sizes = [1], strides = [1]} : vector<16xi32> to vector<1xi32>
        %squeeze3A_1376 = vector.extract %slice3A_1375[0] : i32 from vector<1xi32>
        %broadcast_in_dim3A_1377 = vector.broadcast %squeeze3A_1376 : i32 to vector<16xi32>
        %gather3A_1378 = tpu.vector_load_idx %arg14[%iota3A, %broadcast_in_dim3A_1377] : memref<32x128xf32, #tpu.memory_space<vmem>>[vector<16xi32>, vector<16xi32>], vector<16xf32>,
        %add3A_1379 = arith.constant 16 : i32
        %add3A_1380 = vector.broadcast %add3A_1379 : i32 to vector<16xi32>
        %add3A_1381 = arith.addi %iota3A, %add3A_1380 : vector<16xi32>
        %gather3A_1382 = tpu.vector_load_idx %arg14[%add3A_1381, %broadcast_in_dim3A_1377] : memref<32x128xf32, #tpu.memory_space<vmem>>[vector<16xi32>, vector<16xi32>], vector<16xf32>,
        %swap3A_1383 = arith.index_cast %and3A_1368 : i32 to index
        %swap3A_1384 = arith.constant 0 : index
        %swap3A_1385 = tpu.vector_load %arg26[%swap3A_1383, %swap3A_1384] {strides = array<i32>} : memref<128x32xf32, #tpu.memory_space<vmem>>, vector<16xf32>,
        tpu.vector_store %arg26[%swap3A_1383, %swap3A_1384], %gather3A_1378 {strides = array<i32>} : memref<128x32xf32, #tpu.memory_space<vmem>>, vector<16xf32>,
        %swap3A_1386 = arith.index_cast %and3A_1368 : i32 to index
        %swap3A_1387 = arith.constant 16 : index
        %swap3A_1388 = tpu.vector_load %arg26[%swap3A_1386, %swap3A_1387] {strides = array<i32>} : memref<128x32xf32, #tpu.memory_space<vmem>>, vector<16xf32>,
        tpu.vector_store %arg26[%swap3A_1386, %swap3A_1387], %gather3A_1382 {strides = array<i32>} : memref<128x32xf32, #tpu.memory_space<vmem>>, vector<16xf32>,
        %dma_wait3A_1389 = arith.constant 0 : i32
        %dma_wait3A_1390 = arith.constant 0 : i32
        %dma_wait3A_1391 = tpu.memref_slice %arg4[%dma_wait3A_1389, %dma_wait3A_1390] : memref<32x1000000xf32, #tpu.memory_space<hbm>> -> memref<32x128xf32, #tpu.memory_space<hbm>>
        %dma_wait3A_1392 = arith.constant 0 : i32
        %dma_wait3A_1393 = arith.constant 0 : i32
        %dma_wait3A_1394 = tpu.memref_slice %arg4[%dma_wait3A_1392, %dma_wait3A_1393] : memref<32x1000000xf32, #tpu.memory_space<hbm>> -> memref<32x128xf32, #tpu.memory_space<hbm>>
        tpu.wait_dma2 semaphore(%arg33 : memref<!tpu.dma_semaphore, #tpu.memory_space<semaphore_mem>>) src(%dma_wait3A_1394 : memref<32x128xf32, #tpu.memory_space<hbm>>) dst(%arg15 : memref<32x128xf32, #tpu.memory_space<vmem>>)
        %slice3A_1395 = vector.extract_strided_slice %and3A_1266 {offsets = [10], sizes = [1], strides = [1]} : vector<16xi32> to vector<1xi32>
        %squeeze3A_1396 = vector.extract %slice3A_1395[0] : i32 from vector<1xi32>
        %broadcast_in_dim3A_1397 = vector.broadcast %squeeze3A_1396 : i32 to vector<16xi32>
        %gather3A_1398 = tpu.vector_load_idx %arg15[%iota3A, %broadcast_in_dim3A_1397] : memref<32x128xf32, #tpu.memory_space<vmem>>[vector<16xi32>, vector<16xi32>], vector<16xf32>,
        %add3A_1399 = arith.constant 16 : i32
        %add3A_1400 = vector.broadcast %add3A_1399 : i32 to vector<16xi32>
        %add3A_1401 = arith.addi %iota3A, %add3A_1400 : vector<16xi32>
        %gather3A_1402 = tpu.vector_load_idx %arg15[%add3A_1401, %broadcast_in_dim3A_1397] : memref<32x128xf32, #tpu.memory_space<vmem>>[vector<16xi32>, vector<16xi32>], vector<16xf32>,
        %swap3A_1403 = arith.index_cast %and3A_1368 : i32 to index
        %swap3A_1404 = arith.constant 0 : index
        %swap3A_1405 = tpu.vector_load %arg27[%swap3A_1403, %swap3A_1404] {strides = array<i32>} : memref<128x32xf32, #tpu.memory_space<vmem>>, vector<16xf32>,
        tpu.vector_store %arg27[%swap3A_1403, %swap3A_1404], %gather3A_1398 {strides = array<i32>} : memref<128x32xf32, #tpu.memory_space<vmem>>, vector<16xf32>,
        %swap3A_1406 = arith.index_cast %and3A_1368 : i32 to index
        %swap3A_1407 = arith.constant 16 : index
        %swap3A_1408 = tpu.vector_load %arg27[%swap3A_1406, %swap3A_1407] {strides = array<i32>} : memref<128x32xf32, #tpu.memory_space<vmem>>, vector<16xf32>,
        tpu.vector_store %arg27[%swap3A_1406, %swap3A_1407], %gather3A_1402 {strides = array<i32>} : memref<128x32xf32, #tpu.memory_space<vmem>>, vector<16xf32>,
        %mul3A_1409 = arith.constant 4 : i32
        %mul3A_1410 = arith.muli %sub3A_1270, %mul3A_1409 : i32
        %add3A_1411 = arith.constant 3 : i32
        %add3A_1412 = arith.addi %mul3A_1410, %add3A_1411 : i32
        %and3A_1413 = arith.constant 127 : i32
        %and3A_1414 = arith.andi %add3A_1412, %and3A_1413 : i32
        %dma_wait3A_1415 = arith.constant 0 : i32
        %dma_wait3A_1416 = arith.constant 0 : i32
        %dma_wait3A_1417 = tpu.memref_slice %arg4[%dma_wait3A_1415, %dma_wait3A_1416] : memref<32x1000000xf32, #tpu.memory_space<hbm>> -> memref<32x128xf32, #tpu.memory_space<hbm>>
        %dma_wait3A_1418 = arith.constant 0 : i32
        %dma_wait3A_1419 = arith.constant 0 : i32
        %dma_wait3A_1420 = tpu.memref_slice %arg4[%dma_wait3A_1418, %dma_wait3A_1419] : memref<32x1000000xf32, #tpu.memory_space<hbm>> -> memref<32x128xf32, #tpu.memory_space<hbm>>
        tpu.wait_dma2 semaphore(%arg34 : memref<!tpu.dma_semaphore, #tpu.memory_space<semaphore_mem>>) src(%dma_wait3A_1420 : memref<32x128xf32, #tpu.memory_space<hbm>>) dst(%arg16 : memref<32x128xf32, #tpu.memory_space<vmem>>)
        %slice3A_1421 = vector.extract_strided_slice %and3A_1260 {offsets = [11], sizes = [1], strides = [1]} : vector<16xi32> to vector<1xi32>
        %squeeze3A_1422 = vector.extract %slice3A_1421[0] : i32 from vector<1xi32>
        %broadcast_in_dim3A_1423 = vector.broadcast %squeeze3A_1422 : i32 to vector<16xi32>
        %gather3A_1424 = tpu.vector_load_idx %arg16[%iota3A, %broadcast_in_dim3A_1423] : memref<32x128xf32, #tpu.memory_space<vmem>>[vector<16xi32>, vector<16xi32>], vector<16xf32>,
        %add3A_1425 = arith.constant 16 : i32
        %add3A_1426 = vector.broadcast %add3A_1425 : i32 to vector<16xi32>
        %add3A_1427 = arith.addi %iota3A, %add3A_1426 : vector<16xi32>
        %gather3A_1428 = tpu.vector_load_idx %arg16[%add3A_1427, %broadcast_in_dim3A_1423] : memref<32x128xf32, #tpu.memory_space<vmem>>[vector<16xi32>, vector<16xi32>], vector<16xf32>,
        %swap3A_1429 = arith.index_cast %and3A_1414 : i32 to index
        %swap3A_1430 = arith.constant 0 : index
        %swap3A_1431 = tpu.vector_load %arg26[%swap3A_1429, %swap3A_1430] {strides = array<i32>} : memref<128x32xf32, #tpu.memory_space<vmem>>, vector<16xf32>,
        tpu.vector_store %arg26[%swap3A_1429, %swap3A_1430], %gather3A_1424 {strides = array<i32>} : memref<128x32xf32, #tpu.memory_space<vmem>>, vector<16xf32>,
        %swap3A_1432 = arith.index_cast %and3A_1414 : i32 to index
        %swap3A_1433 = arith.constant 16 : index
        %swap3A_1434 = tpu.vector_load %arg26[%swap3A_1432, %swap3A_1433] {strides = array<i32>} : memref<128x32xf32, #tpu.memory_space<vmem>>, vector<16xf32>,
        tpu.vector_store %arg26[%swap3A_1432, %swap3A_1433], %gather3A_1428 {strides = array<i32>} : memref<128x32xf32, #tpu.memory_space<vmem>>, vector<16xf32>,
        %dma_wait3A_1435 = arith.constant 0 : i32
        %dma_wait3A_1436 = arith.constant 0 : i32
        %dma_wait3A_1437 = tpu.memref_slice %arg4[%dma_wait3A_1435, %dma_wait3A_1436] : memref<32x1000000xf32, #tpu.memory_space<hbm>> -> memref<32x128xf32, #tpu.memory_space<hbm>>
        %dma_wait3A_1438 = arith.constant 0 : i32
        %dma_wait3A_1439 = arith.constant 0 : i32
        %dma_wait3A_1440 = tpu.memref_slice %arg4[%dma_wait3A_1438, %dma_wait3A_1439] : memref<32x1000000xf32, #tpu.memory_space<hbm>> -> memref<32x128xf32, #tpu.memory_space<hbm>>
        tpu.wait_dma2 semaphore(%arg35 : memref<!tpu.dma_semaphore, #tpu.memory_space<semaphore_mem>>) src(%dma_wait3A_1440 : memref<32x128xf32, #tpu.memory_space<hbm>>) dst(%arg17 : memref<32x128xf32, #tpu.memory_space<vmem>>)
        %slice3A_1441 = vector.extract_strided_slice %and3A_1266 {offsets = [11], sizes = [1], strides = [1]} : vector<16xi32> to vector<1xi32>
        %squeeze3A_1442 = vector.extract %slice3A_1441[0] : i32 from vector<1xi32>
        %broadcast_in_dim3A_1443 = vector.broadcast %squeeze3A_1442 : i32 to vector<16xi32>
        %gather3A_1444 = tpu.vector_load_idx %arg17[%iota3A, %broadcast_in_dim3A_1443] : memref<32x128xf32, #tpu.memory_space<vmem>>[vector<16xi32>, vector<16xi32>], vector<16xf32>,
        %add3A_1445 = arith.constant 16 : i32
        %add3A_1446 = vector.broadcast %add3A_1445 : i32 to vector<16xi32>
        %add3A_1447 = arith.addi %iota3A, %add3A_1446 : vector<16xi32>
        %gather3A_1448 = tpu.vector_load_idx %arg17[%add3A_1447, %broadcast_in_dim3A_1443] : memref<32x128xf32, #tpu.memory_space<vmem>>[vector<16xi32>, vector<16xi32>], vector<16xf32>,
        %swap3A_1449 = arith.index_cast %and3A_1414 : i32 to index
        %swap3A_1450 = arith.constant 0 : index
        %swap3A_1451 = tpu.vector_load %arg27[%swap3A_1449, %swap3A_1450] {strides = array<i32>} : memref<128x32xf32, #tpu.memory_space<vmem>>, vector<16xf32>,
        tpu.vector_store %arg27[%swap3A_1449, %swap3A_1450], %gather3A_1444 {strides = array<i32>} : memref<128x32xf32, #tpu.memory_space<vmem>>, vector<16xf32>,
        %swap3A_1452 = arith.index_cast %and3A_1414 : i32 to index
        %swap3A_1453 = arith.constant 16 : index
        %swap3A_1454 = tpu.vector_load %arg27[%swap3A_1452, %swap3A_1453] {strides = array<i32>} : memref<128x32xf32, #tpu.memory_space<vmem>>, vector<16xf32>,
        tpu.vector_store %arg27[%swap3A_1452, %swap3A_1453], %gather3A_1448 {strides = array<i32>} : memref<128x32xf32, #tpu.memory_space<vmem>>, vector<16xf32>,
      } else {
      }
      %slice3A_455 = vector.extract_strided_slice %shift_right_arithmetic3A_443 {offsets = [0], sizes = [1], strides = [1]} : vector<16xi32> to vector<1xi32>
      %squeeze3A_456 = vector.extract %slice3A_455[0] : i32 from vector<1xi32>
      %ge3A = arith.constant 7812 : i32
      %ge3A_457 = arith.cmpi sge, %squeeze3A_456, %ge3A : i32
      %mul3A_458 = arith.constant 128 : i32
      %mul3A_459 = arith.muli %squeeze3A_456, %mul3A_458 : i32
      %jit3A = arith.constant 0 : i32
      %select_n3A = arith.select %ge3A_457, %jit3A, %mul3A_459 : i32
      %multiple_of3A = tpu.assume_multiple %select_n3A, 128 : i32
      %dma_start3A_460 = arith.constant 0 : i32
      %dma_start3A_461 = tpu.memref_slice %arg4[%dma_start3A_460, %multiple_of3A] : memref<32x1000000xf32, #tpu.memory_space<hbm>> -> memref<32x128xf32, #tpu.memory_space<hbm>>
      %dma_start3A_462 = arith.constant 0 : i32
      %dma_start3A_463 = tpu.memref_slice %arg4[%dma_start3A_462, %multiple_of3A] : memref<32x1000000xf32, #tpu.memory_space<hbm>> -> memref<32x128xf32, #tpu.memory_space<hbm>>
      tpu.enqueue_dma source(%dma_start3A_463 : memref<32x128xf32, #tpu.memory_space<hbm>>) target(%arg10 : memref<32x128xf32, #tpu.memory_space<vmem>>) target_semaphore(%arg28 : memref<!tpu.dma_semaphore, #tpu.memory_space<semaphore_mem>>)
      %slice3A_464 = vector.extract_strided_slice %shift_right_arithmetic3A_449 {offsets = [0], sizes = [1], strides = [1]} : vector<16xi32> to vector<1xi32>
      %squeeze3A_465 = vector.extract %slice3A_464[0] : i32 from vector<1xi32>
      %ge3A_466 = arith.constant 7812 : i32
      %ge3A_467 = arith.cmpi sge, %squeeze3A_465, %ge3A_466 : i32
      %mul3A_468 = arith.constant 128 : i32
      %mul3A_469 = arith.muli %squeeze3A_465, %mul3A_468 : i32
      %jit3A_470 = arith.constant 0 : i32
      %select_n3A_471 = arith.select %ge3A_467, %jit3A_470, %mul3A_469 : i32
      %multiple_of3A_472 = tpu.assume_multiple %select_n3A_471, 128 : i32
      %dma_start3A_473 = arith.constant 0 : i32
      %dma_start3A_474 = tpu.memref_slice %arg5[%dma_start3A_473, %multiple_of3A_472] : memref<32x1000000xf32, #tpu.memory_space<hbm>> -> memref<32x128xf32, #tpu.memory_space<hbm>>
      %dma_start3A_475 = arith.constant 0 : i32
      %dma_start3A_476 = tpu.memref_slice %arg5[%dma_start3A_475, %multiple_of3A_472] : memref<32x1000000xf32, #tpu.memory_space<hbm>> -> memref<32x128xf32, #tpu.memory_space<hbm>>
      tpu.enqueue_dma source(%dma_start3A_476 : memref<32x128xf32, #tpu.memory_space<hbm>>) target(%arg11 : memref<32x128xf32, #tpu.memory_space<vmem>>) target_semaphore(%arg29 : memref<!tpu.dma_semaphore, #tpu.memory_space<semaphore_mem>>)
      %slice3A_477 = vector.extract_strided_slice %shift_right_arithmetic3A_443 {offsets = [1], sizes = [1], strides = [1]} : vector<16xi32> to vector<1xi32>
      %squeeze3A_478 = vector.extract %slice3A_477[0] : i32 from vector<1xi32>
      %ge3A_479 = arith.constant 7812 : i32
      %ge3A_480 = arith.cmpi sge, %squeeze3A_478, %ge3A_479 : i32
      %mul3A_481 = arith.constant 128 : i32
      %mul3A_482 = arith.muli %squeeze3A_478, %mul3A_481 : i32
      %jit3A_483 = arith.constant 0 : i32
      %select_n3A_484 = arith.select %ge3A_480, %jit3A_483, %mul3A_482 : i32
      %multiple_of3A_485 = tpu.assume_multiple %select_n3A_484, 128 : i32
      %dma_start3A_486 = arith.constant 0 : i32
      %dma_start3A_487 = tpu.memref_slice %arg4[%dma_start3A_486, %multiple_of3A_485] : memref<32x1000000xf32, #tpu.memory_space<hbm>> -> memref<32x128xf32, #tpu.memory_space<hbm>>
      %dma_start3A_488 = arith.constant 0 : i32
      %dma_start3A_489 = tpu.memref_slice %arg4[%dma_start3A_488, %multiple_of3A_485] : memref<32x1000000xf32, #tpu.memory_space<hbm>> -> memref<32x128xf32, #tpu.memory_space<hbm>>
      tpu.enqueue_dma source(%dma_start3A_489 : memref<32x128xf32, #tpu.memory_space<hbm>>) target(%arg12 : memref<32x128xf32, #tpu.memory_space<vmem>>) target_semaphore(%arg30 : memref<!tpu.dma_semaphore, #tpu.memory_space<semaphore_mem>>)
      %slice3A_490 = vector.extract_strided_slice %shift_right_arithmetic3A_449 {offsets = [1], sizes = [1], strides = [1]} : vector<16xi32> to vector<1xi32>
      %squeeze3A_491 = vector.extract %slice3A_490[0] : i32 from vector<1xi32>
      %ge3A_492 = arith.constant 7812 : i32
      %ge3A_493 = arith.cmpi sge, %squeeze3A_491, %ge3A_492 : i32
      %mul3A_494 = arith.constant 128 : i32
      %mul3A_495 = arith.muli %squeeze3A_491, %mul3A_494 : i32
      %jit3A_496 = arith.constant 0 : i32
      %select_n3A_497 = arith.select %ge3A_493, %jit3A_496, %mul3A_495 : i32
      %multiple_of3A_498 = tpu.assume_multiple %select_n3A_497, 128 : i32
      %dma_start3A_499 = arith.constant 0 : i32
      %dma_start3A_500 = tpu.memref_slice %arg5[%dma_start3A_499, %multiple_of3A_498] : memref<32x1000000xf32, #tpu.memory_space<hbm>> -> memref<32x128xf32, #tpu.memory_space<hbm>>
      %dma_start3A_501 = arith.constant 0 : i32
      %dma_start3A_502 = tpu.memref_slice %arg5[%dma_start3A_501, %multiple_of3A_498] : memref<32x1000000xf32, #tpu.memory_space<hbm>> -> memref<32x128xf32, #tpu.memory_space<hbm>>
      tpu.enqueue_dma source(%dma_start3A_502 : memref<32x128xf32, #tpu.memory_space<hbm>>) target(%arg13 : memref<32x128xf32, #tpu.memory_space<vmem>>) target_semaphore(%arg31 : memref<!tpu.dma_semaphore, #tpu.memory_space<semaphore_mem>>)
      %slice3A_503 = vector.extract_strided_slice %shift_right_arithmetic3A_443 {offsets = [2], sizes = [1], strides = [1]} : vector<16xi32> to vector<1xi32>
      %squeeze3A_504 = vector.extract %slice3A_503[0] : i32 from vector<1xi32>
      %ge3A_505 = arith.constant 7812 : i32
      %ge3A_506 = arith.cmpi sge, %squeeze3A_504, %ge3A_505 : i32
      %mul3A_507 = arith.constant 128 : i32
      %mul3A_508 = arith.muli %squeeze3A_504, %mul3A_507 : i32
      %jit3A_509 = arith.constant 0 : i32
      %select_n3A_510 = arith.select %ge3A_506, %jit3A_509, %mul3A_508 : i32
      %multiple_of3A_511 = tpu.assume_multiple %select_n3A_510, 128 : i32
      %dma_start3A_512 = arith.constant 0 : i32
      %dma_start3A_513 = tpu.memref_slice %arg4[%dma_start3A_512, %multiple_of3A_511] : memref<32x1000000xf32, #tpu.memory_space<hbm>> -> memref<32x128xf32, #tpu.memory_space<hbm>>
      %dma_start3A_514 = arith.constant 0 : i32
      %dma_start3A_515 = tpu.memref_slice %arg4[%dma_start3A_514, %multiple_of3A_511] : memref<32x1000000xf32, #tpu.memory_space<hbm>> -> memref<32x128xf32, #tpu.memory_space<hbm>>
      tpu.enqueue_dma source(%dma_start3A_515 : memref<32x128xf32, #tpu.memory_space<hbm>>) target(%arg14 : memref<32x128xf32, #tpu.memory_space<vmem>>) target_semaphore(%arg32 : memref<!tpu.dma_semaphore, #tpu.memory_space<semaphore_mem>>)
      %slice3A_516 = vector.extract_strided_slice %shift_right_arithmetic3A_449 {offsets = [2], sizes = [1], strides = [1]} : vector<16xi32> to vector<1xi32>
      %squeeze3A_517 = vector.extract %slice3A_516[0] : i32 from vector<1xi32>
      %ge3A_518 = arith.constant 7812 : i32
      %ge3A_519 = arith.cmpi sge, %squeeze3A_517, %ge3A_518 : i32
      %mul3A_520 = arith.constant 128 : i32
      %mul3A_521 = arith.muli %squeeze3A_517, %mul3A_520 : i32
      %jit3A_522 = arith.constant 0 : i32
      %select_n3A_523 = arith.select %ge3A_519, %jit3A_522, %mul3A_521 : i32
      %multiple_of3A_524 = tpu.assume_multiple %select_n3A_523, 128 : i32
      %dma_start3A_525 = arith.constant 0 : i32
      %dma_start3A_526 = tpu.memref_slice %arg5[%dma_start3A_525, %multiple_of3A_524] : memref<32x1000000xf32, #tpu.memory_space<hbm>> -> memref<32x128xf32, #tpu.memory_space<hbm>>
      %dma_start3A_527 = arith.constant 0 : i32
      %dma_start3A_528 = tpu.memref_slice %arg5[%dma_start3A_527, %multiple_of3A_524] : memref<32x1000000xf32, #tpu.memory_space<hbm>> -> memref<32x128xf32, #tpu.memory_space<hbm>>
      tpu.enqueue_dma source(%dma_start3A_528 : memref<32x128xf32, #tpu.memory_space<hbm>>) target(%arg15 : memref<32x128xf32, #tpu.memory_space<vmem>>) target_semaphore(%arg33 : memref<!tpu.dma_semaphore, #tpu.memory_space<semaphore_mem>>)
      %slice3A_529 = vector.extract_strided_slice %shift_right_arithmetic3A_443 {offsets = [3], sizes = [1], strides = [1]} : vector<16xi32> to vector<1xi32>
      %squeeze3A_530 = vector.extract %slice3A_529[0] : i32 from vector<1xi32>
      %ge3A_531 = arith.constant 7812 : i32
      %ge3A_532 = arith.cmpi sge, %squeeze3A_530, %ge3A_531 : i32
      %mul3A_533 = arith.constant 128 : i32
      %mul3A_534 = arith.muli %squeeze3A_530, %mul3A_533 : i32
      %jit3A_535 = arith.constant 0 : i32
      %select_n3A_536 = arith.select %ge3A_532, %jit3A_535, %mul3A_534 : i32
      %multiple_of3A_537 = tpu.assume_multiple %select_n3A_536, 128 : i32
      %dma_start3A_538 = arith.constant 0 : i32
      %dma_start3A_539 = tpu.memref_slice %arg4[%dma_start3A_538, %multiple_of3A_537] : memref<32x1000000xf32, #tpu.memory_space<hbm>> -> memref<32x128xf32, #tpu.memory_space<hbm>>
      %dma_start3A_540 = arith.constant 0 : i32
      %dma_start3A_541 = tpu.memref_slice %arg4[%dma_start3A_540, %multiple_of3A_537] : memref<32x1000000xf32, #tpu.memory_space<hbm>> -> memref<32x128xf32, #tpu.memory_space<hbm>>
      tpu.enqueue_dma source(%dma_start3A_541 : memref<32x128xf32, #tpu.memory_space<hbm>>) target(%arg16 : memref<32x128xf32, #tpu.memory_space<vmem>>) target_semaphore(%arg34 : memref<!tpu.dma_semaphore, #tpu.memory_space<semaphore_mem>>)
      %slice3A_542 = vector.extract_strided_slice %shift_right_arithmetic3A_449 {offsets = [3], sizes = [1], strides = [1]} : vector<16xi32> to vector<1xi32>
      %squeeze3A_543 = vector.extract %slice3A_542[0] : i32 from vector<1xi32>
      %ge3A_544 = arith.constant 7812 : i32
      %ge3A_545 = arith.cmpi sge, %squeeze3A_543, %ge3A_544 : i32
      %mul3A_546 = arith.constant 128 : i32
      %mul3A_547 = arith.muli %squeeze3A_543, %mul3A_546 : i32
      %jit3A_548 = arith.constant 0 : i32
      %select_n3A_549 = arith.select %ge3A_545, %jit3A_548, %mul3A_547 : i32
      %multiple_of3A_550 = tpu.assume_multiple %select_n3A_549, 128 : i32
      %dma_start3A_551 = arith.constant 0 : i32
      %dma_start3A_552 = tpu.memref_slice %arg5[%dma_start3A_551, %multiple_of3A_550] : memref<32x1000000xf32, #tpu.memory_space<hbm>> -> memref<32x128xf32, #tpu.memory_space<hbm>>
      %dma_start3A_553 = arith.constant 0 : i32
      %dma_start3A_554 = tpu.memref_slice %arg5[%dma_start3A_553, %multiple_of3A_550] : memref<32x1000000xf32, #tpu.memory_space<hbm>> -> memref<32x128xf32, #tpu.memory_space<hbm>>
      tpu.enqueue_dma source(%dma_start3A_554 : memref<32x128xf32, #tpu.memory_space<hbm>>) target(%arg17 : memref<32x128xf32, #tpu.memory_space<vmem>>) target_semaphore(%arg35 : memref<!tpu.dma_semaphore, #tpu.memory_space<semaphore_mem>>)
      %gt3A_555 = arith.constant 0 : i32
      %gt3A_556 = arith.cmpi sgt, %add3A_432, %gt3A_555 : i32
      %convert_element_type3A_557 = arith.extui %gt3A_556 : i1 to i32
      %cond3A_558 = arith.constant 0 : i32
      %cond3A_559 = arith.cmpi ne, %convert_element_type3A_557, %cond3A_558 : i32
      scf.if %cond3A_559 {
        %sub3A = arith.constant 1 : i32
        %sub3A_1246 = arith.subi %add3A_432, %sub3A : i32
        %mul3A_1247 = arith.constant 16 : i32
        %mul3A_1248 = arith.muli %sub3A_1246, %mul3A_1247 : i32
        %get3A_1249 = arith.index_cast %mul3A_1248 : i32 to index
        %get3A_1250 = tpu.vector_load %arg8[%get3A_1249] {strides = array<i32>} : memref<512xi32, #tpu.memory_space<vmem>>, vector<16xi32>,
        %mul3A_1251 = arith.constant 16 : i32
        %mul3A_1252 = arith.muli %sub3A_1246, %mul3A_1251 : i32
        %get3A_1253 = arith.index_cast %mul3A_1252 : i32 to index
        %get3A_1254 = tpu.vector_load %arg9[%get3A_1253] {strides = array<i32>} : memref<512xi32, #tpu.memory_space<vmem>>, vector<16xi32>,
        %shift_right_arithmetic3A_1255 = arith.constant 7 : i32
        %shift_right_arithmetic3A_1256 = vector.broadcast %shift_right_arithmetic3A_1255 : i32 to vector<16xi32>
        %shift_right_arithmetic3A_1257 = arith.shrsi %get3A_1250, %shift_right_arithmetic3A_1256 : vector<16xi32>
        %and3A_1258 = arith.constant 127 : i32
        %and3A_1259 = vector.broadcast %and3A_1258 : i32 to vector<16xi32>
        %and3A_1260 = arith.andi %get3A_1250, %and3A_1259 : vector<16xi32>
        %shift_right_arithmetic3A_1261 = arith.constant 7 : i32
        %shift_right_arithmetic3A_1262 = vector.broadcast %shift_right_arithmetic3A_1261 : i32 to vector<16xi32>
        %shift_right_arithmetic3A_1263 = arith.shrsi %get3A_1254, %shift_right_arithmetic3A_1262 : vector<16xi32>
        %and3A_1264 = arith.constant 127 : i32
        %and3A_1265 = vector.broadcast %and3A_1264 : i32 to vector<16xi32>
        %and3A_1266 = arith.andi %get3A_1254, %and3A_1265 : vector<16xi32>
        %mul3A_1267 = arith.constant 4 : i32
        %mul3A_1268 = arith.muli %mul3A_1267, %add3A_432 : i32
        %sub3A_1269 = arith.constant 1 : i32
        %sub3A_1270 = arith.subi %mul3A_1268, %sub3A_1269 : i32
        %mul3A_1271 = arith.constant 4 : i32
        %mul3A_1272 = arith.muli %sub3A_1270, %mul3A_1271 : i32
        %add3A_1273 = arith.constant 0 : i32
        %add3A_1274 = arith.addi %mul3A_1272, %add3A_1273 : i32
        %and3A_1275 = arith.constant 127 : i32
        %and3A_1276 = arith.andi %add3A_1274, %and3A_1275 : i32
        %dma_wait3A_1277 = arith.constant 0 : i32
        %dma_wait3A_1278 = arith.constant 0 : i32
        %dma_wait3A_1279 = tpu.memref_slice %arg4[%dma_wait3A_1277, %dma_wait3A_1278] : memref<32x1000000xf32, #tpu.memory_space<hbm>> -> memref<32x128xf32, #tpu.memory_space<hbm>>
        %dma_wait3A_1280 = arith.constant 0 : i32
        %dma_wait3A_1281 = arith.constant 0 : i32
        %dma_wait3A_1282 = tpu.memref_slice %arg4[%dma_wait3A_1280, %dma_wait3A_1281] : memref<32x1000000xf32, #tpu.memory_space<hbm>> -> memref<32x128xf32, #tpu.memory_space<hbm>>
        tpu.wait_dma2 semaphore(%arg36 : memref<!tpu.dma_semaphore, #tpu.memory_space<semaphore_mem>>) src(%dma_wait3A_1282 : memref<32x128xf32, #tpu.memory_space<hbm>>) dst(%arg18 : memref<32x128xf32, #tpu.memory_space<vmem>>)
        %slice3A_1283 = vector.extract_strided_slice %and3A_1260 {offsets = [12], sizes = [1], strides = [1]} : vector<16xi32> to vector<1xi32>
        %squeeze3A_1284 = vector.extract %slice3A_1283[0] : i32 from vector<1xi32>
        %broadcast_in_dim3A_1285 = vector.broadcast %squeeze3A_1284 : i32 to vector<16xi32>
        %gather3A_1286 = tpu.vector_load_idx %arg18[%iota3A, %broadcast_in_dim3A_1285] : memref<32x128xf32, #tpu.memory_space<vmem>>[vector<16xi32>, vector<16xi32>], vector<16xf32>,
        %add3A_1287 = arith.constant 16 : i32
        %add3A_1288 = vector.broadcast %add3A_1287 : i32 to vector<16xi32>
        %add3A_1289 = arith.addi %iota3A, %add3A_1288 : vector<16xi32>
        %gather3A_1290 = tpu.vector_load_idx %arg18[%add3A_1289, %broadcast_in_dim3A_1285] : memref<32x128xf32, #tpu.memory_space<vmem>>[vector<16xi32>, vector<16xi32>], vector<16xf32>,
        %swap3A_1291 = arith.index_cast %and3A_1276 : i32 to index
        %swap3A_1292 = arith.constant 0 : index
        %swap3A_1293 = tpu.vector_load %arg26[%swap3A_1291, %swap3A_1292] {strides = array<i32>} : memref<128x32xf32, #tpu.memory_space<vmem>>, vector<16xf32>,
        tpu.vector_store %arg26[%swap3A_1291, %swap3A_1292], %gather3A_1286 {strides = array<i32>} : memref<128x32xf32, #tpu.memory_space<vmem>>, vector<16xf32>,
        %swap3A_1294 = arith.index_cast %and3A_1276 : i32 to index
        %swap3A_1295 = arith.constant 16 : index
        %swap3A_1296 = tpu.vector_load %arg26[%swap3A_1294, %swap3A_1295] {strides = array<i32>} : memref<128x32xf32, #tpu.memory_space<vmem>>, vector<16xf32>,
        tpu.vector_store %arg26[%swap3A_1294, %swap3A_1295], %gather3A_1290 {strides = array<i32>} : memref<128x32xf32, #tpu.memory_space<vmem>>, vector<16xf32>,
        %dma_wait3A_1297 = arith.constant 0 : i32
        %dma_wait3A_1298 = arith.constant 0 : i32
        %dma_wait3A_1299 = tpu.memref_slice %arg4[%dma_wait3A_1297, %dma_wait3A_1298] : memref<32x1000000xf32, #tpu.memory_space<hbm>> -> memref<32x128xf32, #tpu.memory_space<hbm>>
        %dma_wait3A_1300 = arith.constant 0 : i32
        %dma_wait3A_1301 = arith.constant 0 : i32
        %dma_wait3A_1302 = tpu.memref_slice %arg4[%dma_wait3A_1300, %dma_wait3A_1301] : memref<32x1000000xf32, #tpu.memory_space<hbm>> -> memref<32x128xf32, #tpu.memory_space<hbm>>
        tpu.wait_dma2 semaphore(%arg37 : memref<!tpu.dma_semaphore, #tpu.memory_space<semaphore_mem>>) src(%dma_wait3A_1302 : memref<32x128xf32, #tpu.memory_space<hbm>>) dst(%arg19 : memref<32x128xf32, #tpu.memory_space<vmem>>)
        %slice3A_1303 = vector.extract_strided_slice %and3A_1266 {offsets = [12], sizes = [1], strides = [1]} : vector<16xi32> to vector<1xi32>
        %squeeze3A_1304 = vector.extract %slice3A_1303[0] : i32 from vector<1xi32>
        %broadcast_in_dim3A_1305 = vector.broadcast %squeeze3A_1304 : i32 to vector<16xi32>
        %gather3A_1306 = tpu.vector_load_idx %arg19[%iota3A, %broadcast_in_dim3A_1305] : memref<32x128xf32, #tpu.memory_space<vmem>>[vector<16xi32>, vector<16xi32>], vector<16xf32>,
        %add3A_1307 = arith.constant 16 : i32
        %add3A_1308 = vector.broadcast %add3A_1307 : i32 to vector<16xi32>
        %add3A_1309 = arith.addi %iota3A, %add3A_1308 : vector<16xi32>
        %gather3A_1310 = tpu.vector_load_idx %arg19[%add3A_1309, %broadcast_in_dim3A_1305] : memref<32x128xf32, #tpu.memory_space<vmem>>[vector<16xi32>, vector<16xi32>], vector<16xf32>,
        %swap3A_1311 = arith.index_cast %and3A_1276 : i32 to index
        %swap3A_1312 = arith.constant 0 : index
        %swap3A_1313 = tpu.vector_load %arg27[%swap3A_1311, %swap3A_1312] {strides = array<i32>} : memref<128x32xf32, #tpu.memory_space<vmem>>, vector<16xf32>,
        tpu.vector_store %arg27[%swap3A_1311, %swap3A_1312], %gather3A_1306 {strides = array<i32>} : memref<128x32xf32, #tpu.memory_space<vmem>>, vector<16xf32>,
        %swap3A_1314 = arith.index_cast %and3A_1276 : i32 to index
        %swap3A_1315 = arith.constant 16 : index
        %swap3A_1316 = tpu.vector_load %arg27[%swap3A_1314, %swap3A_1315] {strides = array<i32>} : memref<128x32xf32, #tpu.memory_space<vmem>>, vector<16xf32>,
        tpu.vector_store %arg27[%swap3A_1314, %swap3A_1315], %gather3A_1310 {strides = array<i32>} : memref<128x32xf32, #tpu.memory_space<vmem>>, vector<16xf32>,
        %mul3A_1317 = arith.constant 4 : i32
        %mul3A_1318 = arith.muli %sub3A_1270, %mul3A_1317 : i32
        %add3A_1319 = arith.constant 1 : i32
        %add3A_1320 = arith.addi %mul3A_1318, %add3A_1319 : i32
        %and3A_1321 = arith.constant 127 : i32
        %and3A_1322 = arith.andi %add3A_1320, %and3A_1321 : i32
        %dma_wait3A_1323 = arith.constant 0 : i32
        %dma_wait3A_1324 = arith.constant 0 : i32
        %dma_wait3A_1325 = tpu.memref_slice %arg4[%dma_wait3A_1323, %dma_wait3A_1324] : memref<32x1000000xf32, #tpu.memory_space<hbm>> -> memref<32x128xf32, #tpu.memory_space<hbm>>
        %dma_wait3A_1326 = arith.constant 0 : i32
        %dma_wait3A_1327 = arith.constant 0 : i32
        %dma_wait3A_1328 = tpu.memref_slice %arg4[%dma_wait3A_1326, %dma_wait3A_1327] : memref<32x1000000xf32, #tpu.memory_space<hbm>> -> memref<32x128xf32, #tpu.memory_space<hbm>>
        tpu.wait_dma2 semaphore(%arg38 : memref<!tpu.dma_semaphore, #tpu.memory_space<semaphore_mem>>) src(%dma_wait3A_1328 : memref<32x128xf32, #tpu.memory_space<hbm>>) dst(%arg20 : memref<32x128xf32, #tpu.memory_space<vmem>>)
        %slice3A_1329 = vector.extract_strided_slice %and3A_1260 {offsets = [13], sizes = [1], strides = [1]} : vector<16xi32> to vector<1xi32>
        %squeeze3A_1330 = vector.extract %slice3A_1329[0] : i32 from vector<1xi32>
        %broadcast_in_dim3A_1331 = vector.broadcast %squeeze3A_1330 : i32 to vector<16xi32>
        %gather3A_1332 = tpu.vector_load_idx %arg20[%iota3A, %broadcast_in_dim3A_1331] : memref<32x128xf32, #tpu.memory_space<vmem>>[vector<16xi32>, vector<16xi32>], vector<16xf32>,
        %add3A_1333 = arith.constant 16 : i32
        %add3A_1334 = vector.broadcast %add3A_1333 : i32 to vector<16xi32>
        %add3A_1335 = arith.addi %iota3A, %add3A_1334 : vector<16xi32>
        %gather3A_1336 = tpu.vector_load_idx %arg20[%add3A_1335, %broadcast_in_dim3A_1331] : memref<32x128xf32, #tpu.memory_space<vmem>>[vector<16xi32>, vector<16xi32>], vector<16xf32>,
        %swap3A_1337 = arith.index_cast %and3A_1322 : i32 to index
        %swap3A_1338 = arith.constant 0 : index
        %swap3A_1339 = tpu.vector_load %arg26[%swap3A_1337, %swap3A_1338] {strides = array<i32>} : memref<128x32xf32, #tpu.memory_space<vmem>>, vector<16xf32>,
        tpu.vector_store %arg26[%swap3A_1337, %swap3A_1338], %gather3A_1332 {strides = array<i32>} : memref<128x32xf32, #tpu.memory_space<vmem>>, vector<16xf32>,
        %swap3A_1340 = arith.index_cast %and3A_1322 : i32 to index
        %swap3A_1341 = arith.constant 16 : index
        %swap3A_1342 = tpu.vector_load %arg26[%swap3A_1340, %swap3A_1341] {strides = array<i32>} : memref<128x32xf32, #tpu.memory_space<vmem>>, vector<16xf32>,
        tpu.vector_store %arg26[%swap3A_1340, %swap3A_1341], %gather3A_1336 {strides = array<i32>} : memref<128x32xf32, #tpu.memory_space<vmem>>, vector<16xf32>,
        %dma_wait3A_1343 = arith.constant 0 : i32
        %dma_wait3A_1344 = arith.constant 0 : i32
        %dma_wait3A_1345 = tpu.memref_slice %arg4[%dma_wait3A_1343, %dma_wait3A_1344] : memref<32x1000000xf32, #tpu.memory_space<hbm>> -> memref<32x128xf32, #tpu.memory_space<hbm>>
        %dma_wait3A_1346 = arith.constant 0 : i32
        %dma_wait3A_1347 = arith.constant 0 : i32
        %dma_wait3A_1348 = tpu.memref_slice %arg4[%dma_wait3A_1346, %dma_wait3A_1347] : memref<32x1000000xf32, #tpu.memory_space<hbm>> -> memref<32x128xf32, #tpu.memory_space<hbm>>
        tpu.wait_dma2 semaphore(%arg39 : memref<!tpu.dma_semaphore, #tpu.memory_space<semaphore_mem>>) src(%dma_wait3A_1348 : memref<32x128xf32, #tpu.memory_space<hbm>>) dst(%arg21 : memref<32x128xf32, #tpu.memory_space<vmem>>)
        %slice3A_1349 = vector.extract_strided_slice %and3A_1266 {offsets = [13], sizes = [1], strides = [1]} : vector<16xi32> to vector<1xi32>
        %squeeze3A_1350 = vector.extract %slice3A_1349[0] : i32 from vector<1xi32>
        %broadcast_in_dim3A_1351 = vector.broadcast %squeeze3A_1350 : i32 to vector<16xi32>
        %gather3A_1352 = tpu.vector_load_idx %arg21[%iota3A, %broadcast_in_dim3A_1351] : memref<32x128xf32, #tpu.memory_space<vmem>>[vector<16xi32>, vector<16xi32>], vector<16xf32>,
        %add3A_1353 = arith.constant 16 : i32
        %add3A_1354 = vector.broadcast %add3A_1353 : i32 to vector<16xi32>
        %add3A_1355 = arith.addi %iota3A, %add3A_1354 : vector<16xi32>
        %gather3A_1356 = tpu.vector_load_idx %arg21[%add3A_1355, %broadcast_in_dim3A_1351] : memref<32x128xf32, #tpu.memory_space<vmem>>[vector<16xi32>, vector<16xi32>], vector<16xf32>,
        %swap3A_1357 = arith.index_cast %and3A_1322 : i32 to index
        %swap3A_1358 = arith.constant 0 : index
        %swap3A_1359 = tpu.vector_load %arg27[%swap3A_1357, %swap3A_1358] {strides = array<i32>} : memref<128x32xf32, #tpu.memory_space<vmem>>, vector<16xf32>,
        tpu.vector_store %arg27[%swap3A_1357, %swap3A_1358], %gather3A_1352 {strides = array<i32>} : memref<128x32xf32, #tpu.memory_space<vmem>>, vector<16xf32>,
        %swap3A_1360 = arith.index_cast %and3A_1322 : i32 to index
        %swap3A_1361 = arith.constant 16 : index
        %swap3A_1362 = tpu.vector_load %arg27[%swap3A_1360, %swap3A_1361] {strides = array<i32>} : memref<128x32xf32, #tpu.memory_space<vmem>>, vector<16xf32>,
        tpu.vector_store %arg27[%swap3A_1360, %swap3A_1361], %gather3A_1356 {strides = array<i32>} : memref<128x32xf32, #tpu.memory_space<vmem>>, vector<16xf32>,
        %mul3A_1363 = arith.constant 4 : i32
        %mul3A_1364 = arith.muli %sub3A_1270, %mul3A_1363 : i32
        %add3A_1365 = arith.constant 2 : i32
        %add3A_1366 = arith.addi %mul3A_1364, %add3A_1365 : i32
        %and3A_1367 = arith.constant 127 : i32
        %and3A_1368 = arith.andi %add3A_1366, %and3A_1367 : i32
        %dma_wait3A_1369 = arith.constant 0 : i32
        %dma_wait3A_1370 = arith.constant 0 : i32
        %dma_wait3A_1371 = tpu.memref_slice %arg4[%dma_wait3A_1369, %dma_wait3A_1370] : memref<32x1000000xf32, #tpu.memory_space<hbm>> -> memref<32x128xf32, #tpu.memory_space<hbm>>
        %dma_wait3A_1372 = arith.constant 0 : i32
        %dma_wait3A_1373 = arith.constant 0 : i32
        %dma_wait3A_1374 = tpu.memref_slice %arg4[%dma_wait3A_1372, %dma_wait3A_1373] : memref<32x1000000xf32, #tpu.memory_space<hbm>> -> memref<32x128xf32, #tpu.memory_space<hbm>>
        tpu.wait_dma2 semaphore(%arg40 : memref<!tpu.dma_semaphore, #tpu.memory_space<semaphore_mem>>) src(%dma_wait3A_1374 : memref<32x128xf32, #tpu.memory_space<hbm>>) dst(%arg22 : memref<32x128xf32, #tpu.memory_space<vmem>>)
        %slice3A_1375 = vector.extract_strided_slice %and3A_1260 {offsets = [14], sizes = [1], strides = [1]} : vector<16xi32> to vector<1xi32>
        %squeeze3A_1376 = vector.extract %slice3A_1375[0] : i32 from vector<1xi32>
        %broadcast_in_dim3A_1377 = vector.broadcast %squeeze3A_1376 : i32 to vector<16xi32>
        %gather3A_1378 = tpu.vector_load_idx %arg22[%iota3A, %broadcast_in_dim3A_1377] : memref<32x128xf32, #tpu.memory_space<vmem>>[vector<16xi32>, vector<16xi32>], vector<16xf32>,
        %add3A_1379 = arith.constant 16 : i32
        %add3A_1380 = vector.broadcast %add3A_1379 : i32 to vector<16xi32>
        %add3A_1381 = arith.addi %iota3A, %add3A_1380 : vector<16xi32>
        %gather3A_1382 = tpu.vector_load_idx %arg22[%add3A_1381, %broadcast_in_dim3A_1377] : memref<32x128xf32, #tpu.memory_space<vmem>>[vector<16xi32>, vector<16xi32>], vector<16xf32>,
        %swap3A_1383 = arith.index_cast %and3A_1368 : i32 to index
        %swap3A_1384 = arith.constant 0 : index
        %swap3A_1385 = tpu.vector_load %arg26[%swap3A_1383, %swap3A_1384] {strides = array<i32>} : memref<128x32xf32, #tpu.memory_space<vmem>>, vector<16xf32>,
        tpu.vector_store %arg26[%swap3A_1383, %swap3A_1384], %gather3A_1378 {strides = array<i32>} : memref<128x32xf32, #tpu.memory_space<vmem>>, vector<16xf32>,
        %swap3A_1386 = arith.index_cast %and3A_1368 : i32 to index
        %swap3A_1387 = arith.constant 16 : index
        %swap3A_1388 = tpu.vector_load %arg26[%swap3A_1386, %swap3A_1387] {strides = array<i32>} : memref<128x32xf32, #tpu.memory_space<vmem>>, vector<16xf32>,
        tpu.vector_store %arg26[%swap3A_1386, %swap3A_1387], %gather3A_1382 {strides = array<i32>} : memref<128x32xf32, #tpu.memory_space<vmem>>, vector<16xf32>,
        %dma_wait3A_1389 = arith.constant 0 : i32
        %dma_wait3A_1390 = arith.constant 0 : i32
        %dma_wait3A_1391 = tpu.memref_slice %arg4[%dma_wait3A_1389, %dma_wait3A_1390] : memref<32x1000000xf32, #tpu.memory_space<hbm>> -> memref<32x128xf32, #tpu.memory_space<hbm>>
        %dma_wait3A_1392 = arith.constant 0 : i32
        %dma_wait3A_1393 = arith.constant 0 : i32
        %dma_wait3A_1394 = tpu.memref_slice %arg4[%dma_wait3A_1392, %dma_wait3A_1393] : memref<32x1000000xf32, #tpu.memory_space<hbm>> -> memref<32x128xf32, #tpu.memory_space<hbm>>
        tpu.wait_dma2 semaphore(%arg41 : memref<!tpu.dma_semaphore, #tpu.memory_space<semaphore_mem>>) src(%dma_wait3A_1394 : memref<32x128xf32, #tpu.memory_space<hbm>>) dst(%arg23 : memref<32x128xf32, #tpu.memory_space<vmem>>)
        %slice3A_1395 = vector.extract_strided_slice %and3A_1266 {offsets = [14], sizes = [1], strides = [1]} : vector<16xi32> to vector<1xi32>
        %squeeze3A_1396 = vector.extract %slice3A_1395[0] : i32 from vector<1xi32>
        %broadcast_in_dim3A_1397 = vector.broadcast %squeeze3A_1396 : i32 to vector<16xi32>
        %gather3A_1398 = tpu.vector_load_idx %arg23[%iota3A, %broadcast_in_dim3A_1397] : memref<32x128xf32, #tpu.memory_space<vmem>>[vector<16xi32>, vector<16xi32>], vector<16xf32>,
        %add3A_1399 = arith.constant 16 : i32
        %add3A_1400 = vector.broadcast %add3A_1399 : i32 to vector<16xi32>
        %add3A_1401 = arith.addi %iota3A, %add3A_1400 : vector<16xi32>
        %gather3A_1402 = tpu.vector_load_idx %arg23[%add3A_1401, %broadcast_in_dim3A_1397] : memref<32x128xf32, #tpu.memory_space<vmem>>[vector<16xi32>, vector<16xi32>], vector<16xf32>,
        %swap3A_1403 = arith.index_cast %and3A_1368 : i32 to index
        %swap3A_1404 = arith.constant 0 : index
        %swap3A_1405 = tpu.vector_load %arg27[%swap3A_1403, %swap3A_1404] {strides = array<i32>} : memref<128x32xf32, #tpu.memory_space<vmem>>, vector<16xf32>,
        tpu.vector_store %arg27[%swap3A_1403, %swap3A_1404], %gather3A_1398 {strides = array<i32>} : memref<128x32xf32, #tpu.memory_space<vmem>>, vector<16xf32>,
        %swap3A_1406 = arith.index_cast %and3A_1368 : i32 to index
        %swap3A_1407 = arith.constant 16 : index
        %swap3A_1408 = tpu.vector_load %arg27[%swap3A_1406, %swap3A_1407] {strides = array<i32>} : memref<128x32xf32, #tpu.memory_space<vmem>>, vector<16xf32>,
        tpu.vector_store %arg27[%swap3A_1406, %swap3A_1407], %gather3A_1402 {strides = array<i32>} : memref<128x32xf32, #tpu.memory_space<vmem>>, vector<16xf32>,
        %mul3A_1409 = arith.constant 4 : i32
        %mul3A_1410 = arith.muli %sub3A_1270, %mul3A_1409 : i32
        %add3A_1411 = arith.constant 3 : i32
        %add3A_1412 = arith.addi %mul3A_1410, %add3A_1411 : i32
        %and3A_1413 = arith.constant 127 : i32
        %and3A_1414 = arith.andi %add3A_1412, %and3A_1413 : i32
        %dma_wait3A_1415 = arith.constant 0 : i32
        %dma_wait3A_1416 = arith.constant 0 : i32
        %dma_wait3A_1417 = tpu.memref_slice %arg4[%dma_wait3A_1415, %dma_wait3A_1416] : memref<32x1000000xf32, #tpu.memory_space<hbm>> -> memref<32x128xf32, #tpu.memory_space<hbm>>
        %dma_wait3A_1418 = arith.constant 0 : i32
        %dma_wait3A_1419 = arith.constant 0 : i32
        %dma_wait3A_1420 = tpu.memref_slice %arg4[%dma_wait3A_1418, %dma_wait3A_1419] : memref<32x1000000xf32, #tpu.memory_space<hbm>> -> memref<32x128xf32, #tpu.memory_space<hbm>>
        tpu.wait_dma2 semaphore(%arg42 : memref<!tpu.dma_semaphore, #tpu.memory_space<semaphore_mem>>) src(%dma_wait3A_1420 : memref<32x128xf32, #tpu.memory_space<hbm>>) dst(%arg24 : memref<32x128xf32, #tpu.memory_space<vmem>>)
        %slice3A_1421 = vector.extract_strided_slice %and3A_1260 {offsets = [15], sizes = [1], strides = [1]} : vector<16xi32> to vector<1xi32>
        %squeeze3A_1422 = vector.extract %slice3A_1421[0] : i32 from vector<1xi32>
        %broadcast_in_dim3A_1423 = vector.broadcast %squeeze3A_1422 : i32 to vector<16xi32>
        %gather3A_1424 = tpu.vector_load_idx %arg24[%iota3A, %broadcast_in_dim3A_1423] : memref<32x128xf32, #tpu.memory_space<vmem>>[vector<16xi32>, vector<16xi32>], vector<16xf32>,
        %add3A_1425 = arith.constant 16 : i32
        %add3A_1426 = vector.broadcast %add3A_1425 : i32 to vector<16xi32>
        %add3A_1427 = arith.addi %iota3A, %add3A_1426 : vector<16xi32>
        %gather3A_1428 = tpu.vector_load_idx %arg24[%add3A_1427, %broadcast_in_dim3A_1423] : memref<32x128xf32, #tpu.memory_space<vmem>>[vector<16xi32>, vector<16xi32>], vector<16xf32>,
        %swap3A_1429 = arith.index_cast %and3A_1414 : i32 to index
        %swap3A_1430 = arith.constant 0 : index
        %swap3A_1431 = tpu.vector_load %arg26[%swap3A_1429, %swap3A_1430] {strides = array<i32>} : memref<128x32xf32, #tpu.memory_space<vmem>>, vector<16xf32>,
        tpu.vector_store %arg26[%swap3A_1429, %swap3A_1430], %gather3A_1424 {strides = array<i32>} : memref<128x32xf32, #tpu.memory_space<vmem>>, vector<16xf32>,
        %swap3A_1432 = arith.index_cast %and3A_1414 : i32 to index
        %swap3A_1433 = arith.constant 16 : index
        %swap3A_1434 = tpu.vector_load %arg26[%swap3A_1432, %swap3A_1433] {strides = array<i32>} : memref<128x32xf32, #tpu.memory_space<vmem>>, vector<16xf32>,
        tpu.vector_store %arg26[%swap3A_1432, %swap3A_1433], %gather3A_1428 {strides = array<i32>} : memref<128x32xf32, #tpu.memory_space<vmem>>, vector<16xf32>,
        %dma_wait3A_1435 = arith.constant 0 : i32
        %dma_wait3A_1436 = arith.constant 0 : i32
        %dma_wait3A_1437 = tpu.memref_slice %arg4[%dma_wait3A_1435, %dma_wait3A_1436] : memref<32x1000000xf32, #tpu.memory_space<hbm>> -> memref<32x128xf32, #tpu.memory_space<hbm>>
        %dma_wait3A_1438 = arith.constant 0 : i32
        %dma_wait3A_1439 = arith.constant 0 : i32
        %dma_wait3A_1440 = tpu.memref_slice %arg4[%dma_wait3A_1438, %dma_wait3A_1439] : memref<32x1000000xf32, #tpu.memory_space<hbm>> -> memref<32x128xf32, #tpu.memory_space<hbm>>
        tpu.wait_dma2 semaphore(%arg43 : memref<!tpu.dma_semaphore, #tpu.memory_space<semaphore_mem>>) src(%dma_wait3A_1440 : memref<32x128xf32, #tpu.memory_space<hbm>>) dst(%arg25 : memref<32x128xf32, #tpu.memory_space<vmem>>)
        %slice3A_1441 = vector.extract_strided_slice %and3A_1266 {offsets = [15], sizes = [1], strides = [1]} : vector<16xi32> to vector<1xi32>
        %squeeze3A_1442 = vector.extract %slice3A_1441[0] : i32 from vector<1xi32>
        %broadcast_in_dim3A_1443 = vector.broadcast %squeeze3A_1442 : i32 to vector<16xi32>
        %gather3A_1444 = tpu.vector_load_idx %arg25[%iota3A, %broadcast_in_dim3A_1443] : memref<32x128xf32, #tpu.memory_space<vmem>>[vector<16xi32>, vector<16xi32>], vector<16xf32>,
        %add3A_1445 = arith.constant 16 : i32
        %add3A_1446 = vector.broadcast %add3A_1445 : i32 to vector<16xi32>
        %add3A_1447 = arith.addi %iota3A, %add3A_1446 : vector<16xi32>
        %gather3A_1448 = tpu.vector_load_idx %arg25[%add3A_1447, %broadcast_in_dim3A_1443] : memref<32x128xf32, #tpu.memory_space<vmem>>[vector<16xi32>, vector<16xi32>], vector<16xf32>,
        %swap3A_1449 = arith.index_cast %and3A_1414 : i32 to index
        %swap3A_1450 = arith.constant 0 : index
        %swap3A_1451 = tpu.vector_load %arg27[%swap3A_1449, %swap3A_1450] {strides = array<i32>} : memref<128x32xf32, #tpu.memory_space<vmem>>, vector<16xf32>,
        tpu.vector_store %arg27[%swap3A_1449, %swap3A_1450], %gather3A_1444 {strides = array<i32>} : memref<128x32xf32, #tpu.memory_space<vmem>>, vector<16xf32>,
        %swap3A_1452 = arith.index_cast %and3A_1414 : i32 to index
        %swap3A_1453 = arith.constant 16 : index
        %swap3A_1454 = tpu.vector_load %arg27[%swap3A_1452, %swap3A_1453] {strides = array<i32>} : memref<128x32xf32, #tpu.memory_space<vmem>>, vector<16xf32>,
        tpu.vector_store %arg27[%swap3A_1452, %swap3A_1453], %gather3A_1448 {strides = array<i32>} : memref<128x32xf32, #tpu.memory_space<vmem>>, vector<16xf32>,
        %and3A_1455 = arith.constant 3 : i32
        %and3A_1456 = arith.andi %add3A_432, %and3A_1455 : i32
        %eq3A = arith.constant 0 : i32
        %eq3A_1457 = arith.cmpi eq, %and3A_1456, %eq3A : i32
        %convert_element_type3A_1458 = arith.extui %eq3A_1457 : i1 to i32
        %cond3A_1459 = arith.constant 0 : i32
        %cond3A_1460 = arith.cmpi ne, %convert_element_type3A_1458, %cond3A_1459 : i32
        scf.if %cond3A_1460 {
          %gt3A_1461 = arith.constant 4 : i32
          %gt3A_1462 = arith.cmpi sgt, %add3A_432, %gt3A_1461 : i32
          %convert_element_type3A_1463 = arith.extui %gt3A_1462 : i1 to i32
          %cond3A_1464 = arith.constant 0 : i32
          %cond3A_1465 = arith.cmpi ne, %convert_element_type3A_1463, %cond3A_1464 : i32
          scf.if %cond3A_1465 {
            %dma_wait3A_1490 = arith.constant 0 : i32
            %dma_wait3A_1491 = arith.constant 0 : i32
            %dma_wait3A_1492 = tpu.memref_slice %arg26[%dma_wait3A_1490, %dma_wait3A_1491] : memref<128x32xf32, #tpu.memory_space<vmem>> -> memref<64x32xf32, #tpu.memory_space<vmem>>
            %dma_wait3A_1493 = arith.constant 0 : i32
            %dma_wait3A_1494 = arith.constant 0 : i32
            %dma_wait3A_1495 = tpu.memref_slice %arg6[%dma_wait3A_1493, %dma_wait3A_1494] : memref<16384x32xf32, #tpu.memory_space<hbm>> -> memref<64x32xf32, #tpu.memory_space<hbm>>
            %dma_wait3A_1496 = arith.constant 0 : i32
            %dma_wait3A_1497 = arith.constant 0 : i32
            %dma_wait3A_1498 = tpu.memref_slice %arg26[%dma_wait3A_1496, %dma_wait3A_1497] : memref<128x32xf32, #tpu.memory_space<vmem>> -> memref<64x32xf32, #tpu.memory_space<vmem>>
            %dma_wait3A_1499 = arith.constant 0 : i32
            %dma_wait3A_1500 = arith.constant 0 : i32
            %dma_wait3A_1501 = tpu.memref_slice %arg6[%dma_wait3A_1499, %dma_wait3A_1500] : memref<16384x32xf32, #tpu.memory_space<hbm>> -> memref<64x32xf32, #tpu.memory_space<hbm>>
            tpu.wait_dma2 semaphore(%arg44 : memref<!tpu.dma_semaphore, #tpu.memory_space<semaphore_mem>>) src(%dma_wait3A_1501 : memref<64x32xf32, #tpu.memory_space<hbm>>) dst(%dma_wait3A_1498 : memref<64x32xf32, #tpu.memory_space<vmem>>)
            %dma_wait3A_1502 = arith.constant 0 : i32
            %dma_wait3A_1503 = arith.constant 0 : i32
            %dma_wait3A_1504 = tpu.memref_slice %arg27[%dma_wait3A_1502, %dma_wait3A_1503] : memref<128x32xf32, #tpu.memory_space<vmem>> -> memref<64x32xf32, #tpu.memory_space<vmem>>
            %dma_wait3A_1505 = arith.constant 0 : i32
            %dma_wait3A_1506 = arith.constant 0 : i32
            %dma_wait3A_1507 = tpu.memref_slice %arg7[%dma_wait3A_1505, %dma_wait3A_1506] : memref<16384x32xf32, #tpu.memory_space<hbm>> -> memref<64x32xf32, #tpu.memory_space<hbm>>
            %dma_wait3A_1508 = arith.constant 0 : i32
            %dma_wait3A_1509 = arith.constant 0 : i32
            %dma_wait3A_1510 = tpu.memref_slice %arg27[%dma_wait3A_1508, %dma_wait3A_1509] : memref<128x32xf32, #tpu.memory_space<vmem>> -> memref<64x32xf32, #tpu.memory_space<vmem>>
            %dma_wait3A_1511 = arith.constant 0 : i32
            %dma_wait3A_1512 = arith.constant 0 : i32
            %dma_wait3A_1513 = tpu.memref_slice %arg7[%dma_wait3A_1511, %dma_wait3A_1512] : memref<16384x32xf32, #tpu.memory_space<hbm>> -> memref<64x32xf32, #tpu.memory_space<hbm>>
            tpu.wait_dma2 semaphore(%arg45 : memref<!tpu.dma_semaphore, #tpu.memory_space<semaphore_mem>>) src(%dma_wait3A_1513 : memref<64x32xf32, #tpu.memory_space<hbm>>) dst(%dma_wait3A_1510 : memref<64x32xf32, #tpu.memory_space<vmem>>)
          } else {
          }
          %mul3A_1466 = arith.constant 16 : i32
          %mul3A_1467 = arith.muli %mul3A_1466, %add3A_432 : i32
          %sub3A_1468 = arith.constant 64 : i32
          %sub3A_1469 = arith.subi %mul3A_1467, %sub3A_1468 : i32
          %and3A_1470 = arith.constant 127 : i32
          %and3A_1471 = arith.andi %sub3A_1469, %and3A_1470 : i32
          %add3A_1472 = arith.addi %mul3A_2, %sub3A_1469 : i32
          %dma_start3A_1473 = arith.constant 0 : i32
          %dma_start3A_1474 = tpu.memref_slice %arg26[%and3A_1471, %dma_start3A_1473] : memref<128x32xf32, #tpu.memory_space<vmem>> -> memref<64x32xf32, #tpu.memory_space<vmem>>
          %dma_start3A_1475 = arith.constant 0 : i32
          %dma_start3A_1476 = tpu.memref_slice %arg6[%add3A_1472, %dma_start3A_1475] : memref<16384x32xf32, #tpu.memory_space<hbm>> -> memref<64x32xf32, #tpu.memory_space<hbm>>
          %dma_start3A_1477 = arith.constant 0 : i32
          %dma_start3A_1478 = tpu.memref_slice %arg6[%add3A_1472, %dma_start3A_1477] : memref<16384x32xf32, #tpu.memory_space<hbm>> -> memref<64x32xf32, #tpu.memory_space<hbm>>
          %dma_start3A_1479 = arith.constant 0 : i32
          %dma_start3A_1480 = tpu.memref_slice %arg26[%and3A_1471, %dma_start3A_1479] : memref<128x32xf32, #tpu.memory_space<vmem>> -> memref<64x32xf32, #tpu.memory_space<vmem>>
          tpu.enqueue_dma source(%dma_start3A_1480 : memref<64x32xf32, #tpu.memory_space<vmem>>) target(%dma_start3A_1478 : memref<64x32xf32, #tpu.memory_space<hbm>>) target_semaphore(%arg44 : memref<!tpu.dma_semaphore, #tpu.memory_space<semaphore_mem>>)
          %add3A_1481 = arith.addi %mul3A_2, %sub3A_1469 : i32
          %dma_start3A_1482 = arith.constant 0 : i32
          %dma_start3A_1483 = tpu.memref_slice %arg27[%and3A_1471, %dma_start3A_1482] : memref<128x32xf32, #tpu.memory_space<vmem>> -> memref<64x32xf32, #tpu.memory_space<vmem>>
          %dma_start3A_1484 = arith.constant 0 : i32
          %dma_start3A_1485 = tpu.memref_slice %arg7[%add3A_1481, %dma_start3A_1484] : memref<16384x32xf32, #tpu.memory_space<hbm>> -> memref<64x32xf32, #tpu.memory_space<hbm>>
          %dma_start3A_1486 = arith.constant 0 : i32
          %dma_start3A_1487 = tpu.memref_slice %arg7[%add3A_1481, %dma_start3A_1486] : memref<16384x32xf32, #tpu.memory_space<hbm>> -> memref<64x32xf32, #tpu.memory_space<hbm>>
          %dma_start3A_1488 = arith.constant 0 : i32
          %dma_start3A_1489 = tpu.memref_slice %arg27[%and3A_1471, %dma_start3A_1488] : memref<128x32xf32, #tpu.memory_space<vmem>> -> memref<64x32xf32, #tpu.memory_space<vmem>>
          tpu.enqueue_dma source(%dma_start3A_1489 : memref<64x32xf32, #tpu.memory_space<vmem>>) target(%dma_start3A_1487 : memref<64x32xf32, #tpu.memory_space<hbm>>) target_semaphore(%arg45 : memref<!tpu.dma_semaphore, #tpu.memory_space<semaphore_mem>>)
        } else {
        }
      } else {
      }
      %slice3A_560 = vector.extract_strided_slice %shift_right_arithmetic3A_443 {offsets = [4], sizes = [1], strides = [1]} : vector<16xi32> to vector<1xi32>
      %squeeze3A_561 = vector.extract %slice3A_560[0] : i32 from vector<1xi32>
      %ge3A_562 = arith.constant 7812 : i32
      %ge3A_563 = arith.cmpi sge, %squeeze3A_561, %ge3A_562 : i32
      %mul3A_564 = arith.constant 128 : i32
      %mul3A_565 = arith.muli %squeeze3A_561, %mul3A_564 : i32
      %jit3A_566 = arith.constant 0 : i32
      %select_n3A_567 = arith.select %ge3A_563, %jit3A_566, %mul3A_565 : i32
      %multiple_of3A_568 = tpu.assume_multiple %select_n3A_567, 128 : i32
      %dma_start3A_569 = arith.constant 0 : i32
      %dma_start3A_570 = tpu.memref_slice %arg4[%dma_start3A_569, %multiple_of3A_568] : memref<32x1000000xf32, #tpu.memory_space<hbm>> -> memref<32x128xf32, #tpu.memory_space<hbm>>
      %dma_start3A_571 = arith.constant 0 : i32
      %dma_start3A_572 = tpu.memref_slice %arg4[%dma_start3A_571, %multiple_of3A_568] : memref<32x1000000xf32, #tpu.memory_space<hbm>> -> memref<32x128xf32, #tpu.memory_space<hbm>>
      tpu.enqueue_dma source(%dma_start3A_572 : memref<32x128xf32, #tpu.memory_space<hbm>>) target(%arg18 : memref<32x128xf32, #tpu.memory_space<vmem>>) target_semaphore(%arg36 : memref<!tpu.dma_semaphore, #tpu.memory_space<semaphore_mem>>)
      %slice3A_573 = vector.extract_strided_slice %shift_right_arithmetic3A_449 {offsets = [4], sizes = [1], strides = [1]} : vector<16xi32> to vector<1xi32>
      %squeeze3A_574 = vector.extract %slice3A_573[0] : i32 from vector<1xi32>
      %ge3A_575 = arith.constant 7812 : i32
      %ge3A_576 = arith.cmpi sge, %squeeze3A_574, %ge3A_575 : i32
      %mul3A_577 = arith.constant 128 : i32
      %mul3A_578 = arith.muli %squeeze3A_574, %mul3A_577 : i32
      %jit3A_579 = arith.constant 0 : i32
      %select_n3A_580 = arith.select %ge3A_576, %jit3A_579, %mul3A_578 : i32
      %multiple_of3A_581 = tpu.assume_multiple %select_n3A_580, 128 : i32
      %dma_start3A_582 = arith.constant 0 : i32
      %dma_start3A_583 = tpu.memref_slice %arg5[%dma_start3A_582, %multiple_of3A_581] : memref<32x1000000xf32, #tpu.memory_space<hbm>> -> memref<32x128xf32, #tpu.memory_space<hbm>>
      %dma_start3A_584 = arith.constant 0 : i32
      %dma_start3A_585 = tpu.memref_slice %arg5[%dma_start3A_584, %multiple_of3A_581] : memref<32x1000000xf32, #tpu.memory_space<hbm>> -> memref<32x128xf32, #tpu.memory_space<hbm>>
      tpu.enqueue_dma source(%dma_start3A_585 : memref<32x128xf32, #tpu.memory_space<hbm>>) target(%arg19 : memref<32x128xf32, #tpu.memory_space<vmem>>) target_semaphore(%arg37 : memref<!tpu.dma_semaphore, #tpu.memory_space<semaphore_mem>>)
      %slice3A_586 = vector.extract_strided_slice %shift_right_arithmetic3A_443 {offsets = [5], sizes = [1], strides = [1]} : vector<16xi32> to vector<1xi32>
      %squeeze3A_587 = vector.extract %slice3A_586[0] : i32 from vector<1xi32>
      %ge3A_588 = arith.constant 7812 : i32
      %ge3A_589 = arith.cmpi sge, %squeeze3A_587, %ge3A_588 : i32
      %mul3A_590 = arith.constant 128 : i32
      %mul3A_591 = arith.muli %squeeze3A_587, %mul3A_590 : i32
      %jit3A_592 = arith.constant 0 : i32
      %select_n3A_593 = arith.select %ge3A_589, %jit3A_592, %mul3A_591 : i32
      %multiple_of3A_594 = tpu.assume_multiple %select_n3A_593, 128 : i32
      %dma_start3A_595 = arith.constant 0 : i32
      %dma_start3A_596 = tpu.memref_slice %arg4[%dma_start3A_595, %multiple_of3A_594] : memref<32x1000000xf32, #tpu.memory_space<hbm>> -> memref<32x128xf32, #tpu.memory_space<hbm>>
      %dma_start3A_597 = arith.constant 0 : i32
      %dma_start3A_598 = tpu.memref_slice %arg4[%dma_start3A_597, %multiple_of3A_594] : memref<32x1000000xf32, #tpu.memory_space<hbm>> -> memref<32x128xf32, #tpu.memory_space<hbm>>
      tpu.enqueue_dma source(%dma_start3A_598 : memref<32x128xf32, #tpu.memory_space<hbm>>) target(%arg20 : memref<32x128xf32, #tpu.memory_space<vmem>>) target_semaphore(%arg38 : memref<!tpu.dma_semaphore, #tpu.memory_space<semaphore_mem>>)
      %slice3A_599 = vector.extract_strided_slice %shift_right_arithmetic3A_449 {offsets = [5], sizes = [1], strides = [1]} : vector<16xi32> to vector<1xi32>
      %squeeze3A_600 = vector.extract %slice3A_599[0] : i32 from vector<1xi32>
      %ge3A_601 = arith.constant 7812 : i32
      %ge3A_602 = arith.cmpi sge, %squeeze3A_600, %ge3A_601 : i32
      %mul3A_603 = arith.constant 128 : i32
      %mul3A_604 = arith.muli %squeeze3A_600, %mul3A_603 : i32
      %jit3A_605 = arith.constant 0 : i32
      %select_n3A_606 = arith.select %ge3A_602, %jit3A_605, %mul3A_604 : i32
      %multiple_of3A_607 = tpu.assume_multiple %select_n3A_606, 128 : i32
      %dma_start3A_608 = arith.constant 0 : i32
      %dma_start3A_609 = tpu.memref_slice %arg5[%dma_start3A_608, %multiple_of3A_607] : memref<32x1000000xf32, #tpu.memory_space<hbm>> -> memref<32x128xf32, #tpu.memory_space<hbm>>
      %dma_start3A_610 = arith.constant 0 : i32
      %dma_start3A_611 = tpu.memref_slice %arg5[%dma_start3A_610, %multiple_of3A_607] : memref<32x1000000xf32, #tpu.memory_space<hbm>> -> memref<32x128xf32, #tpu.memory_space<hbm>>
      tpu.enqueue_dma source(%dma_start3A_611 : memref<32x128xf32, #tpu.memory_space<hbm>>) target(%arg21 : memref<32x128xf32, #tpu.memory_space<vmem>>) target_semaphore(%arg39 : memref<!tpu.dma_semaphore, #tpu.memory_space<semaphore_mem>>)
      %slice3A_612 = vector.extract_strided_slice %shift_right_arithmetic3A_443 {offsets = [6], sizes = [1], strides = [1]} : vector<16xi32> to vector<1xi32>
      %squeeze3A_613 = vector.extract %slice3A_612[0] : i32 from vector<1xi32>
      %ge3A_614 = arith.constant 7812 : i32
      %ge3A_615 = arith.cmpi sge, %squeeze3A_613, %ge3A_614 : i32
      %mul3A_616 = arith.constant 128 : i32
      %mul3A_617 = arith.muli %squeeze3A_613, %mul3A_616 : i32
      %jit3A_618 = arith.constant 0 : i32
      %select_n3A_619 = arith.select %ge3A_615, %jit3A_618, %mul3A_617 : i32
      %multiple_of3A_620 = tpu.assume_multiple %select_n3A_619, 128 : i32
      %dma_start3A_621 = arith.constant 0 : i32
      %dma_start3A_622 = tpu.memref_slice %arg4[%dma_start3A_621, %multiple_of3A_620] : memref<32x1000000xf32, #tpu.memory_space<hbm>> -> memref<32x128xf32, #tpu.memory_space<hbm>>
      %dma_start3A_623 = arith.constant 0 : i32
      %dma_start3A_624 = tpu.memref_slice %arg4[%dma_start3A_623, %multiple_of3A_620] : memref<32x1000000xf32, #tpu.memory_space<hbm>> -> memref<32x128xf32, #tpu.memory_space<hbm>>
      tpu.enqueue_dma source(%dma_start3A_624 : memref<32x128xf32, #tpu.memory_space<hbm>>) target(%arg22 : memref<32x128xf32, #tpu.memory_space<vmem>>) target_semaphore(%arg40 : memref<!tpu.dma_semaphore, #tpu.memory_space<semaphore_mem>>)
      %slice3A_625 = vector.extract_strided_slice %shift_right_arithmetic3A_449 {offsets = [6], sizes = [1], strides = [1]} : vector<16xi32> to vector<1xi32>
      %squeeze3A_626 = vector.extract %slice3A_625[0] : i32 from vector<1xi32>
      %ge3A_627 = arith.constant 7812 : i32
      %ge3A_628 = arith.cmpi sge, %squeeze3A_626, %ge3A_627 : i32
      %mul3A_629 = arith.constant 128 : i32
      %mul3A_630 = arith.muli %squeeze3A_626, %mul3A_629 : i32
      %jit3A_631 = arith.constant 0 : i32
      %select_n3A_632 = arith.select %ge3A_628, %jit3A_631, %mul3A_630 : i32
      %multiple_of3A_633 = tpu.assume_multiple %select_n3A_632, 128 : i32
      %dma_start3A_634 = arith.constant 0 : i32
      %dma_start3A_635 = tpu.memref_slice %arg5[%dma_start3A_634, %multiple_of3A_633] : memref<32x1000000xf32, #tpu.memory_space<hbm>> -> memref<32x128xf32, #tpu.memory_space<hbm>>
      %dma_start3A_636 = arith.constant 0 : i32
      %dma_start3A_637 = tpu.memref_slice %arg5[%dma_start3A_636, %multiple_of3A_633] : memref<32x1000000xf32, #tpu.memory_space<hbm>> -> memref<32x128xf32, #tpu.memory_space<hbm>>
      tpu.enqueue_dma source(%dma_start3A_637 : memref<32x128xf32, #tpu.memory_space<hbm>>) target(%arg23 : memref<32x128xf32, #tpu.memory_space<vmem>>) target_semaphore(%arg41 : memref<!tpu.dma_semaphore, #tpu.memory_space<semaphore_mem>>)
      %slice3A_638 = vector.extract_strided_slice %shift_right_arithmetic3A_443 {offsets = [7], sizes = [1], strides = [1]} : vector<16xi32> to vector<1xi32>
      %squeeze3A_639 = vector.extract %slice3A_638[0] : i32 from vector<1xi32>
      %ge3A_640 = arith.constant 7812 : i32
      %ge3A_641 = arith.cmpi sge, %squeeze3A_639, %ge3A_640 : i32
      %mul3A_642 = arith.constant 128 : i32
      %mul3A_643 = arith.muli %squeeze3A_639, %mul3A_642 : i32
      %jit3A_644 = arith.constant 0 : i32
      %select_n3A_645 = arith.select %ge3A_641, %jit3A_644, %mul3A_643 : i32
      %multiple_of3A_646 = tpu.assume_multiple %select_n3A_645, 128 : i32
      %dma_start3A_647 = arith.constant 0 : i32
      %dma_start3A_648 = tpu.memref_slice %arg4[%dma_start3A_647, %multiple_of3A_646] : memref<32x1000000xf32, #tpu.memory_space<hbm>> -> memref<32x128xf32, #tpu.memory_space<hbm>>
      %dma_start3A_649 = arith.constant 0 : i32
      %dma_start3A_650 = tpu.memref_slice %arg4[%dma_start3A_649, %multiple_of3A_646] : memref<32x1000000xf32, #tpu.memory_space<hbm>> -> memref<32x128xf32, #tpu.memory_space<hbm>>
      tpu.enqueue_dma source(%dma_start3A_650 : memref<32x128xf32, #tpu.memory_space<hbm>>) target(%arg24 : memref<32x128xf32, #tpu.memory_space<vmem>>) target_semaphore(%arg42 : memref<!tpu.dma_semaphore, #tpu.memory_space<semaphore_mem>>)
      %slice3A_651 = vector.extract_strided_slice %shift_right_arithmetic3A_449 {offsets = [7], sizes = [1], strides = [1]} : vector<16xi32> to vector<1xi32>
      %squeeze3A_652 = vector.extract %slice3A_651[0] : i32 from vector<1xi32>
      %ge3A_653 = arith.constant 7812 : i32
      %ge3A_654 = arith.cmpi sge, %squeeze3A_652, %ge3A_653 : i32
      %mul3A_655 = arith.constant 128 : i32
      %mul3A_656 = arith.muli %squeeze3A_652, %mul3A_655 : i32
      %jit3A_657 = arith.constant 0 : i32
      %select_n3A_658 = arith.select %ge3A_654, %jit3A_657, %mul3A_656 : i32
      %multiple_of3A_659 = tpu.assume_multiple %select_n3A_658, 128 : i32
      %dma_start3A_660 = arith.constant 0 : i32
      %dma_start3A_661 = tpu.memref_slice %arg5[%dma_start3A_660, %multiple_of3A_659] : memref<32x1000000xf32, #tpu.memory_space<hbm>> -> memref<32x128xf32, #tpu.memory_space<hbm>>
      %dma_start3A_662 = arith.constant 0 : i32
      %dma_start3A_663 = tpu.memref_slice %arg5[%dma_start3A_662, %multiple_of3A_659] : memref<32x1000000xf32, #tpu.memory_space<hbm>> -> memref<32x128xf32, #tpu.memory_space<hbm>>
      tpu.enqueue_dma source(%dma_start3A_663 : memref<32x128xf32, #tpu.memory_space<hbm>>) target(%arg25 : memref<32x128xf32, #tpu.memory_space<vmem>>) target_semaphore(%arg43 : memref<!tpu.dma_semaphore, #tpu.memory_space<semaphore_mem>>)
      %mul3A_664 = arith.constant 4 : i32
      %mul3A_665 = arith.muli %mul3A_664, %add3A_432 : i32
      %mul3A_666 = arith.constant 4 : i32
      %mul3A_667 = arith.muli %mul3A_665, %mul3A_666 : i32
      %add3A_668 = arith.constant 0 : i32
      %add3A_669 = arith.addi %mul3A_667, %add3A_668 : i32
      %and3A_670 = arith.constant 127 : i32
      %and3A_671 = arith.andi %add3A_669, %and3A_670 : i32
      %dma_wait3A_672 = arith.constant 0 : i32
      %dma_wait3A_673 = arith.constant 0 : i32
      %dma_wait3A_674 = tpu.memref_slice %arg4[%dma_wait3A_672, %dma_wait3A_673] : memref<32x1000000xf32, #tpu.memory_space<hbm>> -> memref<32x128xf32, #tpu.memory_space<hbm>>
      %dma_wait3A_675 = arith.constant 0 : i32
      %dma_wait3A_676 = arith.constant 0 : i32
      %dma_wait3A_677 = tpu.memref_slice %arg4[%dma_wait3A_675, %dma_wait3A_676] : memref<32x1000000xf32, #tpu.memory_space<hbm>> -> memref<32x128xf32, #tpu.memory_space<hbm>>
      tpu.wait_dma2 semaphore(%arg28 : memref<!tpu.dma_semaphore, #tpu.memory_space<semaphore_mem>>) src(%dma_wait3A_677 : memref<32x128xf32, #tpu.memory_space<hbm>>) dst(%arg10 : memref<32x128xf32, #tpu.memory_space<vmem>>)
      %slice3A_678 = vector.extract_strided_slice %and3A_446 {offsets = [0], sizes = [1], strides = [1]} : vector<16xi32> to vector<1xi32>
      %squeeze3A_679 = vector.extract %slice3A_678[0] : i32 from vector<1xi32>
      %broadcast_in_dim3A_680 = vector.broadcast %squeeze3A_679 : i32 to vector<16xi32>
      %gather3A_681 = tpu.vector_load_idx %arg10[%iota3A, %broadcast_in_dim3A_680] : memref<32x128xf32, #tpu.memory_space<vmem>>[vector<16xi32>, vector<16xi32>], vector<16xf32>,
      %add3A_682 = arith.constant 16 : i32
      %add3A_683 = vector.broadcast %add3A_682 : i32 to vector<16xi32>
      %add3A_684 = arith.addi %iota3A, %add3A_683 : vector<16xi32>
      %gather3A_685 = tpu.vector_load_idx %arg10[%add3A_684, %broadcast_in_dim3A_680] : memref<32x128xf32, #tpu.memory_space<vmem>>[vector<16xi32>, vector<16xi32>], vector<16xf32>,
      %swap3A_686 = arith.index_cast %and3A_671 : i32 to index
      %swap3A_687 = arith.constant 0 : index
      %swap3A_688 = tpu.vector_load %arg26[%swap3A_686, %swap3A_687] {strides = array<i32>} : memref<128x32xf32, #tpu.memory_space<vmem>>, vector<16xf32>,
      tpu.vector_store %arg26[%swap3A_686, %swap3A_687], %gather3A_681 {strides = array<i32>} : memref<128x32xf32, #tpu.memory_space<vmem>>, vector<16xf32>,
      %swap3A_689 = arith.index_cast %and3A_671 : i32 to index
      %swap3A_690 = arith.constant 16 : index
      %swap3A_691 = tpu.vector_load %arg26[%swap3A_689, %swap3A_690] {strides = array<i32>} : memref<128x32xf32, #tpu.memory_space<vmem>>, vector<16xf32>,
      tpu.vector_store %arg26[%swap3A_689, %swap3A_690], %gather3A_685 {strides = array<i32>} : memref<128x32xf32, #tpu.memory_space<vmem>>, vector<16xf32>,
      %dma_wait3A_692 = arith.constant 0 : i32
      %dma_wait3A_693 = arith.constant 0 : i32
      %dma_wait3A_694 = tpu.memref_slice %arg4[%dma_wait3A_692, %dma_wait3A_693] : memref<32x1000000xf32, #tpu.memory_space<hbm>> -> memref<32x128xf32, #tpu.memory_space<hbm>>
      %dma_wait3A_695 = arith.constant 0 : i32
      %dma_wait3A_696 = arith.constant 0 : i32
      %dma_wait3A_697 = tpu.memref_slice %arg4[%dma_wait3A_695, %dma_wait3A_696] : memref<32x1000000xf32, #tpu.memory_space<hbm>> -> memref<32x128xf32, #tpu.memory_space<hbm>>
      tpu.wait_dma2 semaphore(%arg29 : memref<!tpu.dma_semaphore, #tpu.memory_space<semaphore_mem>>) src(%dma_wait3A_697 : memref<32x128xf32, #tpu.memory_space<hbm>>) dst(%arg11 : memref<32x128xf32, #tpu.memory_space<vmem>>)
      %slice3A_698 = vector.extract_strided_slice %and3A_452 {offsets = [0], sizes = [1], strides = [1]} : vector<16xi32> to vector<1xi32>
      %squeeze3A_699 = vector.extract %slice3A_698[0] : i32 from vector<1xi32>
      %broadcast_in_dim3A_700 = vector.broadcast %squeeze3A_699 : i32 to vector<16xi32>
      %gather3A_701 = tpu.vector_load_idx %arg11[%iota3A, %broadcast_in_dim3A_700] : memref<32x128xf32, #tpu.memory_space<vmem>>[vector<16xi32>, vector<16xi32>], vector<16xf32>,
      %add3A_702 = arith.constant 16 : i32
      %add3A_703 = vector.broadcast %add3A_702 : i32 to vector<16xi32>
      %add3A_704 = arith.addi %iota3A, %add3A_703 : vector<16xi32>
      %gather3A_705 = tpu.vector_load_idx %arg11[%add3A_704, %broadcast_in_dim3A_700] : memref<32x128xf32, #tpu.memory_space<vmem>>[vector<16xi32>, vector<16xi32>], vector<16xf32>,
      %swap3A_706 = arith.index_cast %and3A_671 : i32 to index
      %swap3A_707 = arith.constant 0 : index
      %swap3A_708 = tpu.vector_load %arg27[%swap3A_706, %swap3A_707] {strides = array<i32>} : memref<128x32xf32, #tpu.memory_space<vmem>>, vector<16xf32>,
      tpu.vector_store %arg27[%swap3A_706, %swap3A_707], %gather3A_701 {strides = array<i32>} : memref<128x32xf32, #tpu.memory_space<vmem>>, vector<16xf32>,
      %swap3A_709 = arith.index_cast %and3A_671 : i32 to index
      %swap3A_710 = arith.constant 16 : index
      %swap3A_711 = tpu.vector_load %arg27[%swap3A_709, %swap3A_710] {strides = array<i32>} : memref<128x32xf32, #tpu.memory_space<vmem>>, vector<16xf32>,
      tpu.vector_store %arg27[%swap3A_709, %swap3A_710], %gather3A_705 {strides = array<i32>} : memref<128x32xf32, #tpu.memory_space<vmem>>, vector<16xf32>,
      %mul3A_712 = arith.constant 4 : i32
      %mul3A_713 = arith.muli %mul3A_665, %mul3A_712 : i32
      %add3A_714 = arith.constant 1 : i32
      %add3A_715 = arith.addi %mul3A_713, %add3A_714 : i32
      %and3A_716 = arith.constant 127 : i32
      %and3A_717 = arith.andi %add3A_715, %and3A_716 : i32
      %dma_wait3A_718 = arith.constant 0 : i32
      %dma_wait3A_719 = arith.constant 0 : i32
      %dma_wait3A_720 = tpu.memref_slice %arg4[%dma_wait3A_718, %dma_wait3A_719] : memref<32x1000000xf32, #tpu.memory_space<hbm>> -> memref<32x128xf32, #tpu.memory_space<hbm>>
      %dma_wait3A_721 = arith.constant 0 : i32
      %dma_wait3A_722 = arith.constant 0 : i32
      %dma_wait3A_723 = tpu.memref_slice %arg4[%dma_wait3A_721, %dma_wait3A_722] : memref<32x1000000xf32, #tpu.memory_space<hbm>> -> memref<32x128xf32, #tpu.memory_space<hbm>>
      tpu.wait_dma2 semaphore(%arg30 : memref<!tpu.dma_semaphore, #tpu.memory_space<semaphore_mem>>) src(%dma_wait3A_723 : memref<32x128xf32, #tpu.memory_space<hbm>>) dst(%arg12 : memref<32x128xf32, #tpu.memory_space<vmem>>)
      %slice3A_724 = vector.extract_strided_slice %and3A_446 {offsets = [1], sizes = [1], strides = [1]} : vector<16xi32> to vector<1xi32>
      %squeeze3A_725 = vector.extract %slice3A_724[0] : i32 from vector<1xi32>
      %broadcast_in_dim3A_726 = vector.broadcast %squeeze3A_725 : i32 to vector<16xi32>
      %gather3A_727 = tpu.vector_load_idx %arg12[%iota3A, %broadcast_in_dim3A_726] : memref<32x128xf32, #tpu.memory_space<vmem>>[vector<16xi32>, vector<16xi32>], vector<16xf32>,
      %add3A_728 = arith.constant 16 : i32
      %add3A_729 = vector.broadcast %add3A_728 : i32 to vector<16xi32>
      %add3A_730 = arith.addi %iota3A, %add3A_729 : vector<16xi32>
      %gather3A_731 = tpu.vector_load_idx %arg12[%add3A_730, %broadcast_in_dim3A_726] : memref<32x128xf32, #tpu.memory_space<vmem>>[vector<16xi32>, vector<16xi32>], vector<16xf32>,
      %swap3A_732 = arith.index_cast %and3A_717 : i32 to index
      %swap3A_733 = arith.constant 0 : index
      %swap3A_734 = tpu.vector_load %arg26[%swap3A_732, %swap3A_733] {strides = array<i32>} : memref<128x32xf32, #tpu.memory_space<vmem>>, vector<16xf32>,
      tpu.vector_store %arg26[%swap3A_732, %swap3A_733], %gather3A_727 {strides = array<i32>} : memref<128x32xf32, #tpu.memory_space<vmem>>, vector<16xf32>,
      %swap3A_735 = arith.index_cast %and3A_717 : i32 to index
      %swap3A_736 = arith.constant 16 : index
      %swap3A_737 = tpu.vector_load %arg26[%swap3A_735, %swap3A_736] {strides = array<i32>} : memref<128x32xf32, #tpu.memory_space<vmem>>, vector<16xf32>,
      tpu.vector_store %arg26[%swap3A_735, %swap3A_736], %gather3A_731 {strides = array<i32>} : memref<128x32xf32, #tpu.memory_space<vmem>>, vector<16xf32>,
      %dma_wait3A_738 = arith.constant 0 : i32
      %dma_wait3A_739 = arith.constant 0 : i32
      %dma_wait3A_740 = tpu.memref_slice %arg4[%dma_wait3A_738, %dma_wait3A_739] : memref<32x1000000xf32, #tpu.memory_space<hbm>> -> memref<32x128xf32, #tpu.memory_space<hbm>>
      %dma_wait3A_741 = arith.constant 0 : i32
      %dma_wait3A_742 = arith.constant 0 : i32
      %dma_wait3A_743 = tpu.memref_slice %arg4[%dma_wait3A_741, %dma_wait3A_742] : memref<32x1000000xf32, #tpu.memory_space<hbm>> -> memref<32x128xf32, #tpu.memory_space<hbm>>
      tpu.wait_dma2 semaphore(%arg31 : memref<!tpu.dma_semaphore, #tpu.memory_space<semaphore_mem>>) src(%dma_wait3A_743 : memref<32x128xf32, #tpu.memory_space<hbm>>) dst(%arg13 : memref<32x128xf32, #tpu.memory_space<vmem>>)
      %slice3A_744 = vector.extract_strided_slice %and3A_452 {offsets = [1], sizes = [1], strides = [1]} : vector<16xi32> to vector<1xi32>
      %squeeze3A_745 = vector.extract %slice3A_744[0] : i32 from vector<1xi32>
      %broadcast_in_dim3A_746 = vector.broadcast %squeeze3A_745 : i32 to vector<16xi32>
      %gather3A_747 = tpu.vector_load_idx %arg13[%iota3A, %broadcast_in_dim3A_746] : memref<32x128xf32, #tpu.memory_space<vmem>>[vector<16xi32>, vector<16xi32>], vector<16xf32>,
      %add3A_748 = arith.constant 16 : i32
      %add3A_749 = vector.broadcast %add3A_748 : i32 to vector<16xi32>
      %add3A_750 = arith.addi %iota3A, %add3A_749 : vector<16xi32>
      %gather3A_751 = tpu.vector_load_idx %arg13[%add3A_750, %broadcast_in_dim3A_746] : memref<32x128xf32, #tpu.memory_space<vmem>>[vector<16xi32>, vector<16xi32>], vector<16xf32>,
      %swap3A_752 = arith.index_cast %and3A_717 : i32 to index
      %swap3A_753 = arith.constant 0 : index
      %swap3A_754 = tpu.vector_load %arg27[%swap3A_752, %swap3A_753] {strides = array<i32>} : memref<128x32xf32, #tpu.memory_space<vmem>>, vector<16xf32>,
      tpu.vector_store %arg27[%swap3A_752, %swap3A_753], %gather3A_747 {strides = array<i32>} : memref<128x32xf32, #tpu.memory_space<vmem>>, vector<16xf32>,
      %swap3A_755 = arith.index_cast %and3A_717 : i32 to index
      %swap3A_756 = arith.constant 16 : index
      %swap3A_757 = tpu.vector_load %arg27[%swap3A_755, %swap3A_756] {strides = array<i32>} : memref<128x32xf32, #tpu.memory_space<vmem>>, vector<16xf32>,
      tpu.vector_store %arg27[%swap3A_755, %swap3A_756], %gather3A_751 {strides = array<i32>} : memref<128x32xf32, #tpu.memory_space<vmem>>, vector<16xf32>,
      %mul3A_758 = arith.constant 4 : i32
      %mul3A_759 = arith.muli %mul3A_665, %mul3A_758 : i32
      %add3A_760 = arith.constant 2 : i32
      %add3A_761 = arith.addi %mul3A_759, %add3A_760 : i32
      %and3A_762 = arith.constant 127 : i32
      %and3A_763 = arith.andi %add3A_761, %and3A_762 : i32
      %dma_wait3A_764 = arith.constant 0 : i32
      %dma_wait3A_765 = arith.constant 0 : i32
      %dma_wait3A_766 = tpu.memref_slice %arg4[%dma_wait3A_764, %dma_wait3A_765] : memref<32x1000000xf32, #tpu.memory_space<hbm>> -> memref<32x128xf32, #tpu.memory_space<hbm>>
      %dma_wait3A_767 = arith.constant 0 : i32
      %dma_wait3A_768 = arith.constant 0 : i32
      %dma_wait3A_769 = tpu.memref_slice %arg4[%dma_wait3A_767, %dma_wait3A_768] : memref<32x1000000xf32, #tpu.memory_space<hbm>> -> memref<32x128xf32, #tpu.memory_space<hbm>>
      tpu.wait_dma2 semaphore(%arg32 : memref<!tpu.dma_semaphore, #tpu.memory_space<semaphore_mem>>) src(%dma_wait3A_769 : memref<32x128xf32, #tpu.memory_space<hbm>>) dst(%arg14 : memref<32x128xf32, #tpu.memory_space<vmem>>)
      %slice3A_770 = vector.extract_strided_slice %and3A_446 {offsets = [2], sizes = [1], strides = [1]} : vector<16xi32> to vector<1xi32>
      %squeeze3A_771 = vector.extract %slice3A_770[0] : i32 from vector<1xi32>
      %broadcast_in_dim3A_772 = vector.broadcast %squeeze3A_771 : i32 to vector<16xi32>
      %gather3A_773 = tpu.vector_load_idx %arg14[%iota3A, %broadcast_in_dim3A_772] : memref<32x128xf32, #tpu.memory_space<vmem>>[vector<16xi32>, vector<16xi32>], vector<16xf32>,
      %add3A_774 = arith.constant 16 : i32
      %add3A_775 = vector.broadcast %add3A_774 : i32 to vector<16xi32>
      %add3A_776 = arith.addi %iota3A, %add3A_775 : vector<16xi32>
      %gather3A_777 = tpu.vector_load_idx %arg14[%add3A_776, %broadcast_in_dim3A_772] : memref<32x128xf32, #tpu.memory_space<vmem>>[vector<16xi32>, vector<16xi32>], vector<16xf32>,
      %swap3A_778 = arith.index_cast %and3A_763 : i32 to index
      %swap3A_779 = arith.constant 0 : index
      %swap3A_780 = tpu.vector_load %arg26[%swap3A_778, %swap3A_779] {strides = array<i32>} : memref<128x32xf32, #tpu.memory_space<vmem>>, vector<16xf32>,
      tpu.vector_store %arg26[%swap3A_778, %swap3A_779], %gather3A_773 {strides = array<i32>} : memref<128x32xf32, #tpu.memory_space<vmem>>, vector<16xf32>,
      %swap3A_781 = arith.index_cast %and3A_763 : i32 to index
      %swap3A_782 = arith.constant 16 : index
      %swap3A_783 = tpu.vector_load %arg26[%swap3A_781, %swap3A_782] {strides = array<i32>} : memref<128x32xf32, #tpu.memory_space<vmem>>, vector<16xf32>,
      tpu.vector_store %arg26[%swap3A_781, %swap3A_782], %gather3A_777 {strides = array<i32>} : memref<128x32xf32, #tpu.memory_space<vmem>>, vector<16xf32>,
      %dma_wait3A_784 = arith.constant 0 : i32
      %dma_wait3A_785 = arith.constant 0 : i32
      %dma_wait3A_786 = tpu.memref_slice %arg4[%dma_wait3A_784, %dma_wait3A_785] : memref<32x1000000xf32, #tpu.memory_space<hbm>> -> memref<32x128xf32, #tpu.memory_space<hbm>>
      %dma_wait3A_787 = arith.constant 0 : i32
      %dma_wait3A_788 = arith.constant 0 : i32
      %dma_wait3A_789 = tpu.memref_slice %arg4[%dma_wait3A_787, %dma_wait3A_788] : memref<32x1000000xf32, #tpu.memory_space<hbm>> -> memref<32x128xf32, #tpu.memory_space<hbm>>
      tpu.wait_dma2 semaphore(%arg33 : memref<!tpu.dma_semaphore, #tpu.memory_space<semaphore_mem>>) src(%dma_wait3A_789 : memref<32x128xf32, #tpu.memory_space<hbm>>) dst(%arg15 : memref<32x128xf32, #tpu.memory_space<vmem>>)
      %slice3A_790 = vector.extract_strided_slice %and3A_452 {offsets = [2], sizes = [1], strides = [1]} : vector<16xi32> to vector<1xi32>
      %squeeze3A_791 = vector.extract %slice3A_790[0] : i32 from vector<1xi32>
      %broadcast_in_dim3A_792 = vector.broadcast %squeeze3A_791 : i32 to vector<16xi32>
      %gather3A_793 = tpu.vector_load_idx %arg15[%iota3A, %broadcast_in_dim3A_792] : memref<32x128xf32, #tpu.memory_space<vmem>>[vector<16xi32>, vector<16xi32>], vector<16xf32>,
      %add3A_794 = arith.constant 16 : i32
      %add3A_795 = vector.broadcast %add3A_794 : i32 to vector<16xi32>
      %add3A_796 = arith.addi %iota3A, %add3A_795 : vector<16xi32>
      %gather3A_797 = tpu.vector_load_idx %arg15[%add3A_796, %broadcast_in_dim3A_792] : memref<32x128xf32, #tpu.memory_space<vmem>>[vector<16xi32>, vector<16xi32>], vector<16xf32>,
      %swap3A_798 = arith.index_cast %and3A_763 : i32 to index
      %swap3A_799 = arith.constant 0 : index
      %swap3A_800 = tpu.vector_load %arg27[%swap3A_798, %swap3A_799] {strides = array<i32>} : memref<128x32xf32, #tpu.memory_space<vmem>>, vector<16xf32>,
      tpu.vector_store %arg27[%swap3A_798, %swap3A_799], %gather3A_793 {strides = array<i32>} : memref<128x32xf32, #tpu.memory_space<vmem>>, vector<16xf32>,
      %swap3A_801 = arith.index_cast %and3A_763 : i32 to index
      %swap3A_802 = arith.constant 16 : index
      %swap3A_803 = tpu.vector_load %arg27[%swap3A_801, %swap3A_802] {strides = array<i32>} : memref<128x32xf32, #tpu.memory_space<vmem>>, vector<16xf32>,
      tpu.vector_store %arg27[%swap3A_801, %swap3A_802], %gather3A_797 {strides = array<i32>} : memref<128x32xf32, #tpu.memory_space<vmem>>, vector<16xf32>,
      %mul3A_804 = arith.constant 4 : i32
      %mul3A_805 = arith.muli %mul3A_665, %mul3A_804 : i32
      %add3A_806 = arith.constant 3 : i32
      %add3A_807 = arith.addi %mul3A_805, %add3A_806 : i32
      %and3A_808 = arith.constant 127 : i32
      %and3A_809 = arith.andi %add3A_807, %and3A_808 : i32
      %dma_wait3A_810 = arith.constant 0 : i32
      %dma_wait3A_811 = arith.constant 0 : i32
      %dma_wait3A_812 = tpu.memref_slice %arg4[%dma_wait3A_810, %dma_wait3A_811] : memref<32x1000000xf32, #tpu.memory_space<hbm>> -> memref<32x128xf32, #tpu.memory_space<hbm>>
      %dma_wait3A_813 = arith.constant 0 : i32
      %dma_wait3A_814 = arith.constant 0 : i32
      %dma_wait3A_815 = tpu.memref_slice %arg4[%dma_wait3A_813, %dma_wait3A_814] : memref<32x1000000xf32, #tpu.memory_space<hbm>> -> memref<32x128xf32, #tpu.memory_space<hbm>>
      tpu.wait_dma2 semaphore(%arg34 : memref<!tpu.dma_semaphore, #tpu.memory_space<semaphore_mem>>) src(%dma_wait3A_815 : memref<32x128xf32, #tpu.memory_space<hbm>>) dst(%arg16 : memref<32x128xf32, #tpu.memory_space<vmem>>)
      %slice3A_816 = vector.extract_strided_slice %and3A_446 {offsets = [3], sizes = [1], strides = [1]} : vector<16xi32> to vector<1xi32>
      %squeeze3A_817 = vector.extract %slice3A_816[0] : i32 from vector<1xi32>
      %broadcast_in_dim3A_818 = vector.broadcast %squeeze3A_817 : i32 to vector<16xi32>
      %gather3A_819 = tpu.vector_load_idx %arg16[%iota3A, %broadcast_in_dim3A_818] : memref<32x128xf32, #tpu.memory_space<vmem>>[vector<16xi32>, vector<16xi32>], vector<16xf32>,
      %add3A_820 = arith.constant 16 : i32
      %add3A_821 = vector.broadcast %add3A_820 : i32 to vector<16xi32>
      %add3A_822 = arith.addi %iota3A, %add3A_821 : vector<16xi32>
      %gather3A_823 = tpu.vector_load_idx %arg16[%add3A_822, %broadcast_in_dim3A_818] : memref<32x128xf32, #tpu.memory_space<vmem>>[vector<16xi32>, vector<16xi32>], vector<16xf32>,
      %swap3A_824 = arith.index_cast %and3A_809 : i32 to index
      %swap3A_825 = arith.constant 0 : index
      %swap3A_826 = tpu.vector_load %arg26[%swap3A_824, %swap3A_825] {strides = array<i32>} : memref<128x32xf32, #tpu.memory_space<vmem>>, vector<16xf32>,
      tpu.vector_store %arg26[%swap3A_824, %swap3A_825], %gather3A_819 {strides = array<i32>} : memref<128x32xf32, #tpu.memory_space<vmem>>, vector<16xf32>,
      %swap3A_827 = arith.index_cast %and3A_809 : i32 to index
      %swap3A_828 = arith.constant 16 : index
      %swap3A_829 = tpu.vector_load %arg26[%swap3A_827, %swap3A_828] {strides = array<i32>} : memref<128x32xf32, #tpu.memory_space<vmem>>, vector<16xf32>,
      tpu.vector_store %arg26[%swap3A_827, %swap3A_828], %gather3A_823 {strides = array<i32>} : memref<128x32xf32, #tpu.memory_space<vmem>>, vector<16xf32>,
      %dma_wait3A_830 = arith.constant 0 : i32
      %dma_wait3A_831 = arith.constant 0 : i32
      %dma_wait3A_832 = tpu.memref_slice %arg4[%dma_wait3A_830, %dma_wait3A_831] : memref<32x1000000xf32, #tpu.memory_space<hbm>> -> memref<32x128xf32, #tpu.memory_space<hbm>>
      %dma_wait3A_833 = arith.constant 0 : i32
      %dma_wait3A_834 = arith.constant 0 : i32
      %dma_wait3A_835 = tpu.memref_slice %arg4[%dma_wait3A_833, %dma_wait3A_834] : memref<32x1000000xf32, #tpu.memory_space<hbm>> -> memref<32x128xf32, #tpu.memory_space<hbm>>
      tpu.wait_dma2 semaphore(%arg35 : memref<!tpu.dma_semaphore, #tpu.memory_space<semaphore_mem>>) src(%dma_wait3A_835 : memref<32x128xf32, #tpu.memory_space<hbm>>) dst(%arg17 : memref<32x128xf32, #tpu.memory_space<vmem>>)
      %slice3A_836 = vector.extract_strided_slice %and3A_452 {offsets = [3], sizes = [1], strides = [1]} : vector<16xi32> to vector<1xi32>
      %squeeze3A_837 = vector.extract %slice3A_836[0] : i32 from vector<1xi32>
      %broadcast_in_dim3A_838 = vector.broadcast %squeeze3A_837 : i32 to vector<16xi32>
      %gather3A_839 = tpu.vector_load_idx %arg17[%iota3A, %broadcast_in_dim3A_838] : memref<32x128xf32, #tpu.memory_space<vmem>>[vector<16xi32>, vector<16xi32>], vector<16xf32>,
      %add3A_840 = arith.constant 16 : i32
      %add3A_841 = vector.broadcast %add3A_840 : i32 to vector<16xi32>
      %add3A_842 = arith.addi %iota3A, %add3A_841 : vector<16xi32>
      %gather3A_843 = tpu.vector_load_idx %arg17[%add3A_842, %broadcast_in_dim3A_838] : memref<32x128xf32, #tpu.memory_space<vmem>>[vector<16xi32>, vector<16xi32>], vector<16xf32>,
      %swap3A_844 = arith.index_cast %and3A_809 : i32 to index
      %swap3A_845 = arith.constant 0 : index
      %swap3A_846 = tpu.vector_load %arg27[%swap3A_844, %swap3A_845] {strides = array<i32>} : memref<128x32xf32, #tpu.memory_space<vmem>>, vector<16xf32>,
      tpu.vector_store %arg27[%swap3A_844, %swap3A_845], %gather3A_839 {strides = array<i32>} : memref<128x32xf32, #tpu.memory_space<vmem>>, vector<16xf32>,
      %swap3A_847 = arith.index_cast %and3A_809 : i32 to index
      %swap3A_848 = arith.constant 16 : index
      %swap3A_849 = tpu.vector_load %arg27[%swap3A_847, %swap3A_848] {strides = array<i32>} : memref<128x32xf32, #tpu.memory_space<vmem>>, vector<16xf32>,
      tpu.vector_store %arg27[%swap3A_847, %swap3A_848], %gather3A_843 {strides = array<i32>} : memref<128x32xf32, #tpu.memory_space<vmem>>, vector<16xf32>,
      %slice3A_850 = vector.extract_strided_slice %shift_right_arithmetic3A_443 {offsets = [8], sizes = [1], strides = [1]} : vector<16xi32> to vector<1xi32>
      %squeeze3A_851 = vector.extract %slice3A_850[0] : i32 from vector<1xi32>
      %ge3A_852 = arith.constant 7812 : i32
      %ge3A_853 = arith.cmpi sge, %squeeze3A_851, %ge3A_852 : i32
      %mul3A_854 = arith.constant 128 : i32
      %mul3A_855 = arith.muli %squeeze3A_851, %mul3A_854 : i32
      %jit3A_856 = arith.constant 0 : i32
      %select_n3A_857 = arith.select %ge3A_853, %jit3A_856, %mul3A_855 : i32
      %multiple_of3A_858 = tpu.assume_multiple %select_n3A_857, 128 : i32
      %dma_start3A_859 = arith.constant 0 : i32
      %dma_start3A_860 = tpu.memref_slice %arg4[%dma_start3A_859, %multiple_of3A_858] : memref<32x1000000xf32, #tpu.memory_space<hbm>> -> memref<32x128xf32, #tpu.memory_space<hbm>>
      %dma_start3A_861 = arith.constant 0 : i32
      %dma_start3A_862 = tpu.memref_slice %arg4[%dma_start3A_861, %multiple_of3A_858] : memref<32x1000000xf32, #tpu.memory_space<hbm>> -> memref<32x128xf32, #tpu.memory_space<hbm>>
      tpu.enqueue_dma source(%dma_start3A_862 : memref<32x128xf32, #tpu.memory_space<hbm>>) target(%arg10 : memref<32x128xf32, #tpu.memory_space<vmem>>) target_semaphore(%arg28 : memref<!tpu.dma_semaphore, #tpu.memory_space<semaphore_mem>>)
      %slice3A_863 = vector.extract_strided_slice %shift_right_arithmetic3A_449 {offsets = [8], sizes = [1], strides = [1]} : vector<16xi32> to vector<1xi32>
      %squeeze3A_864 = vector.extract %slice3A_863[0] : i32 from vector<1xi32>
      %ge3A_865 = arith.constant 7812 : i32
      %ge3A_866 = arith.cmpi sge, %squeeze3A_864, %ge3A_865 : i32
      %mul3A_867 = arith.constant 128 : i32
      %mul3A_868 = arith.muli %squeeze3A_864, %mul3A_867 : i32
      %jit3A_869 = arith.constant 0 : i32
      %select_n3A_870 = arith.select %ge3A_866, %jit3A_869, %mul3A_868 : i32
      %multiple_of3A_871 = tpu.assume_multiple %select_n3A_870, 128 : i32
      %dma_start3A_872 = arith.constant 0 : i32
      %dma_start3A_873 = tpu.memref_slice %arg5[%dma_start3A_872, %multiple_of3A_871] : memref<32x1000000xf32, #tpu.memory_space<hbm>> -> memref<32x128xf32, #tpu.memory_space<hbm>>
      %dma_start3A_874 = arith.constant 0 : i32
      %dma_start3A_875 = tpu.memref_slice %arg5[%dma_start3A_874, %multiple_of3A_871] : memref<32x1000000xf32, #tpu.memory_space<hbm>> -> memref<32x128xf32, #tpu.memory_space<hbm>>
      tpu.enqueue_dma source(%dma_start3A_875 : memref<32x128xf32, #tpu.memory_space<hbm>>) target(%arg11 : memref<32x128xf32, #tpu.memory_space<vmem>>) target_semaphore(%arg29 : memref<!tpu.dma_semaphore, #tpu.memory_space<semaphore_mem>>)
      %slice3A_876 = vector.extract_strided_slice %shift_right_arithmetic3A_443 {offsets = [9], sizes = [1], strides = [1]} : vector<16xi32> to vector<1xi32>
      %squeeze3A_877 = vector.extract %slice3A_876[0] : i32 from vector<1xi32>
      %ge3A_878 = arith.constant 7812 : i32
      %ge3A_879 = arith.cmpi sge, %squeeze3A_877, %ge3A_878 : i32
      %mul3A_880 = arith.constant 128 : i32
      %mul3A_881 = arith.muli %squeeze3A_877, %mul3A_880 : i32
      %jit3A_882 = arith.constant 0 : i32
      %select_n3A_883 = arith.select %ge3A_879, %jit3A_882, %mul3A_881 : i32
      %multiple_of3A_884 = tpu.assume_multiple %select_n3A_883, 128 : i32
      %dma_start3A_885 = arith.constant 0 : i32
      %dma_start3A_886 = tpu.memref_slice %arg4[%dma_start3A_885, %multiple_of3A_884] : memref<32x1000000xf32, #tpu.memory_space<hbm>> -> memref<32x128xf32, #tpu.memory_space<hbm>>
      %dma_start3A_887 = arith.constant 0 : i32
      %dma_start3A_888 = tpu.memref_slice %arg4[%dma_start3A_887, %multiple_of3A_884] : memref<32x1000000xf32, #tpu.memory_space<hbm>> -> memref<32x128xf32, #tpu.memory_space<hbm>>
      tpu.enqueue_dma source(%dma_start3A_888 : memref<32x128xf32, #tpu.memory_space<hbm>>) target(%arg12 : memref<32x128xf32, #tpu.memory_space<vmem>>) target_semaphore(%arg30 : memref<!tpu.dma_semaphore, #tpu.memory_space<semaphore_mem>>)
      %slice3A_889 = vector.extract_strided_slice %shift_right_arithmetic3A_449 {offsets = [9], sizes = [1], strides = [1]} : vector<16xi32> to vector<1xi32>
      %squeeze3A_890 = vector.extract %slice3A_889[0] : i32 from vector<1xi32>
      %ge3A_891 = arith.constant 7812 : i32
      %ge3A_892 = arith.cmpi sge, %squeeze3A_890, %ge3A_891 : i32
      %mul3A_893 = arith.constant 128 : i32
      %mul3A_894 = arith.muli %squeeze3A_890, %mul3A_893 : i32
      %jit3A_895 = arith.constant 0 : i32
      %select_n3A_896 = arith.select %ge3A_892, %jit3A_895, %mul3A_894 : i32
      %multiple_of3A_897 = tpu.assume_multiple %select_n3A_896, 128 : i32
      %dma_start3A_898 = arith.constant 0 : i32
      %dma_start3A_899 = tpu.memref_slice %arg5[%dma_start3A_898, %multiple_of3A_897] : memref<32x1000000xf32, #tpu.memory_space<hbm>> -> memref<32x128xf32, #tpu.memory_space<hbm>>
      %dma_start3A_900 = arith.constant 0 : i32
      %dma_start3A_901 = tpu.memref_slice %arg5[%dma_start3A_900, %multiple_of3A_897] : memref<32x1000000xf32, #tpu.memory_space<hbm>> -> memref<32x128xf32, #tpu.memory_space<hbm>>
      tpu.enqueue_dma source(%dma_start3A_901 : memref<32x128xf32, #tpu.memory_space<hbm>>) target(%arg13 : memref<32x128xf32, #tpu.memory_space<vmem>>) target_semaphore(%arg31 : memref<!tpu.dma_semaphore, #tpu.memory_space<semaphore_mem>>)
      %slice3A_902 = vector.extract_strided_slice %shift_right_arithmetic3A_443 {offsets = [10], sizes = [1], strides = [1]} : vector<16xi32> to vector<1xi32>
      %squeeze3A_903 = vector.extract %slice3A_902[0] : i32 from vector<1xi32>
      %ge3A_904 = arith.constant 7812 : i32
      %ge3A_905 = arith.cmpi sge, %squeeze3A_903, %ge3A_904 : i32
      %mul3A_906 = arith.constant 128 : i32
      %mul3A_907 = arith.muli %squeeze3A_903, %mul3A_906 : i32
      %jit3A_908 = arith.constant 0 : i32
      %select_n3A_909 = arith.select %ge3A_905, %jit3A_908, %mul3A_907 : i32
      %multiple_of3A_910 = tpu.assume_multiple %select_n3A_909, 128 : i32
      %dma_start3A_911 = arith.constant 0 : i32
      %dma_start3A_912 = tpu.memref_slice %arg4[%dma_start3A_911, %multiple_of3A_910] : memref<32x1000000xf32, #tpu.memory_space<hbm>> -> memref<32x128xf32, #tpu.memory_space<hbm>>
      %dma_start3A_913 = arith.constant 0 : i32
      %dma_start3A_914 = tpu.memref_slice %arg4[%dma_start3A_913, %multiple_of3A_910] : memref<32x1000000xf32, #tpu.memory_space<hbm>> -> memref<32x128xf32, #tpu.memory_space<hbm>>
      tpu.enqueue_dma source(%dma_start3A_914 : memref<32x128xf32, #tpu.memory_space<hbm>>) target(%arg14 : memref<32x128xf32, #tpu.memory_space<vmem>>) target_semaphore(%arg32 : memref<!tpu.dma_semaphore, #tpu.memory_space<semaphore_mem>>)
      %slice3A_915 = vector.extract_strided_slice %shift_right_arithmetic3A_449 {offsets = [10], sizes = [1], strides = [1]} : vector<16xi32> to vector<1xi32>
      %squeeze3A_916 = vector.extract %slice3A_915[0] : i32 from vector<1xi32>
      %ge3A_917 = arith.constant 7812 : i32
      %ge3A_918 = arith.cmpi sge, %squeeze3A_916, %ge3A_917 : i32
      %mul3A_919 = arith.constant 128 : i32
      %mul3A_920 = arith.muli %squeeze3A_916, %mul3A_919 : i32
      %jit3A_921 = arith.constant 0 : i32
      %select_n3A_922 = arith.select %ge3A_918, %jit3A_921, %mul3A_920 : i32
      %multiple_of3A_923 = tpu.assume_multiple %select_n3A_922, 128 : i32
      %dma_start3A_924 = arith.constant 0 : i32
      %dma_start3A_925 = tpu.memref_slice %arg5[%dma_start3A_924, %multiple_of3A_923] : memref<32x1000000xf32, #tpu.memory_space<hbm>> -> memref<32x128xf32, #tpu.memory_space<hbm>>
      %dma_start3A_926 = arith.constant 0 : i32
      %dma_start3A_927 = tpu.memref_slice %arg5[%dma_start3A_926, %multiple_of3A_923] : memref<32x1000000xf32, #tpu.memory_space<hbm>> -> memref<32x128xf32, #tpu.memory_space<hbm>>
      tpu.enqueue_dma source(%dma_start3A_927 : memref<32x128xf32, #tpu.memory_space<hbm>>) target(%arg15 : memref<32x128xf32, #tpu.memory_space<vmem>>) target_semaphore(%arg33 : memref<!tpu.dma_semaphore, #tpu.memory_space<semaphore_mem>>)
      %slice3A_928 = vector.extract_strided_slice %shift_right_arithmetic3A_443 {offsets = [11], sizes = [1], strides = [1]} : vector<16xi32> to vector<1xi32>
      %squeeze3A_929 = vector.extract %slice3A_928[0] : i32 from vector<1xi32>
      %ge3A_930 = arith.constant 7812 : i32
      %ge3A_931 = arith.cmpi sge, %squeeze3A_929, %ge3A_930 : i32
      %mul3A_932 = arith.constant 128 : i32
      %mul3A_933 = arith.muli %squeeze3A_929, %mul3A_932 : i32
      %jit3A_934 = arith.constant 0 : i32
      %select_n3A_935 = arith.select %ge3A_931, %jit3A_934, %mul3A_933 : i32
      %multiple_of3A_936 = tpu.assume_multiple %select_n3A_935, 128 : i32
      %dma_start3A_937 = arith.constant 0 : i32
      %dma_start3A_938 = tpu.memref_slice %arg4[%dma_start3A_937, %multiple_of3A_936] : memref<32x1000000xf32, #tpu.memory_space<hbm>> -> memref<32x128xf32, #tpu.memory_space<hbm>>
      %dma_start3A_939 = arith.constant 0 : i32
      %dma_start3A_940 = tpu.memref_slice %arg4[%dma_start3A_939, %multiple_of3A_936] : memref<32x1000000xf32, #tpu.memory_space<hbm>> -> memref<32x128xf32, #tpu.memory_space<hbm>>
      tpu.enqueue_dma source(%dma_start3A_940 : memref<32x128xf32, #tpu.memory_space<hbm>>) target(%arg16 : memref<32x128xf32, #tpu.memory_space<vmem>>) target_semaphore(%arg34 : memref<!tpu.dma_semaphore, #tpu.memory_space<semaphore_mem>>)
      %slice3A_941 = vector.extract_strided_slice %shift_right_arithmetic3A_449 {offsets = [11], sizes = [1], strides = [1]} : vector<16xi32> to vector<1xi32>
      %squeeze3A_942 = vector.extract %slice3A_941[0] : i32 from vector<1xi32>
      %ge3A_943 = arith.constant 7812 : i32
      %ge3A_944 = arith.cmpi sge, %squeeze3A_942, %ge3A_943 : i32
      %mul3A_945 = arith.constant 128 : i32
      %mul3A_946 = arith.muli %squeeze3A_942, %mul3A_945 : i32
      %jit3A_947 = arith.constant 0 : i32
      %select_n3A_948 = arith.select %ge3A_944, %jit3A_947, %mul3A_946 : i32
      %multiple_of3A_949 = tpu.assume_multiple %select_n3A_948, 128 : i32
      %dma_start3A_950 = arith.constant 0 : i32
      %dma_start3A_951 = tpu.memref_slice %arg5[%dma_start3A_950, %multiple_of3A_949] : memref<32x1000000xf32, #tpu.memory_space<hbm>> -> memref<32x128xf32, #tpu.memory_space<hbm>>
      %dma_start3A_952 = arith.constant 0 : i32
      %dma_start3A_953 = tpu.memref_slice %arg5[%dma_start3A_952, %multiple_of3A_949] : memref<32x1000000xf32, #tpu.memory_space<hbm>> -> memref<32x128xf32, #tpu.memory_space<hbm>>
      tpu.enqueue_dma source(%dma_start3A_953 : memref<32x128xf32, #tpu.memory_space<hbm>>) target(%arg17 : memref<32x128xf32, #tpu.memory_space<vmem>>) target_semaphore(%arg35 : memref<!tpu.dma_semaphore, #tpu.memory_space<semaphore_mem>>)
      %mul3A_954 = arith.constant 4 : i32
      %mul3A_955 = arith.muli %mul3A_954, %add3A_432 : i32
      %add3A_956 = arith.constant 1 : i32
      %add3A_957 = arith.addi %mul3A_955, %add3A_956 : i32
      %mul3A_958 = arith.constant 4 : i32
      %mul3A_959 = arith.muli %add3A_957, %mul3A_958 : i32
      %add3A_960 = arith.constant 0 : i32
      %add3A_961 = arith.addi %mul3A_959, %add3A_960 : i32
      %and3A_962 = arith.constant 127 : i32
      %and3A_963 = arith.andi %add3A_961, %and3A_962 : i32
      %dma_wait3A_964 = arith.constant 0 : i32
      %dma_wait3A_965 = arith.constant 0 : i32
      %dma_wait3A_966 = tpu.memref_slice %arg4[%dma_wait3A_964, %dma_wait3A_965] : memref<32x1000000xf32, #tpu.memory_space<hbm>> -> memref<32x128xf32, #tpu.memory_space<hbm>>
      %dma_wait3A_967 = arith.constant 0 : i32
      %dma_wait3A_968 = arith.constant 0 : i32
      %dma_wait3A_969 = tpu.memref_slice %arg4[%dma_wait3A_967, %dma_wait3A_968] : memref<32x1000000xf32, #tpu.memory_space<hbm>> -> memref<32x128xf32, #tpu.memory_space<hbm>>
      tpu.wait_dma2 semaphore(%arg36 : memref<!tpu.dma_semaphore, #tpu.memory_space<semaphore_mem>>) src(%dma_wait3A_969 : memref<32x128xf32, #tpu.memory_space<hbm>>) dst(%arg18 : memref<32x128xf32, #tpu.memory_space<vmem>>)
      %slice3A_970 = vector.extract_strided_slice %and3A_446 {offsets = [4], sizes = [1], strides = [1]} : vector<16xi32> to vector<1xi32>
      %squeeze3A_971 = vector.extract %slice3A_970[0] : i32 from vector<1xi32>
      %broadcast_in_dim3A_972 = vector.broadcast %squeeze3A_971 : i32 to vector<16xi32>
      %gather3A_973 = tpu.vector_load_idx %arg18[%iota3A, %broadcast_in_dim3A_972] : memref<32x128xf32, #tpu.memory_space<vmem>>[vector<16xi32>, vector<16xi32>], vector<16xf32>,
      %add3A_974 = arith.constant 16 : i32
      %add3A_975 = vector.broadcast %add3A_974 : i32 to vector<16xi32>
      %add3A_976 = arith.addi %iota3A, %add3A_975 : vector<16xi32>
      %gather3A_977 = tpu.vector_load_idx %arg18[%add3A_976, %broadcast_in_dim3A_972] : memref<32x128xf32, #tpu.memory_space<vmem>>[vector<16xi32>, vector<16xi32>], vector<16xf32>,
      %swap3A_978 = arith.index_cast %and3A_963 : i32 to index
      %swap3A_979 = arith.constant 0 : index
      %swap3A_980 = tpu.vector_load %arg26[%swap3A_978, %swap3A_979] {strides = array<i32>} : memref<128x32xf32, #tpu.memory_space<vmem>>, vector<16xf32>,
      tpu.vector_store %arg26[%swap3A_978, %swap3A_979], %gather3A_973 {strides = array<i32>} : memref<128x32xf32, #tpu.memory_space<vmem>>, vector<16xf32>,
      %swap3A_981 = arith.index_cast %and3A_963 : i32 to index
      %swap3A_982 = arith.constant 16 : index
      %swap3A_983 = tpu.vector_load %arg26[%swap3A_981, %swap3A_982] {strides = array<i32>} : memref<128x32xf32, #tpu.memory_space<vmem>>, vector<16xf32>,
      tpu.vector_store %arg26[%swap3A_981, %swap3A_982], %gather3A_977 {strides = array<i32>} : memref<128x32xf32, #tpu.memory_space<vmem>>, vector<16xf32>,
      %dma_wait3A_984 = arith.constant 0 : i32
      %dma_wait3A_985 = arith.constant 0 : i32
      %dma_wait3A_986 = tpu.memref_slice %arg4[%dma_wait3A_984, %dma_wait3A_985] : memref<32x1000000xf32, #tpu.memory_space<hbm>> -> memref<32x128xf32, #tpu.memory_space<hbm>>
      %dma_wait3A_987 = arith.constant 0 : i32
      %dma_wait3A_988 = arith.constant 0 : i32
      %dma_wait3A_989 = tpu.memref_slice %arg4[%dma_wait3A_987, %dma_wait3A_988] : memref<32x1000000xf32, #tpu.memory_space<hbm>> -> memref<32x128xf32, #tpu.memory_space<hbm>>
      tpu.wait_dma2 semaphore(%arg37 : memref<!tpu.dma_semaphore, #tpu.memory_space<semaphore_mem>>) src(%dma_wait3A_989 : memref<32x128xf32, #tpu.memory_space<hbm>>) dst(%arg19 : memref<32x128xf32, #tpu.memory_space<vmem>>)
      %slice3A_990 = vector.extract_strided_slice %and3A_452 {offsets = [4], sizes = [1], strides = [1]} : vector<16xi32> to vector<1xi32>
      %squeeze3A_991 = vector.extract %slice3A_990[0] : i32 from vector<1xi32>
      %broadcast_in_dim3A_992 = vector.broadcast %squeeze3A_991 : i32 to vector<16xi32>
      %gather3A_993 = tpu.vector_load_idx %arg19[%iota3A, %broadcast_in_dim3A_992] : memref<32x128xf32, #tpu.memory_space<vmem>>[vector<16xi32>, vector<16xi32>], vector<16xf32>,
      %add3A_994 = arith.constant 16 : i32
      %add3A_995 = vector.broadcast %add3A_994 : i32 to vector<16xi32>
      %add3A_996 = arith.addi %iota3A, %add3A_995 : vector<16xi32>
      %gather3A_997 = tpu.vector_load_idx %arg19[%add3A_996, %broadcast_in_dim3A_992] : memref<32x128xf32, #tpu.memory_space<vmem>>[vector<16xi32>, vector<16xi32>], vector<16xf32>,
      %swap3A_998 = arith.index_cast %and3A_963 : i32 to index
      %swap3A_999 = arith.constant 0 : index
      %swap3A_1000 = tpu.vector_load %arg27[%swap3A_998, %swap3A_999] {strides = array<i32>} : memref<128x32xf32, #tpu.memory_space<vmem>>, vector<16xf32>,
      tpu.vector_store %arg27[%swap3A_998, %swap3A_999], %gather3A_993 {strides = array<i32>} : memref<128x32xf32, #tpu.memory_space<vmem>>, vector<16xf32>,
      %swap3A_1001 = arith.index_cast %and3A_963 : i32 to index
      %swap3A_1002 = arith.constant 16 : index
      %swap3A_1003 = tpu.vector_load %arg27[%swap3A_1001, %swap3A_1002] {strides = array<i32>} : memref<128x32xf32, #tpu.memory_space<vmem>>, vector<16xf32>,
      tpu.vector_store %arg27[%swap3A_1001, %swap3A_1002], %gather3A_997 {strides = array<i32>} : memref<128x32xf32, #tpu.memory_space<vmem>>, vector<16xf32>,
      %mul3A_1004 = arith.constant 4 : i32
      %mul3A_1005 = arith.muli %add3A_957, %mul3A_1004 : i32
      %add3A_1006 = arith.constant 1 : i32
      %add3A_1007 = arith.addi %mul3A_1005, %add3A_1006 : i32
      %and3A_1008 = arith.constant 127 : i32
      %and3A_1009 = arith.andi %add3A_1007, %and3A_1008 : i32
      %dma_wait3A_1010 = arith.constant 0 : i32
      %dma_wait3A_1011 = arith.constant 0 : i32
      %dma_wait3A_1012 = tpu.memref_slice %arg4[%dma_wait3A_1010, %dma_wait3A_1011] : memref<32x1000000xf32, #tpu.memory_space<hbm>> -> memref<32x128xf32, #tpu.memory_space<hbm>>
      %dma_wait3A_1013 = arith.constant 0 : i32
      %dma_wait3A_1014 = arith.constant 0 : i32
      %dma_wait3A_1015 = tpu.memref_slice %arg4[%dma_wait3A_1013, %dma_wait3A_1014] : memref<32x1000000xf32, #tpu.memory_space<hbm>> -> memref<32x128xf32, #tpu.memory_space<hbm>>
      tpu.wait_dma2 semaphore(%arg38 : memref<!tpu.dma_semaphore, #tpu.memory_space<semaphore_mem>>) src(%dma_wait3A_1015 : memref<32x128xf32, #tpu.memory_space<hbm>>) dst(%arg20 : memref<32x128xf32, #tpu.memory_space<vmem>>)
      %slice3A_1016 = vector.extract_strided_slice %and3A_446 {offsets = [5], sizes = [1], strides = [1]} : vector<16xi32> to vector<1xi32>
      %squeeze3A_1017 = vector.extract %slice3A_1016[0] : i32 from vector<1xi32>
      %broadcast_in_dim3A_1018 = vector.broadcast %squeeze3A_1017 : i32 to vector<16xi32>
      %gather3A_1019 = tpu.vector_load_idx %arg20[%iota3A, %broadcast_in_dim3A_1018] : memref<32x128xf32, #tpu.memory_space<vmem>>[vector<16xi32>, vector<16xi32>], vector<16xf32>,
      %add3A_1020 = arith.constant 16 : i32
      %add3A_1021 = vector.broadcast %add3A_1020 : i32 to vector<16xi32>
      %add3A_1022 = arith.addi %iota3A, %add3A_1021 : vector<16xi32>
      %gather3A_1023 = tpu.vector_load_idx %arg20[%add3A_1022, %broadcast_in_dim3A_1018] : memref<32x128xf32, #tpu.memory_space<vmem>>[vector<16xi32>, vector<16xi32>], vector<16xf32>,
      %swap3A_1024 = arith.index_cast %and3A_1009 : i32 to index
      %swap3A_1025 = arith.constant 0 : index
      %swap3A_1026 = tpu.vector_load %arg26[%swap3A_1024, %swap3A_1025] {strides = array<i32>} : memref<128x32xf32, #tpu.memory_space<vmem>>, vector<16xf32>,
      tpu.vector_store %arg26[%swap3A_1024, %swap3A_1025], %gather3A_1019 {strides = array<i32>} : memref<128x32xf32, #tpu.memory_space<vmem>>, vector<16xf32>,
      %swap3A_1027 = arith.index_cast %and3A_1009 : i32 to index
      %swap3A_1028 = arith.constant 16 : index
      %swap3A_1029 = tpu.vector_load %arg26[%swap3A_1027, %swap3A_1028] {strides = array<i32>} : memref<128x32xf32, #tpu.memory_space<vmem>>, vector<16xf32>,
      tpu.vector_store %arg26[%swap3A_1027, %swap3A_1028], %gather3A_1023 {strides = array<i32>} : memref<128x32xf32, #tpu.memory_space<vmem>>, vector<16xf32>,
      %dma_wait3A_1030 = arith.constant 0 : i32
      %dma_wait3A_1031 = arith.constant 0 : i32
      %dma_wait3A_1032 = tpu.memref_slice %arg4[%dma_wait3A_1030, %dma_wait3A_1031] : memref<32x1000000xf32, #tpu.memory_space<hbm>> -> memref<32x128xf32, #tpu.memory_space<hbm>>
      %dma_wait3A_1033 = arith.constant 0 : i32
      %dma_wait3A_1034 = arith.constant 0 : i32
      %dma_wait3A_1035 = tpu.memref_slice %arg4[%dma_wait3A_1033, %dma_wait3A_1034] : memref<32x1000000xf32, #tpu.memory_space<hbm>> -> memref<32x128xf32, #tpu.memory_space<hbm>>
      tpu.wait_dma2 semaphore(%arg39 : memref<!tpu.dma_semaphore, #tpu.memory_space<semaphore_mem>>) src(%dma_wait3A_1035 : memref<32x128xf32, #tpu.memory_space<hbm>>) dst(%arg21 : memref<32x128xf32, #tpu.memory_space<vmem>>)
      %slice3A_1036 = vector.extract_strided_slice %and3A_452 {offsets = [5], sizes = [1], strides = [1]} : vector<16xi32> to vector<1xi32>
      %squeeze3A_1037 = vector.extract %slice3A_1036[0] : i32 from vector<1xi32>
      %broadcast_in_dim3A_1038 = vector.broadcast %squeeze3A_1037 : i32 to vector<16xi32>
      %gather3A_1039 = tpu.vector_load_idx %arg21[%iota3A, %broadcast_in_dim3A_1038] : memref<32x128xf32, #tpu.memory_space<vmem>>[vector<16xi32>, vector<16xi32>], vector<16xf32>,
      %add3A_1040 = arith.constant 16 : i32
      %add3A_1041 = vector.broadcast %add3A_1040 : i32 to vector<16xi32>
      %add3A_1042 = arith.addi %iota3A, %add3A_1041 : vector<16xi32>
      %gather3A_1043 = tpu.vector_load_idx %arg21[%add3A_1042, %broadcast_in_dim3A_1038] : memref<32x128xf32, #tpu.memory_space<vmem>>[vector<16xi32>, vector<16xi32>], vector<16xf32>,
      %swap3A_1044 = arith.index_cast %and3A_1009 : i32 to index
      %swap3A_1045 = arith.constant 0 : index
      %swap3A_1046 = tpu.vector_load %arg27[%swap3A_1044, %swap3A_1045] {strides = array<i32>} : memref<128x32xf32, #tpu.memory_space<vmem>>, vector<16xf32>,
      tpu.vector_store %arg27[%swap3A_1044, %swap3A_1045], %gather3A_1039 {strides = array<i32>} : memref<128x32xf32, #tpu.memory_space<vmem>>, vector<16xf32>,
      %swap3A_1047 = arith.index_cast %and3A_1009 : i32 to index
      %swap3A_1048 = arith.constant 16 : index
      %swap3A_1049 = tpu.vector_load %arg27[%swap3A_1047, %swap3A_1048] {strides = array<i32>} : memref<128x32xf32, #tpu.memory_space<vmem>>, vector<16xf32>,
      tpu.vector_store %arg27[%swap3A_1047, %swap3A_1048], %gather3A_1043 {strides = array<i32>} : memref<128x32xf32, #tpu.memory_space<vmem>>, vector<16xf32>,
      %mul3A_1050 = arith.constant 4 : i32
      %mul3A_1051 = arith.muli %add3A_957, %mul3A_1050 : i32
      %add3A_1052 = arith.constant 2 : i32
      %add3A_1053 = arith.addi %mul3A_1051, %add3A_1052 : i32
      %and3A_1054 = arith.constant 127 : i32
      %and3A_1055 = arith.andi %add3A_1053, %and3A_1054 : i32
      %dma_wait3A_1056 = arith.constant 0 : i32
      %dma_wait3A_1057 = arith.constant 0 : i32
      %dma_wait3A_1058 = tpu.memref_slice %arg4[%dma_wait3A_1056, %dma_wait3A_1057] : memref<32x1000000xf32, #tpu.memory_space<hbm>> -> memref<32x128xf32, #tpu.memory_space<hbm>>
      %dma_wait3A_1059 = arith.constant 0 : i32
      %dma_wait3A_1060 = arith.constant 0 : i32
      %dma_wait3A_1061 = tpu.memref_slice %arg4[%dma_wait3A_1059, %dma_wait3A_1060] : memref<32x1000000xf32, #tpu.memory_space<hbm>> -> memref<32x128xf32, #tpu.memory_space<hbm>>
      tpu.wait_dma2 semaphore(%arg40 : memref<!tpu.dma_semaphore, #tpu.memory_space<semaphore_mem>>) src(%dma_wait3A_1061 : memref<32x128xf32, #tpu.memory_space<hbm>>) dst(%arg22 : memref<32x128xf32, #tpu.memory_space<vmem>>)
      %slice3A_1062 = vector.extract_strided_slice %and3A_446 {offsets = [6], sizes = [1], strides = [1]} : vector<16xi32> to vector<1xi32>
      %squeeze3A_1063 = vector.extract %slice3A_1062[0] : i32 from vector<1xi32>
      %broadcast_in_dim3A_1064 = vector.broadcast %squeeze3A_1063 : i32 to vector<16xi32>
      %gather3A_1065 = tpu.vector_load_idx %arg22[%iota3A, %broadcast_in_dim3A_1064] : memref<32x128xf32, #tpu.memory_space<vmem>>[vector<16xi32>, vector<16xi32>], vector<16xf32>,
      %add3A_1066 = arith.constant 16 : i32
      %add3A_1067 = vector.broadcast %add3A_1066 : i32 to vector<16xi32>
      %add3A_1068 = arith.addi %iota3A, %add3A_1067 : vector<16xi32>
      %gather3A_1069 = tpu.vector_load_idx %arg22[%add3A_1068, %broadcast_in_dim3A_1064] : memref<32x128xf32, #tpu.memory_space<vmem>>[vector<16xi32>, vector<16xi32>], vector<16xf32>,
      %swap3A_1070 = arith.index_cast %and3A_1055 : i32 to index
      %swap3A_1071 = arith.constant 0 : index
      %swap3A_1072 = tpu.vector_load %arg26[%swap3A_1070, %swap3A_1071] {strides = array<i32>} : memref<128x32xf32, #tpu.memory_space<vmem>>, vector<16xf32>,
      tpu.vector_store %arg26[%swap3A_1070, %swap3A_1071], %gather3A_1065 {strides = array<i32>} : memref<128x32xf32, #tpu.memory_space<vmem>>, vector<16xf32>,
      %swap3A_1073 = arith.index_cast %and3A_1055 : i32 to index
      %swap3A_1074 = arith.constant 16 : index
      %swap3A_1075 = tpu.vector_load %arg26[%swap3A_1073, %swap3A_1074] {strides = array<i32>} : memref<128x32xf32, #tpu.memory_space<vmem>>, vector<16xf32>,
      tpu.vector_store %arg26[%swap3A_1073, %swap3A_1074], %gather3A_1069 {strides = array<i32>} : memref<128x32xf32, #tpu.memory_space<vmem>>, vector<16xf32>,
      %dma_wait3A_1076 = arith.constant 0 : i32
      %dma_wait3A_1077 = arith.constant 0 : i32
      %dma_wait3A_1078 = tpu.memref_slice %arg4[%dma_wait3A_1076, %dma_wait3A_1077] : memref<32x1000000xf32, #tpu.memory_space<hbm>> -> memref<32x128xf32, #tpu.memory_space<hbm>>
      %dma_wait3A_1079 = arith.constant 0 : i32
      %dma_wait3A_1080 = arith.constant 0 : i32
      %dma_wait3A_1081 = tpu.memref_slice %arg4[%dma_wait3A_1079, %dma_wait3A_1080] : memref<32x1000000xf32, #tpu.memory_space<hbm>> -> memref<32x128xf32, #tpu.memory_space<hbm>>
      tpu.wait_dma2 semaphore(%arg41 : memref<!tpu.dma_semaphore, #tpu.memory_space<semaphore_mem>>) src(%dma_wait3A_1081 : memref<32x128xf32, #tpu.memory_space<hbm>>) dst(%arg23 : memref<32x128xf32, #tpu.memory_space<vmem>>)
      %slice3A_1082 = vector.extract_strided_slice %and3A_452 {offsets = [6], sizes = [1], strides = [1]} : vector<16xi32> to vector<1xi32>
      %squeeze3A_1083 = vector.extract %slice3A_1082[0] : i32 from vector<1xi32>
      %broadcast_in_dim3A_1084 = vector.broadcast %squeeze3A_1083 : i32 to vector<16xi32>
      %gather3A_1085 = tpu.vector_load_idx %arg23[%iota3A, %broadcast_in_dim3A_1084] : memref<32x128xf32, #tpu.memory_space<vmem>>[vector<16xi32>, vector<16xi32>], vector<16xf32>,
      %add3A_1086 = arith.constant 16 : i32
      %add3A_1087 = vector.broadcast %add3A_1086 : i32 to vector<16xi32>
      %add3A_1088 = arith.addi %iota3A, %add3A_1087 : vector<16xi32>
      %gather3A_1089 = tpu.vector_load_idx %arg23[%add3A_1088, %broadcast_in_dim3A_1084] : memref<32x128xf32, #tpu.memory_space<vmem>>[vector<16xi32>, vector<16xi32>], vector<16xf32>,
      %swap3A_1090 = arith.index_cast %and3A_1055 : i32 to index
      %swap3A_1091 = arith.constant 0 : index
      %swap3A_1092 = tpu.vector_load %arg27[%swap3A_1090, %swap3A_1091] {strides = array<i32>} : memref<128x32xf32, #tpu.memory_space<vmem>>, vector<16xf32>,
      tpu.vector_store %arg27[%swap3A_1090, %swap3A_1091], %gather3A_1085 {strides = array<i32>} : memref<128x32xf32, #tpu.memory_space<vmem>>, vector<16xf32>,
      %swap3A_1093 = arith.index_cast %and3A_1055 : i32 to index
      %swap3A_1094 = arith.constant 16 : index
      %swap3A_1095 = tpu.vector_load %arg27[%swap3A_1093, %swap3A_1094] {strides = array<i32>} : memref<128x32xf32, #tpu.memory_space<vmem>>, vector<16xf32>,
      tpu.vector_store %arg27[%swap3A_1093, %swap3A_1094], %gather3A_1089 {strides = array<i32>} : memref<128x32xf32, #tpu.memory_space<vmem>>, vector<16xf32>,
      %mul3A_1096 = arith.constant 4 : i32
      %mul3A_1097 = arith.muli %add3A_957, %mul3A_1096 : i32
      %add3A_1098 = arith.constant 3 : i32
      %add3A_1099 = arith.addi %mul3A_1097, %add3A_1098 : i32
      %and3A_1100 = arith.constant 127 : i32
      %and3A_1101 = arith.andi %add3A_1099, %and3A_1100 : i32
      %dma_wait3A_1102 = arith.constant 0 : i32
      %dma_wait3A_1103 = arith.constant 0 : i32
      %dma_wait3A_1104 = tpu.memref_slice %arg4[%dma_wait3A_1102, %dma_wait3A_1103] : memref<32x1000000xf32, #tpu.memory_space<hbm>> -> memref<32x128xf32, #tpu.memory_space<hbm>>
      %dma_wait3A_1105 = arith.constant 0 : i32
      %dma_wait3A_1106 = arith.constant 0 : i32
      %dma_wait3A_1107 = tpu.memref_slice %arg4[%dma_wait3A_1105, %dma_wait3A_1106] : memref<32x1000000xf32, #tpu.memory_space<hbm>> -> memref<32x128xf32, #tpu.memory_space<hbm>>
      tpu.wait_dma2 semaphore(%arg42 : memref<!tpu.dma_semaphore, #tpu.memory_space<semaphore_mem>>) src(%dma_wait3A_1107 : memref<32x128xf32, #tpu.memory_space<hbm>>) dst(%arg24 : memref<32x128xf32, #tpu.memory_space<vmem>>)
      %slice3A_1108 = vector.extract_strided_slice %and3A_446 {offsets = [7], sizes = [1], strides = [1]} : vector<16xi32> to vector<1xi32>
      %squeeze3A_1109 = vector.extract %slice3A_1108[0] : i32 from vector<1xi32>
      %broadcast_in_dim3A_1110 = vector.broadcast %squeeze3A_1109 : i32 to vector<16xi32>
      %gather3A_1111 = tpu.vector_load_idx %arg24[%iota3A, %broadcast_in_dim3A_1110] : memref<32x128xf32, #tpu.memory_space<vmem>>[vector<16xi32>, vector<16xi32>], vector<16xf32>,
      %add3A_1112 = arith.constant 16 : i32
      %add3A_1113 = vector.broadcast %add3A_1112 : i32 to vector<16xi32>
      %add3A_1114 = arith.addi %iota3A, %add3A_1113 : vector<16xi32>
      %gather3A_1115 = tpu.vector_load_idx %arg24[%add3A_1114, %broadcast_in_dim3A_1110] : memref<32x128xf32, #tpu.memory_space<vmem>>[vector<16xi32>, vector<16xi32>], vector<16xf32>,
      %swap3A_1116 = arith.index_cast %and3A_1101 : i32 to index
      %swap3A_1117 = arith.constant 0 : index
      %swap3A_1118 = tpu.vector_load %arg26[%swap3A_1116, %swap3A_1117] {strides = array<i32>} : memref<128x32xf32, #tpu.memory_space<vmem>>, vector<16xf32>,
      tpu.vector_store %arg26[%swap3A_1116, %swap3A_1117], %gather3A_1111 {strides = array<i32>} : memref<128x32xf32, #tpu.memory_space<vmem>>, vector<16xf32>,
      %swap3A_1119 = arith.index_cast %and3A_1101 : i32 to index
      %swap3A_1120 = arith.constant 16 : index
      %swap3A_1121 = tpu.vector_load %arg26[%swap3A_1119, %swap3A_1120] {strides = array<i32>} : memref<128x32xf32, #tpu.memory_space<vmem>>, vector<16xf32>,
      tpu.vector_store %arg26[%swap3A_1119, %swap3A_1120], %gather3A_1115 {strides = array<i32>} : memref<128x32xf32, #tpu.memory_space<vmem>>, vector<16xf32>,
      %dma_wait3A_1122 = arith.constant 0 : i32
      %dma_wait3A_1123 = arith.constant 0 : i32
      %dma_wait3A_1124 = tpu.memref_slice %arg4[%dma_wait3A_1122, %dma_wait3A_1123] : memref<32x1000000xf32, #tpu.memory_space<hbm>> -> memref<32x128xf32, #tpu.memory_space<hbm>>
      %dma_wait3A_1125 = arith.constant 0 : i32
      %dma_wait3A_1126 = arith.constant 0 : i32
      %dma_wait3A_1127 = tpu.memref_slice %arg4[%dma_wait3A_1125, %dma_wait3A_1126] : memref<32x1000000xf32, #tpu.memory_space<hbm>> -> memref<32x128xf32, #tpu.memory_space<hbm>>
      tpu.wait_dma2 semaphore(%arg43 : memref<!tpu.dma_semaphore, #tpu.memory_space<semaphore_mem>>) src(%dma_wait3A_1127 : memref<32x128xf32, #tpu.memory_space<hbm>>) dst(%arg25 : memref<32x128xf32, #tpu.memory_space<vmem>>)
      %slice3A_1128 = vector.extract_strided_slice %and3A_452 {offsets = [7], sizes = [1], strides = [1]} : vector<16xi32> to vector<1xi32>
      %squeeze3A_1129 = vector.extract %slice3A_1128[0] : i32 from vector<1xi32>
      %broadcast_in_dim3A_1130 = vector.broadcast %squeeze3A_1129 : i32 to vector<16xi32>
      %gather3A_1131 = tpu.vector_load_idx %arg25[%iota3A, %broadcast_in_dim3A_1130] : memref<32x128xf32, #tpu.memory_space<vmem>>[vector<16xi32>, vector<16xi32>], vector<16xf32>,
      %add3A_1132 = arith.constant 16 : i32
      %add3A_1133 = vector.broadcast %add3A_1132 : i32 to vector<16xi32>
      %add3A_1134 = arith.addi %iota3A, %add3A_1133 : vector<16xi32>
      %gather3A_1135 = tpu.vector_load_idx %arg25[%add3A_1134, %broadcast_in_dim3A_1130] : memref<32x128xf32, #tpu.memory_space<vmem>>[vector<16xi32>, vector<16xi32>], vector<16xf32>,
      %swap3A_1136 = arith.index_cast %and3A_1101 : i32 to index
      %swap3A_1137 = arith.constant 0 : index
      %swap3A_1138 = tpu.vector_load %arg27[%swap3A_1136, %swap3A_1137] {strides = array<i32>} : memref<128x32xf32, #tpu.memory_space<vmem>>, vector<16xf32>,
      tpu.vector_store %arg27[%swap3A_1136, %swap3A_1137], %gather3A_1131 {strides = array<i32>} : memref<128x32xf32, #tpu.memory_space<vmem>>, vector<16xf32>,
      %swap3A_1139 = arith.index_cast %and3A_1101 : i32 to index
      %swap3A_1140 = arith.constant 16 : index
      %swap3A_1141 = tpu.vector_load %arg27[%swap3A_1139, %swap3A_1140] {strides = array<i32>} : memref<128x32xf32, #tpu.memory_space<vmem>>, vector<16xf32>,
      tpu.vector_store %arg27[%swap3A_1139, %swap3A_1140], %gather3A_1135 {strides = array<i32>} : memref<128x32xf32, #tpu.memory_space<vmem>>, vector<16xf32>,
      %slice3A_1142 = vector.extract_strided_slice %shift_right_arithmetic3A_443 {offsets = [12], sizes = [1], strides = [1]} : vector<16xi32> to vector<1xi32>
      %squeeze3A_1143 = vector.extract %slice3A_1142[0] : i32 from vector<1xi32>
      %ge3A_1144 = arith.constant 7812 : i32
      %ge3A_1145 = arith.cmpi sge, %squeeze3A_1143, %ge3A_1144 : i32
      %mul3A_1146 = arith.constant 128 : i32
      %mul3A_1147 = arith.muli %squeeze3A_1143, %mul3A_1146 : i32
      %jit3A_1148 = arith.constant 0 : i32
      %select_n3A_1149 = arith.select %ge3A_1145, %jit3A_1148, %mul3A_1147 : i32
      %multiple_of3A_1150 = tpu.assume_multiple %select_n3A_1149, 128 : i32
      %dma_start3A_1151 = arith.constant 0 : i32
      %dma_start3A_1152 = tpu.memref_slice %arg4[%dma_start3A_1151, %multiple_of3A_1150] : memref<32x1000000xf32, #tpu.memory_space<hbm>> -> memref<32x128xf32, #tpu.memory_space<hbm>>
      %dma_start3A_1153 = arith.constant 0 : i32
      %dma_start3A_1154 = tpu.memref_slice %arg4[%dma_start3A_1153, %multiple_of3A_1150] : memref<32x1000000xf32, #tpu.memory_space<hbm>> -> memref<32x128xf32, #tpu.memory_space<hbm>>
      tpu.enqueue_dma source(%dma_start3A_1154 : memref<32x128xf32, #tpu.memory_space<hbm>>) target(%arg18 : memref<32x128xf32, #tpu.memory_space<vmem>>) target_semaphore(%arg36 : memref<!tpu.dma_semaphore, #tpu.memory_space<semaphore_mem>>)
      %slice3A_1155 = vector.extract_strided_slice %shift_right_arithmetic3A_449 {offsets = [12], sizes = [1], strides = [1]} : vector<16xi32> to vector<1xi32>
      %squeeze3A_1156 = vector.extract %slice3A_1155[0] : i32 from vector<1xi32>
      %ge3A_1157 = arith.constant 7812 : i32
      %ge3A_1158 = arith.cmpi sge, %squeeze3A_1156, %ge3A_1157 : i32
      %mul3A_1159 = arith.constant 128 : i32
      %mul3A_1160 = arith.muli %squeeze3A_1156, %mul3A_1159 : i32
      %jit3A_1161 = arith.constant 0 : i32
      %select_n3A_1162 = arith.select %ge3A_1158, %jit3A_1161, %mul3A_1160 : i32
      %multiple_of3A_1163 = tpu.assume_multiple %select_n3A_1162, 128 : i32
      %dma_start3A_1164 = arith.constant 0 : i32
      %dma_start3A_1165 = tpu.memref_slice %arg5[%dma_start3A_1164, %multiple_of3A_1163] : memref<32x1000000xf32, #tpu.memory_space<hbm>> -> memref<32x128xf32, #tpu.memory_space<hbm>>
      %dma_start3A_1166 = arith.constant 0 : i32
      %dma_start3A_1167 = tpu.memref_slice %arg5[%dma_start3A_1166, %multiple_of3A_1163] : memref<32x1000000xf32, #tpu.memory_space<hbm>> -> memref<32x128xf32, #tpu.memory_space<hbm>>
      tpu.enqueue_dma source(%dma_start3A_1167 : memref<32x128xf32, #tpu.memory_space<hbm>>) target(%arg19 : memref<32x128xf32, #tpu.memory_space<vmem>>) target_semaphore(%arg37 : memref<!tpu.dma_semaphore, #tpu.memory_space<semaphore_mem>>)
      %slice3A_1168 = vector.extract_strided_slice %shift_right_arithmetic3A_443 {offsets = [13], sizes = [1], strides = [1]} : vector<16xi32> to vector<1xi32>
      %squeeze3A_1169 = vector.extract %slice3A_1168[0] : i32 from vector<1xi32>
      %ge3A_1170 = arith.constant 7812 : i32
      %ge3A_1171 = arith.cmpi sge, %squeeze3A_1169, %ge3A_1170 : i32
      %mul3A_1172 = arith.constant 128 : i32
      %mul3A_1173 = arith.muli %squeeze3A_1169, %mul3A_1172 : i32
      %jit3A_1174 = arith.constant 0 : i32
      %select_n3A_1175 = arith.select %ge3A_1171, %jit3A_1174, %mul3A_1173 : i32
      %multiple_of3A_1176 = tpu.assume_multiple %select_n3A_1175, 128 : i32
      %dma_start3A_1177 = arith.constant 0 : i32
      %dma_start3A_1178 = tpu.memref_slice %arg4[%dma_start3A_1177, %multiple_of3A_1176] : memref<32x1000000xf32, #tpu.memory_space<hbm>> -> memref<32x128xf32, #tpu.memory_space<hbm>>
      %dma_start3A_1179 = arith.constant 0 : i32
      %dma_start3A_1180 = tpu.memref_slice %arg4[%dma_start3A_1179, %multiple_of3A_1176] : memref<32x1000000xf32, #tpu.memory_space<hbm>> -> memref<32x128xf32, #tpu.memory_space<hbm>>
      tpu.enqueue_dma source(%dma_start3A_1180 : memref<32x128xf32, #tpu.memory_space<hbm>>) target(%arg20 : memref<32x128xf32, #tpu.memory_space<vmem>>) target_semaphore(%arg38 : memref<!tpu.dma_semaphore, #tpu.memory_space<semaphore_mem>>)
      %slice3A_1181 = vector.extract_strided_slice %shift_right_arithmetic3A_449 {offsets = [13], sizes = [1], strides = [1]} : vector<16xi32> to vector<1xi32>
      %squeeze3A_1182 = vector.extract %slice3A_1181[0] : i32 from vector<1xi32>
      %ge3A_1183 = arith.constant 7812 : i32
      %ge3A_1184 = arith.cmpi sge, %squeeze3A_1182, %ge3A_1183 : i32
      %mul3A_1185 = arith.constant 128 : i32
      %mul3A_1186 = arith.muli %squeeze3A_1182, %mul3A_1185 : i32
      %jit3A_1187 = arith.constant 0 : i32
      %select_n3A_1188 = arith.select %ge3A_1184, %jit3A_1187, %mul3A_1186 : i32
      %multiple_of3A_1189 = tpu.assume_multiple %select_n3A_1188, 128 : i32
      %dma_start3A_1190 = arith.constant 0 : i32
      %dma_start3A_1191 = tpu.memref_slice %arg5[%dma_start3A_1190, %multiple_of3A_1189] : memref<32x1000000xf32, #tpu.memory_space<hbm>> -> memref<32x128xf32, #tpu.memory_space<hbm>>
      %dma_start3A_1192 = arith.constant 0 : i32
      %dma_start3A_1193 = tpu.memref_slice %arg5[%dma_start3A_1192, %multiple_of3A_1189] : memref<32x1000000xf32, #tpu.memory_space<hbm>> -> memref<32x128xf32, #tpu.memory_space<hbm>>
      tpu.enqueue_dma source(%dma_start3A_1193 : memref<32x128xf32, #tpu.memory_space<hbm>>) target(%arg21 : memref<32x128xf32, #tpu.memory_space<vmem>>) target_semaphore(%arg39 : memref<!tpu.dma_semaphore, #tpu.memory_space<semaphore_mem>>)
      %slice3A_1194 = vector.extract_strided_slice %shift_right_arithmetic3A_443 {offsets = [14], sizes = [1], strides = [1]} : vector<16xi32> to vector<1xi32>
      %squeeze3A_1195 = vector.extract %slice3A_1194[0] : i32 from vector<1xi32>
      %ge3A_1196 = arith.constant 7812 : i32
      %ge3A_1197 = arith.cmpi sge, %squeeze3A_1195, %ge3A_1196 : i32
      %mul3A_1198 = arith.constant 128 : i32
      %mul3A_1199 = arith.muli %squeeze3A_1195, %mul3A_1198 : i32
      %jit3A_1200 = arith.constant 0 : i32
      %select_n3A_1201 = arith.select %ge3A_1197, %jit3A_1200, %mul3A_1199 : i32
      %multiple_of3A_1202 = tpu.assume_multiple %select_n3A_1201, 128 : i32
      %dma_start3A_1203 = arith.constant 0 : i32
      %dma_start3A_1204 = tpu.memref_slice %arg4[%dma_start3A_1203, %multiple_of3A_1202] : memref<32x1000000xf32, #tpu.memory_space<hbm>> -> memref<32x128xf32, #tpu.memory_space<hbm>>
      %dma_start3A_1205 = arith.constant 0 : i32
      %dma_start3A_1206 = tpu.memref_slice %arg4[%dma_start3A_1205, %multiple_of3A_1202] : memref<32x1000000xf32, #tpu.memory_space<hbm>> -> memref<32x128xf32, #tpu.memory_space<hbm>>
      tpu.enqueue_dma source(%dma_start3A_1206 : memref<32x128xf32, #tpu.memory_space<hbm>>) target(%arg22 : memref<32x128xf32, #tpu.memory_space<vmem>>) target_semaphore(%arg40 : memref<!tpu.dma_semaphore, #tpu.memory_space<semaphore_mem>>)
      %slice3A_1207 = vector.extract_strided_slice %shift_right_arithmetic3A_449 {offsets = [14], sizes = [1], strides = [1]} : vector<16xi32> to vector<1xi32>
      %squeeze3A_1208 = vector.extract %slice3A_1207[0] : i32 from vector<1xi32>
      %ge3A_1209 = arith.constant 7812 : i32
      %ge3A_1210 = arith.cmpi sge, %squeeze3A_1208, %ge3A_1209 : i32
      %mul3A_1211 = arith.constant 128 : i32
      %mul3A_1212 = arith.muli %squeeze3A_1208, %mul3A_1211 : i32
      %jit3A_1213 = arith.constant 0 : i32
      %select_n3A_1214 = arith.select %ge3A_1210, %jit3A_1213, %mul3A_1212 : i32
      %multiple_of3A_1215 = tpu.assume_multiple %select_n3A_1214, 128 : i32
      %dma_start3A_1216 = arith.constant 0 : i32
      %dma_start3A_1217 = tpu.memref_slice %arg5[%dma_start3A_1216, %multiple_of3A_1215] : memref<32x1000000xf32, #tpu.memory_space<hbm>> -> memref<32x128xf32, #tpu.memory_space<hbm>>
      %dma_start3A_1218 = arith.constant 0 : i32
      %dma_start3A_1219 = tpu.memref_slice %arg5[%dma_start3A_1218, %multiple_of3A_1215] : memref<32x1000000xf32, #tpu.memory_space<hbm>> -> memref<32x128xf32, #tpu.memory_space<hbm>>
      tpu.enqueue_dma source(%dma_start3A_1219 : memref<32x128xf32, #tpu.memory_space<hbm>>) target(%arg23 : memref<32x128xf32, #tpu.memory_space<vmem>>) target_semaphore(%arg41 : memref<!tpu.dma_semaphore, #tpu.memory_space<semaphore_mem>>)
      %slice3A_1220 = vector.extract_strided_slice %shift_right_arithmetic3A_443 {offsets = [15], sizes = [1], strides = [1]} : vector<16xi32> to vector<1xi32>
      %squeeze3A_1221 = vector.extract %slice3A_1220[0] : i32 from vector<1xi32>
      %ge3A_1222 = arith.constant 7812 : i32
      %ge3A_1223 = arith.cmpi sge, %squeeze3A_1221, %ge3A_1222 : i32
      %mul3A_1224 = arith.constant 128 : i32
      %mul3A_1225 = arith.muli %squeeze3A_1221, %mul3A_1224 : i32
      %jit3A_1226 = arith.constant 0 : i32
      %select_n3A_1227 = arith.select %ge3A_1223, %jit3A_1226, %mul3A_1225 : i32
      %multiple_of3A_1228 = tpu.assume_multiple %select_n3A_1227, 128 : i32
      %dma_start3A_1229 = arith.constant 0 : i32
      %dma_start3A_1230 = tpu.memref_slice %arg4[%dma_start3A_1229, %multiple_of3A_1228] : memref<32x1000000xf32, #tpu.memory_space<hbm>> -> memref<32x128xf32, #tpu.memory_space<hbm>>
      %dma_start3A_1231 = arith.constant 0 : i32
      %dma_start3A_1232 = tpu.memref_slice %arg4[%dma_start3A_1231, %multiple_of3A_1228] : memref<32x1000000xf32, #tpu.memory_space<hbm>> -> memref<32x128xf32, #tpu.memory_space<hbm>>
      tpu.enqueue_dma source(%dma_start3A_1232 : memref<32x128xf32, #tpu.memory_space<hbm>>) target(%arg24 : memref<32x128xf32, #tpu.memory_space<vmem>>) target_semaphore(%arg42 : memref<!tpu.dma_semaphore, #tpu.memory_space<semaphore_mem>>)
      %slice3A_1233 = vector.extract_strided_slice %shift_right_arithmetic3A_449 {offsets = [15], sizes = [1], strides = [1]} : vector<16xi32> to vector<1xi32>
      %squeeze3A_1234 = vector.extract %slice3A_1233[0] : i32 from vector<1xi32>
      %ge3A_1235 = arith.constant 7812 : i32
      %ge3A_1236 = arith.cmpi sge, %squeeze3A_1234, %ge3A_1235 : i32
      %mul3A_1237 = arith.constant 128 : i32
      %mul3A_1238 = arith.muli %squeeze3A_1234, %mul3A_1237 : i32
      %jit3A_1239 = arith.constant 0 : i32
      %select_n3A_1240 = arith.select %ge3A_1236, %jit3A_1239, %mul3A_1238 : i32
      %multiple_of3A_1241 = tpu.assume_multiple %select_n3A_1240, 128 : i32
      %dma_start3A_1242 = arith.constant 0 : i32
      %dma_start3A_1243 = tpu.memref_slice %arg5[%dma_start3A_1242, %multiple_of3A_1241] : memref<32x1000000xf32, #tpu.memory_space<hbm>> -> memref<32x128xf32, #tpu.memory_space<hbm>>
      %dma_start3A_1244 = arith.constant 0 : i32
      %dma_start3A_1245 = tpu.memref_slice %arg5[%dma_start3A_1244, %multiple_of3A_1241] : memref<32x1000000xf32, #tpu.memory_space<hbm>> -> memref<32x128xf32, #tpu.memory_space<hbm>>
      tpu.enqueue_dma source(%dma_start3A_1245 : memref<32x128xf32, #tpu.memory_space<hbm>>) target(%arg25 : memref<32x128xf32, #tpu.memory_space<vmem>>) target_semaphore(%arg43 : memref<!tpu.dma_semaphore, #tpu.memory_space<semaphore_mem>>)
    }
    %scan3A_6 = arith.constant 32 : i32
    %get3A = arith.constant 496 : index
    %get3A_7 = tpu.vector_load %arg8[%get3A] {strides = array<i32>} : memref<512xi32, #tpu.memory_space<vmem>>, vector<16xi32>,
    %get3A_8 = arith.constant 496 : index
    %get3A_9 = tpu.vector_load %arg9[%get3A_8] {strides = array<i32>} : memref<512xi32, #tpu.memory_space<vmem>>, vector<16xi32>,
    %shift_right_arithmetic3A = arith.constant 7 : i32
    %shift_right_arithmetic3A_10 = vector.broadcast %shift_right_arithmetic3A : i32 to vector<16xi32>
    %shift_right_arithmetic3A_11 = arith.shrsi %get3A_7, %shift_right_arithmetic3A_10 : vector<16xi32>
    %and3A = arith.constant 127 : i32
    %and3A_12 = vector.broadcast %and3A : i32 to vector<16xi32>
    %and3A_13 = arith.andi %get3A_7, %and3A_12 : vector<16xi32>
    %shift_right_arithmetic3A_14 = arith.constant 7 : i32
    %shift_right_arithmetic3A_15 = vector.broadcast %shift_right_arithmetic3A_14 : i32 to vector<16xi32>
    %shift_right_arithmetic3A_16 = arith.shrsi %get3A_9, %shift_right_arithmetic3A_15 : vector<16xi32>
    %and3A_17 = arith.constant 127 : i32
    %and3A_18 = vector.broadcast %and3A_17 : i32 to vector<16xi32>
    %and3A_19 = arith.andi %get3A_9, %and3A_18 : vector<16xi32>
    %and3A_20 = arith.constant 504 : i32
    %and3A_21 = arith.constant 127 : i32
    %and3A_22 = arith.andi %and3A_20, %and3A_21 : i32
    %dma_wait3A = arith.constant 0 : i32
    %dma_wait3A_23 = arith.constant 0 : i32
    %dma_wait3A_24 = tpu.memref_slice %arg4[%dma_wait3A, %dma_wait3A_23] : memref<32x1000000xf32, #tpu.memory_space<hbm>> -> memref<32x128xf32, #tpu.memory_space<hbm>>
    %dma_wait3A_25 = arith.constant 0 : i32
    %dma_wait3A_26 = arith.constant 0 : i32
    %dma_wait3A_27 = tpu.memref_slice %arg4[%dma_wait3A_25, %dma_wait3A_26] : memref<32x1000000xf32, #tpu.memory_space<hbm>> -> memref<32x128xf32, #tpu.memory_space<hbm>>
    tpu.wait_dma2 semaphore(%arg28 : memref<!tpu.dma_semaphore, #tpu.memory_space<semaphore_mem>>) src(%dma_wait3A_27 : memref<32x128xf32, #tpu.memory_space<hbm>>) dst(%arg10 : memref<32x128xf32, #tpu.memory_space<vmem>>)
    %slice3A = vector.extract_strided_slice %and3A_13 {offsets = [8], sizes = [1], strides = [1]} : vector<16xi32> to vector<1xi32>
    %squeeze3A = vector.extract %slice3A[0] : i32 from vector<1xi32>
    %broadcast_in_dim3A = vector.broadcast %squeeze3A : i32 to vector<16xi32>
    %gather3A = tpu.vector_load_idx %arg10[%iota3A, %broadcast_in_dim3A] : memref<32x128xf32, #tpu.memory_space<vmem>>[vector<16xi32>, vector<16xi32>], vector<16xf32>,
    %add3A_28 = arith.constant 16 : i32
    %add3A_29 = vector.broadcast %add3A_28 : i32 to vector<16xi32>
    %add3A_30 = arith.addi %iota3A, %add3A_29 : vector<16xi32>
    %gather3A_31 = tpu.vector_load_idx %arg10[%add3A_30, %broadcast_in_dim3A] : memref<32x128xf32, #tpu.memory_space<vmem>>[vector<16xi32>, vector<16xi32>], vector<16xf32>,
    %swap3A = arith.index_cast %and3A_22 : i32 to index
    %swap3A_32 = arith.constant 0 : index
    %swap3A_33 = tpu.vector_load %arg26[%swap3A, %swap3A_32] {strides = array<i32>} : memref<128x32xf32, #tpu.memory_space<vmem>>, vector<16xf32>,
    tpu.vector_store %arg26[%swap3A, %swap3A_32], %gather3A {strides = array<i32>} : memref<128x32xf32, #tpu.memory_space<vmem>>, vector<16xf32>,
    %swap3A_34 = arith.index_cast %and3A_22 : i32 to index
    %swap3A_35 = arith.constant 16 : index
    %swap3A_36 = tpu.vector_load %arg26[%swap3A_34, %swap3A_35] {strides = array<i32>} : memref<128x32xf32, #tpu.memory_space<vmem>>, vector<16xf32>,
    tpu.vector_store %arg26[%swap3A_34, %swap3A_35], %gather3A_31 {strides = array<i32>} : memref<128x32xf32, #tpu.memory_space<vmem>>, vector<16xf32>,
    %dma_wait3A_37 = arith.constant 0 : i32
    %dma_wait3A_38 = arith.constant 0 : i32
    %dma_wait3A_39 = tpu.memref_slice %arg4[%dma_wait3A_37, %dma_wait3A_38] : memref<32x1000000xf32, #tpu.memory_space<hbm>> -> memref<32x128xf32, #tpu.memory_space<hbm>>
    %dma_wait3A_40 = arith.constant 0 : i32
    %dma_wait3A_41 = arith.constant 0 : i32
    %dma_wait3A_42 = tpu.memref_slice %arg4[%dma_wait3A_40, %dma_wait3A_41] : memref<32x1000000xf32, #tpu.memory_space<hbm>> -> memref<32x128xf32, #tpu.memory_space<hbm>>
    tpu.wait_dma2 semaphore(%arg29 : memref<!tpu.dma_semaphore, #tpu.memory_space<semaphore_mem>>) src(%dma_wait3A_42 : memref<32x128xf32, #tpu.memory_space<hbm>>) dst(%arg11 : memref<32x128xf32, #tpu.memory_space<vmem>>)
    %slice3A_43 = vector.extract_strided_slice %and3A_19 {offsets = [8], sizes = [1], strides = [1]} : vector<16xi32> to vector<1xi32>
    %squeeze3A_44 = vector.extract %slice3A_43[0] : i32 from vector<1xi32>
    %broadcast_in_dim3A_45 = vector.broadcast %squeeze3A_44 : i32 to vector<16xi32>
    %gather3A_46 = tpu.vector_load_idx %arg11[%iota3A, %broadcast_in_dim3A_45] : memref<32x128xf32, #tpu.memory_space<vmem>>[vector<16xi32>, vector<16xi32>], vector<16xf32>,
    %add3A_47 = arith.constant 16 : i32
    %add3A_48 = vector.broadcast %add3A_47 : i32 to vector<16xi32>
    %add3A_49 = arith.addi %iota3A, %add3A_48 : vector<16xi32>
    %gather3A_50 = tpu.vector_load_idx %arg11[%add3A_49, %broadcast_in_dim3A_45] : memref<32x128xf32, #tpu.memory_space<vmem>>[vector<16xi32>, vector<16xi32>], vector<16xf32>,
    %swap3A_51 = arith.index_cast %and3A_22 : i32 to index
    %swap3A_52 = arith.constant 0 : index
    %swap3A_53 = tpu.vector_load %arg27[%swap3A_51, %swap3A_52] {strides = array<i32>} : memref<128x32xf32, #tpu.memory_space<vmem>>, vector<16xf32>,
    tpu.vector_store %arg27[%swap3A_51, %swap3A_52], %gather3A_46 {strides = array<i32>} : memref<128x32xf32, #tpu.memory_space<vmem>>, vector<16xf32>,
    %swap3A_54 = arith.index_cast %and3A_22 : i32 to index
    %swap3A_55 = arith.constant 16 : index
    %swap3A_56 = tpu.vector_load %arg27[%swap3A_54, %swap3A_55] {strides = array<i32>} : memref<128x32xf32, #tpu.memory_space<vmem>>, vector<16xf32>,
    tpu.vector_store %arg27[%swap3A_54, %swap3A_55], %gather3A_50 {strides = array<i32>} : memref<128x32xf32, #tpu.memory_space<vmem>>, vector<16xf32>,
    %and3A_57 = arith.constant 505 : i32
    %and3A_58 = arith.constant 127 : i32
    %and3A_59 = arith.andi %and3A_57, %and3A_58 : i32
    %dma_wait3A_60 = arith.constant 0 : i32
    %dma_wait3A_61 = arith.constant 0 : i32
    %dma_wait3A_62 = tpu.memref_slice %arg4[%dma_wait3A_60, %dma_wait3A_61] : memref<32x1000000xf32, #tpu.memory_space<hbm>> -> memref<32x128xf32, #tpu.memory_space<hbm>>
    %dma_wait3A_63 = arith.constant 0 : i32
    %dma_wait3A_64 = arith.constant 0 : i32
    %dma_wait3A_65 = tpu.memref_slice %arg4[%dma_wait3A_63, %dma_wait3A_64] : memref<32x1000000xf32, #tpu.memory_space<hbm>> -> memref<32x128xf32, #tpu.memory_space<hbm>>
    tpu.wait_dma2 semaphore(%arg30 : memref<!tpu.dma_semaphore, #tpu.memory_space<semaphore_mem>>) src(%dma_wait3A_65 : memref<32x128xf32, #tpu.memory_space<hbm>>) dst(%arg12 : memref<32x128xf32, #tpu.memory_space<vmem>>)
    %slice3A_66 = vector.extract_strided_slice %and3A_13 {offsets = [9], sizes = [1], strides = [1]} : vector<16xi32> to vector<1xi32>
    %squeeze3A_67 = vector.extract %slice3A_66[0] : i32 from vector<1xi32>
    %broadcast_in_dim3A_68 = vector.broadcast %squeeze3A_67 : i32 to vector<16xi32>
    %gather3A_69 = tpu.vector_load_idx %arg12[%iota3A, %broadcast_in_dim3A_68] : memref<32x128xf32, #tpu.memory_space<vmem>>[vector<16xi32>, vector<16xi32>], vector<16xf32>,
    %add3A_70 = arith.constant 16 : i32
    %add3A_71 = vector.broadcast %add3A_70 : i32 to vector<16xi32>
    %add3A_72 = arith.addi %iota3A, %add3A_71 : vector<16xi32>
    %gather3A_73 = tpu.vector_load_idx %arg12[%add3A_72, %broadcast_in_dim3A_68] : memref<32x128xf32, #tpu.memory_space<vmem>>[vector<16xi32>, vector<16xi32>], vector<16xf32>,
    %swap3A_74 = arith.index_cast %and3A_59 : i32 to index
    %swap3A_75 = arith.constant 0 : index
    %swap3A_76 = tpu.vector_load %arg26[%swap3A_74, %swap3A_75] {strides = array<i32>} : memref<128x32xf32, #tpu.memory_space<vmem>>, vector<16xf32>,
    tpu.vector_store %arg26[%swap3A_74, %swap3A_75], %gather3A_69 {strides = array<i32>} : memref<128x32xf32, #tpu.memory_space<vmem>>, vector<16xf32>,
    %swap3A_77 = arith.index_cast %and3A_59 : i32 to index
    %swap3A_78 = arith.constant 16 : index
    %swap3A_79 = tpu.vector_load %arg26[%swap3A_77, %swap3A_78] {strides = array<i32>} : memref<128x32xf32, #tpu.memory_space<vmem>>, vector<16xf32>,
    tpu.vector_store %arg26[%swap3A_77, %swap3A_78], %gather3A_73 {strides = array<i32>} : memref<128x32xf32, #tpu.memory_space<vmem>>, vector<16xf32>,
    %dma_wait3A_80 = arith.constant 0 : i32
    %dma_wait3A_81 = arith.constant 0 : i32
    %dma_wait3A_82 = tpu.memref_slice %arg4[%dma_wait3A_80, %dma_wait3A_81] : memref<32x1000000xf32, #tpu.memory_space<hbm>> -> memref<32x128xf32, #tpu.memory_space<hbm>>
    %dma_wait3A_83 = arith.constant 0 : i32
    %dma_wait3A_84 = arith.constant 0 : i32
    %dma_wait3A_85 = tpu.memref_slice %arg4[%dma_wait3A_83, %dma_wait3A_84] : memref<32x1000000xf32, #tpu.memory_space<hbm>> -> memref<32x128xf32, #tpu.memory_space<hbm>>
    tpu.wait_dma2 semaphore(%arg31 : memref<!tpu.dma_semaphore, #tpu.memory_space<semaphore_mem>>) src(%dma_wait3A_85 : memref<32x128xf32, #tpu.memory_space<hbm>>) dst(%arg13 : memref<32x128xf32, #tpu.memory_space<vmem>>)
    %slice3A_86 = vector.extract_strided_slice %and3A_19 {offsets = [9], sizes = [1], strides = [1]} : vector<16xi32> to vector<1xi32>
    %squeeze3A_87 = vector.extract %slice3A_86[0] : i32 from vector<1xi32>
    %broadcast_in_dim3A_88 = vector.broadcast %squeeze3A_87 : i32 to vector<16xi32>
    %gather3A_89 = tpu.vector_load_idx %arg13[%iota3A, %broadcast_in_dim3A_88] : memref<32x128xf32, #tpu.memory_space<vmem>>[vector<16xi32>, vector<16xi32>], vector<16xf32>,
    %add3A_90 = arith.constant 16 : i32
    %add3A_91 = vector.broadcast %add3A_90 : i32 to vector<16xi32>
    %add3A_92 = arith.addi %iota3A, %add3A_91 : vector<16xi32>
    %gather3A_93 = tpu.vector_load_idx %arg13[%add3A_92, %broadcast_in_dim3A_88] : memref<32x128xf32, #tpu.memory_space<vmem>>[vector<16xi32>, vector<16xi32>], vector<16xf32>,
    %swap3A_94 = arith.index_cast %and3A_59 : i32 to index
    %swap3A_95 = arith.constant 0 : index
    %swap3A_96 = tpu.vector_load %arg27[%swap3A_94, %swap3A_95] {strides = array<i32>} : memref<128x32xf32, #tpu.memory_space<vmem>>, vector<16xf32>,
    tpu.vector_store %arg27[%swap3A_94, %swap3A_95], %gather3A_89 {strides = array<i32>} : memref<128x32xf32, #tpu.memory_space<vmem>>, vector<16xf32>,
    %swap3A_97 = arith.index_cast %and3A_59 : i32 to index
    %swap3A_98 = arith.constant 16 : index
    %swap3A_99 = tpu.vector_load %arg27[%swap3A_97, %swap3A_98] {strides = array<i32>} : memref<128x32xf32, #tpu.memory_space<vmem>>, vector<16xf32>,
    tpu.vector_store %arg27[%swap3A_97, %swap3A_98], %gather3A_93 {strides = array<i32>} : memref<128x32xf32, #tpu.memory_space<vmem>>, vector<16xf32>,
    %and3A_100 = arith.constant 506 : i32
    %and3A_101 = arith.constant 127 : i32
    %and3A_102 = arith.andi %and3A_100, %and3A_101 : i32
    %dma_wait3A_103 = arith.constant 0 : i32
    %dma_wait3A_104 = arith.constant 0 : i32
    %dma_wait3A_105 = tpu.memref_slice %arg4[%dma_wait3A_103, %dma_wait3A_104] : memref<32x1000000xf32, #tpu.memory_space<hbm>> -> memref<32x128xf32, #tpu.memory_space<hbm>>
    %dma_wait3A_106 = arith.constant 0 : i32
    %dma_wait3A_107 = arith.constant 0 : i32
    %dma_wait3A_108 = tpu.memref_slice %arg4[%dma_wait3A_106, %dma_wait3A_107] : memref<32x1000000xf32, #tpu.memory_space<hbm>> -> memref<32x128xf32, #tpu.memory_space<hbm>>
    tpu.wait_dma2 semaphore(%arg32 : memref<!tpu.dma_semaphore, #tpu.memory_space<semaphore_mem>>) src(%dma_wait3A_108 : memref<32x128xf32, #tpu.memory_space<hbm>>) dst(%arg14 : memref<32x128xf32, #tpu.memory_space<vmem>>)
    %slice3A_109 = vector.extract_strided_slice %and3A_13 {offsets = [10], sizes = [1], strides = [1]} : vector<16xi32> to vector<1xi32>
    %squeeze3A_110 = vector.extract %slice3A_109[0] : i32 from vector<1xi32>
    %broadcast_in_dim3A_111 = vector.broadcast %squeeze3A_110 : i32 to vector<16xi32>
    %gather3A_112 = tpu.vector_load_idx %arg14[%iota3A, %broadcast_in_dim3A_111] : memref<32x128xf32, #tpu.memory_space<vmem>>[vector<16xi32>, vector<16xi32>], vector<16xf32>,
    %add3A_113 = arith.constant 16 : i32
    %add3A_114 = vector.broadcast %add3A_113 : i32 to vector<16xi32>
    %add3A_115 = arith.addi %iota3A, %add3A_114 : vector<16xi32>
    %gather3A_116 = tpu.vector_load_idx %arg14[%add3A_115, %broadcast_in_dim3A_111] : memref<32x128xf32, #tpu.memory_space<vmem>>[vector<16xi32>, vector<16xi32>], vector<16xf32>,
    %swap3A_117 = arith.index_cast %and3A_102 : i32 to index
    %swap3A_118 = arith.constant 0 : index
    %swap3A_119 = tpu.vector_load %arg26[%swap3A_117, %swap3A_118] {strides = array<i32>} : memref<128x32xf32, #tpu.memory_space<vmem>>, vector<16xf32>,
    tpu.vector_store %arg26[%swap3A_117, %swap3A_118], %gather3A_112 {strides = array<i32>} : memref<128x32xf32, #tpu.memory_space<vmem>>, vector<16xf32>,
    %swap3A_120 = arith.index_cast %and3A_102 : i32 to index
    %swap3A_121 = arith.constant 16 : index
    %swap3A_122 = tpu.vector_load %arg26[%swap3A_120, %swap3A_121] {strides = array<i32>} : memref<128x32xf32, #tpu.memory_space<vmem>>, vector<16xf32>,
    tpu.vector_store %arg26[%swap3A_120, %swap3A_121], %gather3A_116 {strides = array<i32>} : memref<128x32xf32, #tpu.memory_space<vmem>>, vector<16xf32>,
    %dma_wait3A_123 = arith.constant 0 : i32
    %dma_wait3A_124 = arith.constant 0 : i32
    %dma_wait3A_125 = tpu.memref_slice %arg4[%dma_wait3A_123, %dma_wait3A_124] : memref<32x1000000xf32, #tpu.memory_space<hbm>> -> memref<32x128xf32, #tpu.memory_space<hbm>>
    %dma_wait3A_126 = arith.constant 0 : i32
    %dma_wait3A_127 = arith.constant 0 : i32
    %dma_wait3A_128 = tpu.memref_slice %arg4[%dma_wait3A_126, %dma_wait3A_127] : memref<32x1000000xf32, #tpu.memory_space<hbm>> -> memref<32x128xf32, #tpu.memory_space<hbm>>
    tpu.wait_dma2 semaphore(%arg33 : memref<!tpu.dma_semaphore, #tpu.memory_space<semaphore_mem>>) src(%dma_wait3A_128 : memref<32x128xf32, #tpu.memory_space<hbm>>) dst(%arg15 : memref<32x128xf32, #tpu.memory_space<vmem>>)
    %slice3A_129 = vector.extract_strided_slice %and3A_19 {offsets = [10], sizes = [1], strides = [1]} : vector<16xi32> to vector<1xi32>
    %squeeze3A_130 = vector.extract %slice3A_129[0] : i32 from vector<1xi32>
    %broadcast_in_dim3A_131 = vector.broadcast %squeeze3A_130 : i32 to vector<16xi32>
    %gather3A_132 = tpu.vector_load_idx %arg15[%iota3A, %broadcast_in_dim3A_131] : memref<32x128xf32, #tpu.memory_space<vmem>>[vector<16xi32>, vector<16xi32>], vector<16xf32>,
    %add3A_133 = arith.constant 16 : i32
    %add3A_134 = vector.broadcast %add3A_133 : i32 to vector<16xi32>
    %add3A_135 = arith.addi %iota3A, %add3A_134 : vector<16xi32>
    %gather3A_136 = tpu.vector_load_idx %arg15[%add3A_135, %broadcast_in_dim3A_131] : memref<32x128xf32, #tpu.memory_space<vmem>>[vector<16xi32>, vector<16xi32>], vector<16xf32>,
    %swap3A_137 = arith.index_cast %and3A_102 : i32 to index
    %swap3A_138 = arith.constant 0 : index
    %swap3A_139 = tpu.vector_load %arg27[%swap3A_137, %swap3A_138] {strides = array<i32>} : memref<128x32xf32, #tpu.memory_space<vmem>>, vector<16xf32>,
    tpu.vector_store %arg27[%swap3A_137, %swap3A_138], %gather3A_132 {strides = array<i32>} : memref<128x32xf32, #tpu.memory_space<vmem>>, vector<16xf32>,
    %swap3A_140 = arith.index_cast %and3A_102 : i32 to index
    %swap3A_141 = arith.constant 16 : index
    %swap3A_142 = tpu.vector_load %arg27[%swap3A_140, %swap3A_141] {strides = array<i32>} : memref<128x32xf32, #tpu.memory_space<vmem>>, vector<16xf32>,
    tpu.vector_store %arg27[%swap3A_140, %swap3A_141], %gather3A_136 {strides = array<i32>} : memref<128x32xf32, #tpu.memory_space<vmem>>, vector<16xf32>,
    %and3A_143 = arith.constant 507 : i32
    %and3A_144 = arith.constant 127 : i32
    %and3A_145 = arith.andi %and3A_143, %and3A_144 : i32
    %dma_wait3A_146 = arith.constant 0 : i32
    %dma_wait3A_147 = arith.constant 0 : i32
    %dma_wait3A_148 = tpu.memref_slice %arg4[%dma_wait3A_146, %dma_wait3A_147] : memref<32x1000000xf32, #tpu.memory_space<hbm>> -> memref<32x128xf32, #tpu.memory_space<hbm>>
    %dma_wait3A_149 = arith.constant 0 : i32
    %dma_wait3A_150 = arith.constant 0 : i32
    %dma_wait3A_151 = tpu.memref_slice %arg4[%dma_wait3A_149, %dma_wait3A_150] : memref<32x1000000xf32, #tpu.memory_space<hbm>> -> memref<32x128xf32, #tpu.memory_space<hbm>>
    tpu.wait_dma2 semaphore(%arg34 : memref<!tpu.dma_semaphore, #tpu.memory_space<semaphore_mem>>) src(%dma_wait3A_151 : memref<32x128xf32, #tpu.memory_space<hbm>>) dst(%arg16 : memref<32x128xf32, #tpu.memory_space<vmem>>)
    %slice3A_152 = vector.extract_strided_slice %and3A_13 {offsets = [11], sizes = [1], strides = [1]} : vector<16xi32> to vector<1xi32>
    %squeeze3A_153 = vector.extract %slice3A_152[0] : i32 from vector<1xi32>
    %broadcast_in_dim3A_154 = vector.broadcast %squeeze3A_153 : i32 to vector<16xi32>
    %gather3A_155 = tpu.vector_load_idx %arg16[%iota3A, %broadcast_in_dim3A_154] : memref<32x128xf32, #tpu.memory_space<vmem>>[vector<16xi32>, vector<16xi32>], vector<16xf32>,
    %add3A_156 = arith.constant 16 : i32
    %add3A_157 = vector.broadcast %add3A_156 : i32 to vector<16xi32>
    %add3A_158 = arith.addi %iota3A, %add3A_157 : vector<16xi32>
    %gather3A_159 = tpu.vector_load_idx %arg16[%add3A_158, %broadcast_in_dim3A_154] : memref<32x128xf32, #tpu.memory_space<vmem>>[vector<16xi32>, vector<16xi32>], vector<16xf32>,
    %swap3A_160 = arith.index_cast %and3A_145 : i32 to index
    %swap3A_161 = arith.constant 0 : index
    %swap3A_162 = tpu.vector_load %arg26[%swap3A_160, %swap3A_161] {strides = array<i32>} : memref<128x32xf32, #tpu.memory_space<vmem>>, vector<16xf32>,
    tpu.vector_store %arg26[%swap3A_160, %swap3A_161], %gather3A_155 {strides = array<i32>} : memref<128x32xf32, #tpu.memory_space<vmem>>, vector<16xf32>,
    %swap3A_163 = arith.index_cast %and3A_145 : i32 to index
    %swap3A_164 = arith.constant 16 : index
    %swap3A_165 = tpu.vector_load %arg26[%swap3A_163, %swap3A_164] {strides = array<i32>} : memref<128x32xf32, #tpu.memory_space<vmem>>, vector<16xf32>,
    tpu.vector_store %arg26[%swap3A_163, %swap3A_164], %gather3A_159 {strides = array<i32>} : memref<128x32xf32, #tpu.memory_space<vmem>>, vector<16xf32>,
    %dma_wait3A_166 = arith.constant 0 : i32
    %dma_wait3A_167 = arith.constant 0 : i32
    %dma_wait3A_168 = tpu.memref_slice %arg4[%dma_wait3A_166, %dma_wait3A_167] : memref<32x1000000xf32, #tpu.memory_space<hbm>> -> memref<32x128xf32, #tpu.memory_space<hbm>>
    %dma_wait3A_169 = arith.constant 0 : i32
    %dma_wait3A_170 = arith.constant 0 : i32
    %dma_wait3A_171 = tpu.memref_slice %arg4[%dma_wait3A_169, %dma_wait3A_170] : memref<32x1000000xf32, #tpu.memory_space<hbm>> -> memref<32x128xf32, #tpu.memory_space<hbm>>
    tpu.wait_dma2 semaphore(%arg35 : memref<!tpu.dma_semaphore, #tpu.memory_space<semaphore_mem>>) src(%dma_wait3A_171 : memref<32x128xf32, #tpu.memory_space<hbm>>) dst(%arg17 : memref<32x128xf32, #tpu.memory_space<vmem>>)
    %slice3A_172 = vector.extract_strided_slice %and3A_19 {offsets = [11], sizes = [1], strides = [1]} : vector<16xi32> to vector<1xi32>
    %squeeze3A_173 = vector.extract %slice3A_172[0] : i32 from vector<1xi32>
    %broadcast_in_dim3A_174 = vector.broadcast %squeeze3A_173 : i32 to vector<16xi32>
    %gather3A_175 = tpu.vector_load_idx %arg17[%iota3A, %broadcast_in_dim3A_174] : memref<32x128xf32, #tpu.memory_space<vmem>>[vector<16xi32>, vector<16xi32>], vector<16xf32>,
    %add3A_176 = arith.constant 16 : i32
    %add3A_177 = vector.broadcast %add3A_176 : i32 to vector<16xi32>
    %add3A_178 = arith.addi %iota3A, %add3A_177 : vector<16xi32>
    %gather3A_179 = tpu.vector_load_idx %arg17[%add3A_178, %broadcast_in_dim3A_174] : memref<32x128xf32, #tpu.memory_space<vmem>>[vector<16xi32>, vector<16xi32>], vector<16xf32>,
    %swap3A_180 = arith.index_cast %and3A_145 : i32 to index
    %swap3A_181 = arith.constant 0 : index
    %swap3A_182 = tpu.vector_load %arg27[%swap3A_180, %swap3A_181] {strides = array<i32>} : memref<128x32xf32, #tpu.memory_space<vmem>>, vector<16xf32>,
    tpu.vector_store %arg27[%swap3A_180, %swap3A_181], %gather3A_175 {strides = array<i32>} : memref<128x32xf32, #tpu.memory_space<vmem>>, vector<16xf32>,
    %swap3A_183 = arith.index_cast %and3A_145 : i32 to index
    %swap3A_184 = arith.constant 16 : index
    %swap3A_185 = tpu.vector_load %arg27[%swap3A_183, %swap3A_184] {strides = array<i32>} : memref<128x32xf32, #tpu.memory_space<vmem>>, vector<16xf32>,
    tpu.vector_store %arg27[%swap3A_183, %swap3A_184], %gather3A_179 {strides = array<i32>} : memref<128x32xf32, #tpu.memory_space<vmem>>, vector<16xf32>,
    %and3A_186 = arith.constant 508 : i32
    %and3A_187 = arith.constant 127 : i32
    %and3A_188 = arith.andi %and3A_186, %and3A_187 : i32
    %dma_wait3A_189 = arith.constant 0 : i32
    %dma_wait3A_190 = arith.constant 0 : i32
    %dma_wait3A_191 = tpu.memref_slice %arg4[%dma_wait3A_189, %dma_wait3A_190] : memref<32x1000000xf32, #tpu.memory_space<hbm>> -> memref<32x128xf32, #tpu.memory_space<hbm>>
    %dma_wait3A_192 = arith.constant 0 : i32
    %dma_wait3A_193 = arith.constant 0 : i32
    %dma_wait3A_194 = tpu.memref_slice %arg4[%dma_wait3A_192, %dma_wait3A_193] : memref<32x1000000xf32, #tpu.memory_space<hbm>> -> memref<32x128xf32, #tpu.memory_space<hbm>>
    tpu.wait_dma2 semaphore(%arg36 : memref<!tpu.dma_semaphore, #tpu.memory_space<semaphore_mem>>) src(%dma_wait3A_194 : memref<32x128xf32, #tpu.memory_space<hbm>>) dst(%arg18 : memref<32x128xf32, #tpu.memory_space<vmem>>)
    %slice3A_195 = vector.extract_strided_slice %and3A_13 {offsets = [12], sizes = [1], strides = [1]} : vector<16xi32> to vector<1xi32>
    %squeeze3A_196 = vector.extract %slice3A_195[0] : i32 from vector<1xi32>
    %broadcast_in_dim3A_197 = vector.broadcast %squeeze3A_196 : i32 to vector<16xi32>
    %gather3A_198 = tpu.vector_load_idx %arg18[%iota3A, %broadcast_in_dim3A_197] : memref<32x128xf32, #tpu.memory_space<vmem>>[vector<16xi32>, vector<16xi32>], vector<16xf32>,
    %add3A_199 = arith.constant 16 : i32
    %add3A_200 = vector.broadcast %add3A_199 : i32 to vector<16xi32>
    %add3A_201 = arith.addi %iota3A, %add3A_200 : vector<16xi32>
    %gather3A_202 = tpu.vector_load_idx %arg18[%add3A_201, %broadcast_in_dim3A_197] : memref<32x128xf32, #tpu.memory_space<vmem>>[vector<16xi32>, vector<16xi32>], vector<16xf32>,
    %swap3A_203 = arith.index_cast %and3A_188 : i32 to index
    %swap3A_204 = arith.constant 0 : index
    %swap3A_205 = tpu.vector_load %arg26[%swap3A_203, %swap3A_204] {strides = array<i32>} : memref<128x32xf32, #tpu.memory_space<vmem>>, vector<16xf32>,
    tpu.vector_store %arg26[%swap3A_203, %swap3A_204], %gather3A_198 {strides = array<i32>} : memref<128x32xf32, #tpu.memory_space<vmem>>, vector<16xf32>,
    %swap3A_206 = arith.index_cast %and3A_188 : i32 to index
    %swap3A_207 = arith.constant 16 : index
    %swap3A_208 = tpu.vector_load %arg26[%swap3A_206, %swap3A_207] {strides = array<i32>} : memref<128x32xf32, #tpu.memory_space<vmem>>, vector<16xf32>,
    tpu.vector_store %arg26[%swap3A_206, %swap3A_207], %gather3A_202 {strides = array<i32>} : memref<128x32xf32, #tpu.memory_space<vmem>>, vector<16xf32>,
    %dma_wait3A_209 = arith.constant 0 : i32
    %dma_wait3A_210 = arith.constant 0 : i32
    %dma_wait3A_211 = tpu.memref_slice %arg4[%dma_wait3A_209, %dma_wait3A_210] : memref<32x1000000xf32, #tpu.memory_space<hbm>> -> memref<32x128xf32, #tpu.memory_space<hbm>>
    %dma_wait3A_212 = arith.constant 0 : i32
    %dma_wait3A_213 = arith.constant 0 : i32
    %dma_wait3A_214 = tpu.memref_slice %arg4[%dma_wait3A_212, %dma_wait3A_213] : memref<32x1000000xf32, #tpu.memory_space<hbm>> -> memref<32x128xf32, #tpu.memory_space<hbm>>
    tpu.wait_dma2 semaphore(%arg37 : memref<!tpu.dma_semaphore, #tpu.memory_space<semaphore_mem>>) src(%dma_wait3A_214 : memref<32x128xf32, #tpu.memory_space<hbm>>) dst(%arg19 : memref<32x128xf32, #tpu.memory_space<vmem>>)
    %slice3A_215 = vector.extract_strided_slice %and3A_19 {offsets = [12], sizes = [1], strides = [1]} : vector<16xi32> to vector<1xi32>
    %squeeze3A_216 = vector.extract %slice3A_215[0] : i32 from vector<1xi32>
    %broadcast_in_dim3A_217 = vector.broadcast %squeeze3A_216 : i32 to vector<16xi32>
    %gather3A_218 = tpu.vector_load_idx %arg19[%iota3A, %broadcast_in_dim3A_217] : memref<32x128xf32, #tpu.memory_space<vmem>>[vector<16xi32>, vector<16xi32>], vector<16xf32>,
    %add3A_219 = arith.constant 16 : i32
    %add3A_220 = vector.broadcast %add3A_219 : i32 to vector<16xi32>
    %add3A_221 = arith.addi %iota3A, %add3A_220 : vector<16xi32>
    %gather3A_222 = tpu.vector_load_idx %arg19[%add3A_221, %broadcast_in_dim3A_217] : memref<32x128xf32, #tpu.memory_space<vmem>>[vector<16xi32>, vector<16xi32>], vector<16xf32>,
    %swap3A_223 = arith.index_cast %and3A_188 : i32 to index
    %swap3A_224 = arith.constant 0 : index
    %swap3A_225 = tpu.vector_load %arg27[%swap3A_223, %swap3A_224] {strides = array<i32>} : memref<128x32xf32, #tpu.memory_space<vmem>>, vector<16xf32>,
    tpu.vector_store %arg27[%swap3A_223, %swap3A_224], %gather3A_218 {strides = array<i32>} : memref<128x32xf32, #tpu.memory_space<vmem>>, vector<16xf32>,
    %swap3A_226 = arith.index_cast %and3A_188 : i32 to index
    %swap3A_227 = arith.constant 16 : index
    %swap3A_228 = tpu.vector_load %arg27[%swap3A_226, %swap3A_227] {strides = array<i32>} : memref<128x32xf32, #tpu.memory_space<vmem>>, vector<16xf32>,
    tpu.vector_store %arg27[%swap3A_226, %swap3A_227], %gather3A_222 {strides = array<i32>} : memref<128x32xf32, #tpu.memory_space<vmem>>, vector<16xf32>,
    %and3A_229 = arith.constant 509 : i32
    %and3A_230 = arith.constant 127 : i32
    %and3A_231 = arith.andi %and3A_229, %and3A_230 : i32
    %dma_wait3A_232 = arith.constant 0 : i32
    %dma_wait3A_233 = arith.constant 0 : i32
    %dma_wait3A_234 = tpu.memref_slice %arg4[%dma_wait3A_232, %dma_wait3A_233] : memref<32x1000000xf32, #tpu.memory_space<hbm>> -> memref<32x128xf32, #tpu.memory_space<hbm>>
    %dma_wait3A_235 = arith.constant 0 : i32
    %dma_wait3A_236 = arith.constant 0 : i32
    %dma_wait3A_237 = tpu.memref_slice %arg4[%dma_wait3A_235, %dma_wait3A_236] : memref<32x1000000xf32, #tpu.memory_space<hbm>> -> memref<32x128xf32, #tpu.memory_space<hbm>>
    tpu.wait_dma2 semaphore(%arg38 : memref<!tpu.dma_semaphore, #tpu.memory_space<semaphore_mem>>) src(%dma_wait3A_237 : memref<32x128xf32, #tpu.memory_space<hbm>>) dst(%arg20 : memref<32x128xf32, #tpu.memory_space<vmem>>)
    %slice3A_238 = vector.extract_strided_slice %and3A_13 {offsets = [13], sizes = [1], strides = [1]} : vector<16xi32> to vector<1xi32>
    %squeeze3A_239 = vector.extract %slice3A_238[0] : i32 from vector<1xi32>
    %broadcast_in_dim3A_240 = vector.broadcast %squeeze3A_239 : i32 to vector<16xi32>
    %gather3A_241 = tpu.vector_load_idx %arg20[%iota3A, %broadcast_in_dim3A_240] : memref<32x128xf32, #tpu.memory_space<vmem>>[vector<16xi32>, vector<16xi32>], vector<16xf32>,
    %add3A_242 = arith.constant 16 : i32
    %add3A_243 = vector.broadcast %add3A_242 : i32 to vector<16xi32>
    %add3A_244 = arith.addi %iota3A, %add3A_243 : vector<16xi32>
    %gather3A_245 = tpu.vector_load_idx %arg20[%add3A_244, %broadcast_in_dim3A_240] : memref<32x128xf32, #tpu.memory_space<vmem>>[vector<16xi32>, vector<16xi32>], vector<16xf32>,
    %swap3A_246 = arith.index_cast %and3A_231 : i32 to index
    %swap3A_247 = arith.constant 0 : index
    %swap3A_248 = tpu.vector_load %arg26[%swap3A_246, %swap3A_247] {strides = array<i32>} : memref<128x32xf32, #tpu.memory_space<vmem>>, vector<16xf32>,
    tpu.vector_store %arg26[%swap3A_246, %swap3A_247], %gather3A_241 {strides = array<i32>} : memref<128x32xf32, #tpu.memory_space<vmem>>, vector<16xf32>,
    %swap3A_249 = arith.index_cast %and3A_231 : i32 to index
    %swap3A_250 = arith.constant 16 : index
    %swap3A_251 = tpu.vector_load %arg26[%swap3A_249, %swap3A_250] {strides = array<i32>} : memref<128x32xf32, #tpu.memory_space<vmem>>, vector<16xf32>,
    tpu.vector_store %arg26[%swap3A_249, %swap3A_250], %gather3A_245 {strides = array<i32>} : memref<128x32xf32, #tpu.memory_space<vmem>>, vector<16xf32>,
    %dma_wait3A_252 = arith.constant 0 : i32
    %dma_wait3A_253 = arith.constant 0 : i32
    %dma_wait3A_254 = tpu.memref_slice %arg4[%dma_wait3A_252, %dma_wait3A_253] : memref<32x1000000xf32, #tpu.memory_space<hbm>> -> memref<32x128xf32, #tpu.memory_space<hbm>>
    %dma_wait3A_255 = arith.constant 0 : i32
    %dma_wait3A_256 = arith.constant 0 : i32
    %dma_wait3A_257 = tpu.memref_slice %arg4[%dma_wait3A_255, %dma_wait3A_256] : memref<32x1000000xf32, #tpu.memory_space<hbm>> -> memref<32x128xf32, #tpu.memory_space<hbm>>
    tpu.wait_dma2 semaphore(%arg39 : memref<!tpu.dma_semaphore, #tpu.memory_space<semaphore_mem>>) src(%dma_wait3A_257 : memref<32x128xf32, #tpu.memory_space<hbm>>) dst(%arg21 : memref<32x128xf32, #tpu.memory_space<vmem>>)
    %slice3A_258 = vector.extract_strided_slice %and3A_19 {offsets = [13], sizes = [1], strides = [1]} : vector<16xi32> to vector<1xi32>
    %squeeze3A_259 = vector.extract %slice3A_258[0] : i32 from vector<1xi32>
    %broadcast_in_dim3A_260 = vector.broadcast %squeeze3A_259 : i32 to vector<16xi32>
    %gather3A_261 = tpu.vector_load_idx %arg21[%iota3A, %broadcast_in_dim3A_260] : memref<32x128xf32, #tpu.memory_space<vmem>>[vector<16xi32>, vector<16xi32>], vector<16xf32>,
    %add3A_262 = arith.constant 16 : i32
    %add3A_263 = vector.broadcast %add3A_262 : i32 to vector<16xi32>
    %add3A_264 = arith.addi %iota3A, %add3A_263 : vector<16xi32>
    %gather3A_265 = tpu.vector_load_idx %arg21[%add3A_264, %broadcast_in_dim3A_260] : memref<32x128xf32, #tpu.memory_space<vmem>>[vector<16xi32>, vector<16xi32>], vector<16xf32>,
    %swap3A_266 = arith.index_cast %and3A_231 : i32 to index
    %swap3A_267 = arith.constant 0 : index
    %swap3A_268 = tpu.vector_load %arg27[%swap3A_266, %swap3A_267] {strides = array<i32>} : memref<128x32xf32, #tpu.memory_space<vmem>>, vector<16xf32>,
    tpu.vector_store %arg27[%swap3A_266, %swap3A_267], %gather3A_261 {strides = array<i32>} : memref<128x32xf32, #tpu.memory_space<vmem>>, vector<16xf32>,
    %swap3A_269 = arith.index_cast %and3A_231 : i32 to index
    %swap3A_270 = arith.constant 16 : index
    %swap3A_271 = tpu.vector_load %arg27[%swap3A_269, %swap3A_270] {strides = array<i32>} : memref<128x32xf32, #tpu.memory_space<vmem>>, vector<16xf32>,
    tpu.vector_store %arg27[%swap3A_269, %swap3A_270], %gather3A_265 {strides = array<i32>} : memref<128x32xf32, #tpu.memory_space<vmem>>, vector<16xf32>,
    %and3A_272 = arith.constant 510 : i32
    %and3A_273 = arith.constant 127 : i32
    %and3A_274 = arith.andi %and3A_272, %and3A_273 : i32
    %dma_wait3A_275 = arith.constant 0 : i32
    %dma_wait3A_276 = arith.constant 0 : i32
    %dma_wait3A_277 = tpu.memref_slice %arg4[%dma_wait3A_275, %dma_wait3A_276] : memref<32x1000000xf32, #tpu.memory_space<hbm>> -> memref<32x128xf32, #tpu.memory_space<hbm>>
    %dma_wait3A_278 = arith.constant 0 : i32
    %dma_wait3A_279 = arith.constant 0 : i32
    %dma_wait3A_280 = tpu.memref_slice %arg4[%dma_wait3A_278, %dma_wait3A_279] : memref<32x1000000xf32, #tpu.memory_space<hbm>> -> memref<32x128xf32, #tpu.memory_space<hbm>>
    tpu.wait_dma2 semaphore(%arg40 : memref<!tpu.dma_semaphore, #tpu.memory_space<semaphore_mem>>) src(%dma_wait3A_280 : memref<32x128xf32, #tpu.memory_space<hbm>>) dst(%arg22 : memref<32x128xf32, #tpu.memory_space<vmem>>)
    %slice3A_281 = vector.extract_strided_slice %and3A_13 {offsets = [14], sizes = [1], strides = [1]} : vector<16xi32> to vector<1xi32>
    %squeeze3A_282 = vector.extract %slice3A_281[0] : i32 from vector<1xi32>
    %broadcast_in_dim3A_283 = vector.broadcast %squeeze3A_282 : i32 to vector<16xi32>
    %gather3A_284 = tpu.vector_load_idx %arg22[%iota3A, %broadcast_in_dim3A_283] : memref<32x128xf32, #tpu.memory_space<vmem>>[vector<16xi32>, vector<16xi32>], vector<16xf32>,
    %add3A_285 = arith.constant 16 : i32
    %add3A_286 = vector.broadcast %add3A_285 : i32 to vector<16xi32>
    %add3A_287 = arith.addi %iota3A, %add3A_286 : vector<16xi32>
    %gather3A_288 = tpu.vector_load_idx %arg22[%add3A_287, %broadcast_in_dim3A_283] : memref<32x128xf32, #tpu.memory_space<vmem>>[vector<16xi32>, vector<16xi32>], vector<16xf32>,
    %swap3A_289 = arith.index_cast %and3A_274 : i32 to index
    %swap3A_290 = arith.constant 0 : index
    %swap3A_291 = tpu.vector_load %arg26[%swap3A_289, %swap3A_290] {strides = array<i32>} : memref<128x32xf32, #tpu.memory_space<vmem>>, vector<16xf32>,
    tpu.vector_store %arg26[%swap3A_289, %swap3A_290], %gather3A_284 {strides = array<i32>} : memref<128x32xf32, #tpu.memory_space<vmem>>, vector<16xf32>,
    %swap3A_292 = arith.index_cast %and3A_274 : i32 to index
    %swap3A_293 = arith.constant 16 : index
    %swap3A_294 = tpu.vector_load %arg26[%swap3A_292, %swap3A_293] {strides = array<i32>} : memref<128x32xf32, #tpu.memory_space<vmem>>, vector<16xf32>,
    tpu.vector_store %arg26[%swap3A_292, %swap3A_293], %gather3A_288 {strides = array<i32>} : memref<128x32xf32, #tpu.memory_space<vmem>>, vector<16xf32>,
    %dma_wait3A_295 = arith.constant 0 : i32
    %dma_wait3A_296 = arith.constant 0 : i32
    %dma_wait3A_297 = tpu.memref_slice %arg4[%dma_wait3A_295, %dma_wait3A_296] : memref<32x1000000xf32, #tpu.memory_space<hbm>> -> memref<32x128xf32, #tpu.memory_space<hbm>>
    %dma_wait3A_298 = arith.constant 0 : i32
    %dma_wait3A_299 = arith.constant 0 : i32
    %dma_wait3A_300 = tpu.memref_slice %arg4[%dma_wait3A_298, %dma_wait3A_299] : memref<32x1000000xf32, #tpu.memory_space<hbm>> -> memref<32x128xf32, #tpu.memory_space<hbm>>
    tpu.wait_dma2 semaphore(%arg41 : memref<!tpu.dma_semaphore, #tpu.memory_space<semaphore_mem>>) src(%dma_wait3A_300 : memref<32x128xf32, #tpu.memory_space<hbm>>) dst(%arg23 : memref<32x128xf32, #tpu.memory_space<vmem>>)
    %slice3A_301 = vector.extract_strided_slice %and3A_19 {offsets = [14], sizes = [1], strides = [1]} : vector<16xi32> to vector<1xi32>
    %squeeze3A_302 = vector.extract %slice3A_301[0] : i32 from vector<1xi32>
    %broadcast_in_dim3A_303 = vector.broadcast %squeeze3A_302 : i32 to vector<16xi32>
    %gather3A_304 = tpu.vector_load_idx %arg23[%iota3A, %broadcast_in_dim3A_303] : memref<32x128xf32, #tpu.memory_space<vmem>>[vector<16xi32>, vector<16xi32>], vector<16xf32>,
    %add3A_305 = arith.constant 16 : i32
    %add3A_306 = vector.broadcast %add3A_305 : i32 to vector<16xi32>
    %add3A_307 = arith.addi %iota3A, %add3A_306 : vector<16xi32>
    %gather3A_308 = tpu.vector_load_idx %arg23[%add3A_307, %broadcast_in_dim3A_303] : memref<32x128xf32, #tpu.memory_space<vmem>>[vector<16xi32>, vector<16xi32>], vector<16xf32>,
    %swap3A_309 = arith.index_cast %and3A_274 : i32 to index
    %swap3A_310 = arith.constant 0 : index
    %swap3A_311 = tpu.vector_load %arg27[%swap3A_309, %swap3A_310] {strides = array<i32>} : memref<128x32xf32, #tpu.memory_space<vmem>>, vector<16xf32>,
    tpu.vector_store %arg27[%swap3A_309, %swap3A_310], %gather3A_304 {strides = array<i32>} : memref<128x32xf32, #tpu.memory_space<vmem>>, vector<16xf32>,
    %swap3A_312 = arith.index_cast %and3A_274 : i32 to index
    %swap3A_313 = arith.constant 16 : index
    %swap3A_314 = tpu.vector_load %arg27[%swap3A_312, %swap3A_313] {strides = array<i32>} : memref<128x32xf32, #tpu.memory_space<vmem>>, vector<16xf32>,
    tpu.vector_store %arg27[%swap3A_312, %swap3A_313], %gather3A_308 {strides = array<i32>} : memref<128x32xf32, #tpu.memory_space<vmem>>, vector<16xf32>,
    %and3A_315 = arith.constant 511 : i32
    %and3A_316 = arith.constant 127 : i32
    %and3A_317 = arith.andi %and3A_315, %and3A_316 : i32
    %dma_wait3A_318 = arith.constant 0 : i32
    %dma_wait3A_319 = arith.constant 0 : i32
    %dma_wait3A_320 = tpu.memref_slice %arg4[%dma_wait3A_318, %dma_wait3A_319] : memref<32x1000000xf32, #tpu.memory_space<hbm>> -> memref<32x128xf32, #tpu.memory_space<hbm>>
    %dma_wait3A_321 = arith.constant 0 : i32
    %dma_wait3A_322 = arith.constant 0 : i32
    %dma_wait3A_323 = tpu.memref_slice %arg4[%dma_wait3A_321, %dma_wait3A_322] : memref<32x1000000xf32, #tpu.memory_space<hbm>> -> memref<32x128xf32, #tpu.memory_space<hbm>>
    tpu.wait_dma2 semaphore(%arg42 : memref<!tpu.dma_semaphore, #tpu.memory_space<semaphore_mem>>) src(%dma_wait3A_323 : memref<32x128xf32, #tpu.memory_space<hbm>>) dst(%arg24 : memref<32x128xf32, #tpu.memory_space<vmem>>)
    %slice3A_324 = vector.extract_strided_slice %and3A_13 {offsets = [15], sizes = [1], strides = [1]} : vector<16xi32> to vector<1xi32>
    %squeeze3A_325 = vector.extract %slice3A_324[0] : i32 from vector<1xi32>
    %broadcast_in_dim3A_326 = vector.broadcast %squeeze3A_325 : i32 to vector<16xi32>
    %gather3A_327 = tpu.vector_load_idx %arg24[%iota3A, %broadcast_in_dim3A_326] : memref<32x128xf32, #tpu.memory_space<vmem>>[vector<16xi32>, vector<16xi32>], vector<16xf32>,
    %add3A_328 = arith.constant 16 : i32
    %add3A_329 = vector.broadcast %add3A_328 : i32 to vector<16xi32>
    %add3A_330 = arith.addi %iota3A, %add3A_329 : vector<16xi32>
    %gather3A_331 = tpu.vector_load_idx %arg24[%add3A_330, %broadcast_in_dim3A_326] : memref<32x128xf32, #tpu.memory_space<vmem>>[vector<16xi32>, vector<16xi32>], vector<16xf32>,
    %swap3A_332 = arith.index_cast %and3A_317 : i32 to index
    %swap3A_333 = arith.constant 0 : index
    %swap3A_334 = tpu.vector_load %arg26[%swap3A_332, %swap3A_333] {strides = array<i32>} : memref<128x32xf32, #tpu.memory_space<vmem>>, vector<16xf32>,
    tpu.vector_store %arg26[%swap3A_332, %swap3A_333], %gather3A_327 {strides = array<i32>} : memref<128x32xf32, #tpu.memory_space<vmem>>, vector<16xf32>,
    %swap3A_335 = arith.index_cast %and3A_317 : i32 to index
    %swap3A_336 = arith.constant 16 : index
    %swap3A_337 = tpu.vector_load %arg26[%swap3A_335, %swap3A_336] {strides = array<i32>} : memref<128x32xf32, #tpu.memory_space<vmem>>, vector<16xf32>,
    tpu.vector_store %arg26[%swap3A_335, %swap3A_336], %gather3A_331 {strides = array<i32>} : memref<128x32xf32, #tpu.memory_space<vmem>>, vector<16xf32>,
    %dma_wait3A_338 = arith.constant 0 : i32
    %dma_wait3A_339 = arith.constant 0 : i32
    %dma_wait3A_340 = tpu.memref_slice %arg4[%dma_wait3A_338, %dma_wait3A_339] : memref<32x1000000xf32, #tpu.memory_space<hbm>> -> memref<32x128xf32, #tpu.memory_space<hbm>>
    %dma_wait3A_341 = arith.constant 0 : i32
    %dma_wait3A_342 = arith.constant 0 : i32
    %dma_wait3A_343 = tpu.memref_slice %arg4[%dma_wait3A_341, %dma_wait3A_342] : memref<32x1000000xf32, #tpu.memory_space<hbm>> -> memref<32x128xf32, #tpu.memory_space<hbm>>
    tpu.wait_dma2 semaphore(%arg43 : memref<!tpu.dma_semaphore, #tpu.memory_space<semaphore_mem>>) src(%dma_wait3A_343 : memref<32x128xf32, #tpu.memory_space<hbm>>) dst(%arg25 : memref<32x128xf32, #tpu.memory_space<vmem>>)
    %slice3A_344 = vector.extract_strided_slice %and3A_19 {offsets = [15], sizes = [1], strides = [1]} : vector<16xi32> to vector<1xi32>
    %squeeze3A_345 = vector.extract %slice3A_344[0] : i32 from vector<1xi32>
    %broadcast_in_dim3A_346 = vector.broadcast %squeeze3A_345 : i32 to vector<16xi32>
    %gather3A_347 = tpu.vector_load_idx %arg25[%iota3A, %broadcast_in_dim3A_346] : memref<32x128xf32, #tpu.memory_space<vmem>>[vector<16xi32>, vector<16xi32>], vector<16xf32>,
    %add3A_348 = arith.constant 16 : i32
    %add3A_349 = vector.broadcast %add3A_348 : i32 to vector<16xi32>
    %add3A_350 = arith.addi %iota3A, %add3A_349 : vector<16xi32>
    %gather3A_351 = tpu.vector_load_idx %arg25[%add3A_350, %broadcast_in_dim3A_346] : memref<32x128xf32, #tpu.memory_space<vmem>>[vector<16xi32>, vector<16xi32>], vector<16xf32>,
    %swap3A_352 = arith.index_cast %and3A_317 : i32 to index
    %swap3A_353 = arith.constant 0 : index
    %swap3A_354 = tpu.vector_load %arg27[%swap3A_352, %swap3A_353] {strides = array<i32>} : memref<128x32xf32, #tpu.memory_space<vmem>>, vector<16xf32>,
    tpu.vector_store %arg27[%swap3A_352, %swap3A_353], %gather3A_347 {strides = array<i32>} : memref<128x32xf32, #tpu.memory_space<vmem>>, vector<16xf32>,
    %swap3A_355 = arith.index_cast %and3A_317 : i32 to index
    %swap3A_356 = arith.constant 16 : index
    %swap3A_357 = tpu.vector_load %arg27[%swap3A_355, %swap3A_356] {strides = array<i32>} : memref<128x32xf32, #tpu.memory_space<vmem>>, vector<16xf32>,
    tpu.vector_store %arg27[%swap3A_355, %swap3A_356], %gather3A_351 {strides = array<i32>} : memref<128x32xf32, #tpu.memory_space<vmem>>, vector<16xf32>,
    %dma_wait3A_358 = arith.constant 0 : i32
    %dma_wait3A_359 = arith.constant 0 : i32
    %dma_wait3A_360 = tpu.memref_slice %arg26[%dma_wait3A_358, %dma_wait3A_359] : memref<128x32xf32, #tpu.memory_space<vmem>> -> memref<64x32xf32, #tpu.memory_space<vmem>>
    %dma_wait3A_361 = arith.constant 0 : i32
    %dma_wait3A_362 = arith.constant 0 : i32
    %dma_wait3A_363 = tpu.memref_slice %arg6[%dma_wait3A_361, %dma_wait3A_362] : memref<16384x32xf32, #tpu.memory_space<hbm>> -> memref<64x32xf32, #tpu.memory_space<hbm>>
    %dma_wait3A_364 = arith.constant 0 : i32
    %dma_wait3A_365 = arith.constant 0 : i32
    %dma_wait3A_366 = tpu.memref_slice %arg26[%dma_wait3A_364, %dma_wait3A_365] : memref<128x32xf32, #tpu.memory_space<vmem>> -> memref<64x32xf32, #tpu.memory_space<vmem>>
    %dma_wait3A_367 = arith.constant 0 : i32
    %dma_wait3A_368 = arith.constant 0 : i32
    %dma_wait3A_369 = tpu.memref_slice %arg6[%dma_wait3A_367, %dma_wait3A_368] : memref<16384x32xf32, #tpu.memory_space<hbm>> -> memref<64x32xf32, #tpu.memory_space<hbm>>
    tpu.wait_dma2 semaphore(%arg44 : memref<!tpu.dma_semaphore, #tpu.memory_space<semaphore_mem>>) src(%dma_wait3A_369 : memref<64x32xf32, #tpu.memory_space<hbm>>) dst(%dma_wait3A_366 : memref<64x32xf32, #tpu.memory_space<vmem>>)
    %dma_wait3A_370 = arith.constant 0 : i32
    %dma_wait3A_371 = arith.constant 0 : i32
    %dma_wait3A_372 = tpu.memref_slice %arg27[%dma_wait3A_370, %dma_wait3A_371] : memref<128x32xf32, #tpu.memory_space<vmem>> -> memref<64x32xf32, #tpu.memory_space<vmem>>
    %dma_wait3A_373 = arith.constant 0 : i32
    %dma_wait3A_374 = arith.constant 0 : i32
    %dma_wait3A_375 = tpu.memref_slice %arg7[%dma_wait3A_373, %dma_wait3A_374] : memref<16384x32xf32, #tpu.memory_space<hbm>> -> memref<64x32xf32, #tpu.memory_space<hbm>>
    %dma_wait3A_376 = arith.constant 0 : i32
    %dma_wait3A_377 = arith.constant 0 : i32
    %dma_wait3A_378 = tpu.memref_slice %arg27[%dma_wait3A_376, %dma_wait3A_377] : memref<128x32xf32, #tpu.memory_space<vmem>> -> memref<64x32xf32, #tpu.memory_space<vmem>>
    %dma_wait3A_379 = arith.constant 0 : i32
    %dma_wait3A_380 = arith.constant 0 : i32
    %dma_wait3A_381 = tpu.memref_slice %arg7[%dma_wait3A_379, %dma_wait3A_380] : memref<16384x32xf32, #tpu.memory_space<hbm>> -> memref<64x32xf32, #tpu.memory_space<hbm>>
    tpu.wait_dma2 semaphore(%arg45 : memref<!tpu.dma_semaphore, #tpu.memory_space<semaphore_mem>>) src(%dma_wait3A_381 : memref<64x32xf32, #tpu.memory_space<hbm>>) dst(%dma_wait3A_378 : memref<64x32xf32, #tpu.memory_space<vmem>>)
    %and3A_382 = arith.constant 448 : i32
    %and3A_383 = arith.constant 127 : i32
    %and3A_384 = arith.andi %and3A_382, %and3A_383 : i32
    %add3A_385 = arith.constant 448 : i32
    %add3A_386 = arith.addi %mul3A_2, %add3A_385 : i32
    %dma_start3A = arith.constant 0 : i32
    %dma_start3A_387 = tpu.memref_slice %arg26[%and3A_384, %dma_start3A] : memref<128x32xf32, #tpu.memory_space<vmem>> -> memref<64x32xf32, #tpu.memory_space<vmem>>
    %dma_start3A_388 = arith.constant 0 : i32
    %dma_start3A_389 = tpu.memref_slice %arg6[%add3A_386, %dma_start3A_388] : memref<16384x32xf32, #tpu.memory_space<hbm>> -> memref<64x32xf32, #tpu.memory_space<hbm>>
    %dma_start3A_390 = arith.constant 0 : i32
    %dma_start3A_391 = tpu.memref_slice %arg6[%add3A_386, %dma_start3A_390] : memref<16384x32xf32, #tpu.memory_space<hbm>> -> memref<64x32xf32, #tpu.memory_space<hbm>>
    %dma_start3A_392 = arith.constant 0 : i32
    %dma_start3A_393 = tpu.memref_slice %arg26[%and3A_384, %dma_start3A_392] : memref<128x32xf32, #tpu.memory_space<vmem>> -> memref<64x32xf32, #tpu.memory_space<vmem>>
    tpu.enqueue_dma source(%dma_start3A_393 : memref<64x32xf32, #tpu.memory_space<vmem>>) target(%dma_start3A_391 : memref<64x32xf32, #tpu.memory_space<hbm>>) target_semaphore(%arg44 : memref<!tpu.dma_semaphore, #tpu.memory_space<semaphore_mem>>)
    %add3A_394 = arith.constant 448 : i32
    %add3A_395 = arith.addi %mul3A_2, %add3A_394 : i32
    %dma_start3A_396 = arith.constant 0 : i32
    %dma_start3A_397 = tpu.memref_slice %arg27[%and3A_384, %dma_start3A_396] : memref<128x32xf32, #tpu.memory_space<vmem>> -> memref<64x32xf32, #tpu.memory_space<vmem>>
    %dma_start3A_398 = arith.constant 0 : i32
    %dma_start3A_399 = tpu.memref_slice %arg7[%add3A_395, %dma_start3A_398] : memref<16384x32xf32, #tpu.memory_space<hbm>> -> memref<64x32xf32, #tpu.memory_space<hbm>>
    %dma_start3A_400 = arith.constant 0 : i32
    %dma_start3A_401 = tpu.memref_slice %arg7[%add3A_395, %dma_start3A_400] : memref<16384x32xf32, #tpu.memory_space<hbm>> -> memref<64x32xf32, #tpu.memory_space<hbm>>
    %dma_start3A_402 = arith.constant 0 : i32
    %dma_start3A_403 = tpu.memref_slice %arg27[%and3A_384, %dma_start3A_402] : memref<128x32xf32, #tpu.memory_space<vmem>> -> memref<64x32xf32, #tpu.memory_space<vmem>>
    tpu.enqueue_dma source(%dma_start3A_403 : memref<64x32xf32, #tpu.memory_space<vmem>>) target(%dma_start3A_401 : memref<64x32xf32, #tpu.memory_space<hbm>>) target_semaphore(%arg45 : memref<!tpu.dma_semaphore, #tpu.memory_space<semaphore_mem>>)
    %dma_wait3A_404 = arith.constant 0 : i32
    %dma_wait3A_405 = arith.constant 0 : i32
    %dma_wait3A_406 = tpu.memref_slice %arg26[%dma_wait3A_404, %dma_wait3A_405] : memref<128x32xf32, #tpu.memory_space<vmem>> -> memref<64x32xf32, #tpu.memory_space<vmem>>
    %dma_wait3A_407 = arith.constant 0 : i32
    %dma_wait3A_408 = arith.constant 0 : i32
    %dma_wait3A_409 = tpu.memref_slice %arg6[%dma_wait3A_407, %dma_wait3A_408] : memref<16384x32xf32, #tpu.memory_space<hbm>> -> memref<64x32xf32, #tpu.memory_space<hbm>>
    %dma_wait3A_410 = arith.constant 0 : i32
    %dma_wait3A_411 = arith.constant 0 : i32
    %dma_wait3A_412 = tpu.memref_slice %arg26[%dma_wait3A_410, %dma_wait3A_411] : memref<128x32xf32, #tpu.memory_space<vmem>> -> memref<64x32xf32, #tpu.memory_space<vmem>>
    %dma_wait3A_413 = arith.constant 0 : i32
    %dma_wait3A_414 = arith.constant 0 : i32
    %dma_wait3A_415 = tpu.memref_slice %arg6[%dma_wait3A_413, %dma_wait3A_414] : memref<16384x32xf32, #tpu.memory_space<hbm>> -> memref<64x32xf32, #tpu.memory_space<hbm>>
    tpu.wait_dma2 semaphore(%arg44 : memref<!tpu.dma_semaphore, #tpu.memory_space<semaphore_mem>>) src(%dma_wait3A_415 : memref<64x32xf32, #tpu.memory_space<hbm>>) dst(%dma_wait3A_412 : memref<64x32xf32, #tpu.memory_space<vmem>>)
    %dma_wait3A_416 = arith.constant 0 : i32
    %dma_wait3A_417 = arith.constant 0 : i32
    %dma_wait3A_418 = tpu.memref_slice %arg27[%dma_wait3A_416, %dma_wait3A_417] : memref<128x32xf32, #tpu.memory_space<vmem>> -> memref<64x32xf32, #tpu.memory_space<vmem>>
    %dma_wait3A_419 = arith.constant 0 : i32
    %dma_wait3A_420 = arith.constant 0 : i32
    %dma_wait3A_421 = tpu.memref_slice %arg7[%dma_wait3A_419, %dma_wait3A_420] : memref<16384x32xf32, #tpu.memory_space<hbm>> -> memref<64x32xf32, #tpu.memory_space<hbm>>
    %dma_wait3A_422 = arith.constant 0 : i32
    %dma_wait3A_423 = arith.constant 0 : i32
    %dma_wait3A_424 = tpu.memref_slice %arg27[%dma_wait3A_422, %dma_wait3A_423] : memref<128x32xf32, #tpu.memory_space<vmem>> -> memref<64x32xf32, #tpu.memory_space<vmem>>
    %dma_wait3A_425 = arith.constant 0 : i32
    %dma_wait3A_426 = arith.constant 0 : i32
    %dma_wait3A_427 = tpu.memref_slice %arg7[%dma_wait3A_425, %dma_wait3A_426] : memref<16384x32xf32, #tpu.memory_space<hbm>> -> memref<64x32xf32, #tpu.memory_space<hbm>>
    tpu.wait_dma2 semaphore(%arg45 : memref<!tpu.dma_semaphore, #tpu.memory_space<semaphore_mem>>) src(%dma_wait3A_427 : memref<64x32xf32, #tpu.memory_space<hbm>>) dst(%dma_wait3A_424 : memref<64x32xf32, #tpu.memory_space<vmem>>)
    return
  }
}

module attributes {stable_mosaic.version = 14 : i64} {
  func.func @_mlp_body(%arg0: i32, %arg1: memref<2048x32xf32, #tpu.memory_space<vmem>>, %arg2: memref<2048x32xf32, #tpu.memory_space<vmem>>, %arg3: memref<2048x1xi32, #tpu.memory_space<vmem>>, %arg4: memref<2048x1xi32, #tpu.memory_space<vmem>>, %arg5: memref<64x32xf32, #tpu.memory_space<vmem>>, %arg6: memref<64x32xf32, #tpu.memory_space<vmem>>, %arg7: memref<32x128xf32, #tpu.memory_space<vmem>>, %arg8: memref<32x128xf32, #tpu.memory_space<vmem>>, %arg9: memref<1x128xf32, #tpu.memory_space<vmem>>, %arg10: memref<128x64xf32, #tpu.memory_space<vmem>>, %arg11: memref<1x64xf32, #tpu.memory_space<vmem>>, %arg12: memref<1x64xf32, #tpu.memory_space<vmem>>, %arg13: memref<1x1xf32, #tpu.memory_space<vmem>>, %arg14: memref<2048xf32, #tpu.memory_space<vmem>>) attributes {dimension_semantics = [#tpu.dimension_semantics<arbitrary>], iteration_bounds = array<i64: 8>, scalar_prefetch = 0 : i64, scratch_operands = 0 : i64, tpu.core_type = #tpu.core_type<tc>, window_params = [{transform_indices = @transform_0, window_bounds = array<i64: 2048, 32>}, {transform_indices = @transform_1, window_bounds = array<i64: 2048, 32>}, {transform_indices = @transform_2, window_bounds = array<i64: 2048, 1>}, {transform_indices = @transform_3, window_bounds = array<i64: 2048, 1>}, {pipeline_mode = #tpu.pipeline_mode<synchronous>, transform_indices = @transform_4, window_bounds = array<i64: 64, 32>}, {pipeline_mode = #tpu.pipeline_mode<synchronous>, transform_indices = @transform_5, window_bounds = array<i64: 64, 32>}, {pipeline_mode = #tpu.pipeline_mode<synchronous>, transform_indices = @transform_6, window_bounds = array<i64: 32, 128>}, {pipeline_mode = #tpu.pipeline_mode<synchronous>, transform_indices = @transform_7, window_bounds = array<i64: 32, 128>}, {pipeline_mode = #tpu.pipeline_mode<synchronous>, transform_indices = @transform_8, window_bounds = array<i64: 1, 128>}, {pipeline_mode = #tpu.pipeline_mode<synchronous>, transform_indices = @transform_9, window_bounds = array<i64: 128, 64>}, {pipeline_mode = #tpu.pipeline_mode<synchronous>, transform_indices = @transform_10, window_bounds = array<i64: 1, 64>}, {pipeline_mode = #tpu.pipeline_mode<synchronous>, transform_indices = @transform_11, window_bounds = array<i64: 1, 64>}, {pipeline_mode = #tpu.pipeline_mode<synchronous>, transform_indices = @transform_12, window_bounds = array<i64: 1, 1>}, {transform_indices = @transform_13, window_bounds = array<i64: 2048>}]} {
    %get3A = arith.constant 0 : index
    %get3A_0 = arith.constant 0 : index
    %get3A_1 = vector.load %arg1[%get3A, %get3A_0] : memref<2048x32xf32, #tpu.memory_space<vmem>>, vector<2048x32xf32>
    %get3A_2 = arith.constant 0 : index
    %get3A_3 = arith.constant 0 : index
    %get3A_4 = vector.load %arg3[%get3A_2, %get3A_3] : memref<2048x1xi32, #tpu.memory_space<vmem>>, vector<2048x1xi32>
    %sub3A = arith.constant 999936 : i32
    %sub3A_5 = vector.broadcast %sub3A : i32 to vector<2048x1xi32>
    %sub3A_6 = arith.subi %get3A_4, %sub3A_5 : vector<2048x1xi32>
    %iota3A = tpu.iota {dimensions = array<i32: 1>} : vector<2048x64xi32>
    %eq3A = vector.broadcast %sub3A_6 : vector<2048x1xi32> to vector<2048x64xi32>
    %eq3A_7 = arith.cmpi eq, %eq3A, %iota3A : vector<2048x64xi32>
    %convert_element_type3A = arith.extui %eq3A_7 : vector<2048x64xi1> to vector<2048x64xi32>
    %convert_element_type3A_8 = arith.sitofp %convert_element_type3A : vector<2048x64xi32> to vector<2048x64xf32>
    %get3A_9 = arith.constant 0 : index
    %get3A_10 = arith.constant 0 : index
    %get3A_11 = vector.load %arg5[%get3A_9, %get3A_10] : memref<64x32xf32, #tpu.memory_space<vmem>>, vector<64x32xf32>
    %dot_general3A = arith.constant dense<0.000000e+00> : vector<2048x32xf32>
    %dot_general3A_12 = tpu.matmul %convert_element_type3A_8, %get3A_11, %dot_general3A {dimension_numbers = #tpu.dot_dimension_numbers<[1], [0], [0], [1], [0, 0, 1, 1], [], []>, transpose_lhs_hint = false} : vector<2048x64xf32>, vector<64x32xf32>, vector<2048x32xf32> -> vector<2048x32xf32>
    %ge3A = arith.constant 0 : i32
    %ge3A_13 = vector.broadcast %ge3A : i32 to vector<2048x1xi32>
    %ge3A_14 = arith.cmpi sge, %sub3A_6, %ge3A_13 : vector<2048x1xi32>
    %broadcast_in_dim3A = vector.shape_cast %ge3A_14 : vector<2048x1xi1> to vector<2048x1xi1>
    %broadcast_in_dim3A_15 = vector.broadcast %broadcast_in_dim3A : vector<2048x1xi1> to vector<2048x32xi1>
    %select_n3A = arith.select %broadcast_in_dim3A_15, %dot_general3A_12, %get3A_1 : vector<2048x32xi1>, vector<2048x32xf32>
    %get3A_16 = arith.constant 0 : index
    %get3A_17 = arith.constant 0 : index
    %get3A_18 = vector.load %arg2[%get3A_16, %get3A_17] : memref<2048x32xf32, #tpu.memory_space<vmem>>, vector<2048x32xf32>
    %get3A_19 = arith.constant 0 : index
    %get3A_20 = arith.constant 0 : index
    %get3A_21 = vector.load %arg4[%get3A_19, %get3A_20] : memref<2048x1xi32, #tpu.memory_space<vmem>>, vector<2048x1xi32>
    %sub3A_22 = arith.constant 999936 : i32
    %sub3A_23 = vector.broadcast %sub3A_22 : i32 to vector<2048x1xi32>
    %sub3A_24 = arith.subi %get3A_21, %sub3A_23 : vector<2048x1xi32>
    %iota3A_25 = tpu.iota {dimensions = array<i32: 1>} : vector<2048x64xi32>
    %eq3A_26 = vector.broadcast %sub3A_24 : vector<2048x1xi32> to vector<2048x64xi32>
    %eq3A_27 = arith.cmpi eq, %eq3A_26, %iota3A_25 : vector<2048x64xi32>
    %convert_element_type3A_28 = arith.extui %eq3A_27 : vector<2048x64xi1> to vector<2048x64xi32>
    %convert_element_type3A_29 = arith.sitofp %convert_element_type3A_28 : vector<2048x64xi32> to vector<2048x64xf32>
    %get3A_30 = arith.constant 0 : index
    %get3A_31 = arith.constant 0 : index
    %get3A_32 = vector.load %arg6[%get3A_30, %get3A_31] : memref<64x32xf32, #tpu.memory_space<vmem>>, vector<64x32xf32>
    %dot_general3A_33 = arith.constant dense<0.000000e+00> : vector<2048x32xf32>
    %dot_general3A_34 = tpu.matmul %convert_element_type3A_29, %get3A_32, %dot_general3A_33 {dimension_numbers = #tpu.dot_dimension_numbers<[1], [0], [0], [1], [0, 0, 1, 1], [], []>, transpose_lhs_hint = false} : vector<2048x64xf32>, vector<64x32xf32>, vector<2048x32xf32> -> vector<2048x32xf32>
    %ge3A_35 = arith.constant 0 : i32
    %ge3A_36 = vector.broadcast %ge3A_35 : i32 to vector<2048x1xi32>
    %ge3A_37 = arith.cmpi sge, %sub3A_24, %ge3A_36 : vector<2048x1xi32>
    %broadcast_in_dim3A_38 = vector.shape_cast %ge3A_37 : vector<2048x1xi1> to vector<2048x1xi1>
    %broadcast_in_dim3A_39 = vector.broadcast %broadcast_in_dim3A_38 : vector<2048x1xi1> to vector<2048x32xi1>
    %select_n3A_40 = arith.select %broadcast_in_dim3A_39, %dot_general3A_34, %get3A_18 : vector<2048x32xi1>, vector<2048x32xf32>
    %get3A_41 = arith.constant 0 : index
    %get3A_42 = arith.constant 0 : index
    %get3A_43 = vector.load %arg7[%get3A_41, %get3A_42] : memref<32x128xf32, #tpu.memory_space<vmem>>, vector<32x128xf32>
    %dot_general3A_44 = arith.constant dense<0.000000e+00> : vector<2048x128xf32>
    %dot_general3A_45 = tpu.matmul %select_n3A, %get3A_43, %dot_general3A_44 {dimension_numbers = #tpu.dot_dimension_numbers<[1], [0], [0], [1], [0, 0, 1, 1], [], []>, transpose_lhs_hint = false} : vector<2048x32xf32>, vector<32x128xf32>, vector<2048x128xf32> -> vector<2048x128xf32>
    %get3A_46 = arith.constant 0 : index
    %get3A_47 = arith.constant 0 : index
    %get3A_48 = vector.load %arg8[%get3A_46, %get3A_47] : memref<32x128xf32, #tpu.memory_space<vmem>>, vector<32x128xf32>
    %dot_general3A_49 = arith.constant dense<0.000000e+00> : vector<2048x128xf32>
    %dot_general3A_50 = tpu.matmul %select_n3A_40, %get3A_48, %dot_general3A_49 {dimension_numbers = #tpu.dot_dimension_numbers<[1], [0], [0], [1], [0, 0, 1, 1], [], []>, transpose_lhs_hint = false} : vector<2048x32xf32>, vector<32x128xf32>, vector<2048x128xf32> -> vector<2048x128xf32>
    %add3A = arith.addf %dot_general3A_45, %dot_general3A_50 : vector<2048x128xf32>
    %get3A_51 = arith.constant 0 : index
    %get3A_52 = arith.constant 0 : index
    %get3A_53 = vector.load %arg9[%get3A_51, %get3A_52] : memref<1x128xf32, #tpu.memory_space<vmem>>, vector<1x128xf32>
    %add3A_54 = vector.broadcast %get3A_53 : vector<1x128xf32> to vector<2048x128xf32>
    %add3A_55 = arith.addf %add3A, %add3A_54 : vector<2048x128xf32>
    %max3A = arith.constant 0.000000e+00 : f32
    %max3A_56 = vector.broadcast %max3A : f32 to vector<2048x128xf32>
    %max3A_57 = arith.maximumf %add3A_55, %max3A_56 : vector<2048x128xf32>
    %get3A_58 = arith.constant 0 : index
    %get3A_59 = arith.constant 0 : index
    %get3A_60 = vector.load %arg10[%get3A_58, %get3A_59] : memref<128x64xf32, #tpu.memory_space<vmem>>, vector<128x64xf32>
    %dot_general3A_61 = arith.constant dense<0.000000e+00> : vector<2048x64xf32>
    %dot_general3A_62 = tpu.matmul %max3A_57, %get3A_60, %dot_general3A_61 {dimension_numbers = #tpu.dot_dimension_numbers<[1], [0], [0], [1], [0, 0, 1, 1], [], []>, transpose_lhs_hint = false} : vector<2048x128xf32>, vector<128x64xf32>, vector<2048x64xf32> -> vector<2048x64xf32>
    %get3A_63 = arith.constant 0 : index
    %get3A_64 = arith.constant 0 : index
    %get3A_65 = vector.load %arg11[%get3A_63, %get3A_64] : memref<1x64xf32, #tpu.memory_space<vmem>>, vector<1x64xf32>
    %add3A_66 = vector.broadcast %get3A_65 : vector<1x64xf32> to vector<2048x64xf32>
    %add3A_67 = arith.addf %dot_general3A_62, %add3A_66 : vector<2048x64xf32>
    %max3A_68 = arith.constant 0.000000e+00 : f32
    %max3A_69 = vector.broadcast %max3A_68 : f32 to vector<2048x64xf32>
    %max3A_70 = arith.maximumf %add3A_67, %max3A_69 : vector<2048x64xf32>
    %get3A_71 = arith.constant 0 : index
    %get3A_72 = arith.constant 0 : index
    %get3A_73 = vector.load %arg12[%get3A_71, %get3A_72] : memref<1x64xf32, #tpu.memory_space<vmem>>, vector<1x64xf32>
    %mul3A = vector.broadcast %get3A_73 : vector<1x64xf32> to vector<2048x64xf32>
    %mul3A_74 = arith.mulf %max3A_70, %mul3A : vector<2048x64xf32>
    %reduce_sum3A = arith.constant dense<0.000000e+00> : vector<2048xf32>
    %reduce_sum3A_75 = vector.multi_reduction <add>, %mul3A_74, %reduce_sum3A [1] : vector<2048x64xf32> to vector<2048xf32>
    %get3A_76 = arith.constant 0 : index
    %get3A_77 = arith.constant 0 : index
    %get3A_78 = vector.load %arg13[%get3A_76, %get3A_77] : memref<1x1xf32, #tpu.memory_space<vmem>>, vector<1x1xf32>
    %get3A_79 = vector.extract %get3A_78[0, 0] : f32 from vector<1x1xf32>
    %add3A_80 = vector.broadcast %get3A_79 : f32 to vector<2048xf32>
    %add3A_81 = arith.addf %reduce_sum3A_75, %add3A_80 : vector<2048xf32>
    %swap3A = arith.constant 0 : index
    %swap3A_82 = vector.load %arg14[%swap3A] : memref<2048xf32, #tpu.memory_space<vmem>>, vector<2048xf32>
    tpu.vector_store %arg14[%swap3A], %add3A_81 {strides = array<i32>} : memref<2048xf32, #tpu.memory_space<vmem>>, vector<2048xf32>,
    return
  }
  func.func @transform_0(%arg0: i32) -> (i32, i32) {
    %c0_i32 = arith.constant 0 : i32
    %c0_i32_0 = arith.constant 0 : i32
    return %arg0, %c0_i32 : i32, i32
  }
  func.func @transform_1(%arg0: i32) -> (i32, i32) {
    %c0_i32 = arith.constant 0 : i32
    %c0_i32_0 = arith.constant 0 : i32
    return %arg0, %c0_i32 : i32, i32
  }
  func.func @transform_2(%arg0: i32) -> (i32, i32) {
    %c0_i32 = arith.constant 0 : i32
    %c0_i32_0 = arith.constant 0 : i32
    return %arg0, %c0_i32 : i32, i32
  }
  func.func @transform_3(%arg0: i32) -> (i32, i32) {
    %c0_i32 = arith.constant 0 : i32
    %c0_i32_0 = arith.constant 0 : i32
    return %arg0, %c0_i32 : i32, i32
  }
  func.func @transform_4(%arg0: i32) -> (i32, i32) {
    %c0_i32 = arith.constant 0 : i32
    %c0_i32_0 = arith.constant 0 : i32
    %c0_i32_1 = arith.constant 0 : i32
    return %c0_i32, %c0_i32_0 : i32, i32
  }
  func.func @transform_5(%arg0: i32) -> (i32, i32) {
    %c0_i32 = arith.constant 0 : i32
    %c0_i32_0 = arith.constant 0 : i32
    %c0_i32_1 = arith.constant 0 : i32
    return %c0_i32, %c0_i32_0 : i32, i32
  }
  func.func @transform_6(%arg0: i32) -> (i32, i32) {
    %c0_i32 = arith.constant 0 : i32
    %c0_i32_0 = arith.constant 0 : i32
    %c0_i32_1 = arith.constant 0 : i32
    return %c0_i32, %c0_i32_0 : i32, i32
  }
  func.func @transform_7(%arg0: i32) -> (i32, i32) {
    %c0_i32 = arith.constant 0 : i32
    %c0_i32_0 = arith.constant 0 : i32
    %c0_i32_1 = arith.constant 0 : i32
    return %c0_i32, %c0_i32_0 : i32, i32
  }
  func.func @transform_8(%arg0: i32) -> (i32, i32) {
    %c0_i32 = arith.constant 0 : i32
    %c0_i32_0 = arith.constant 0 : i32
    %c0_i32_1 = arith.constant 0 : i32
    return %c0_i32, %c0_i32_0 : i32, i32
  }
  func.func @transform_9(%arg0: i32) -> (i32, i32) {
    %c0_i32 = arith.constant 0 : i32
    %c0_i32_0 = arith.constant 0 : i32
    %c0_i32_1 = arith.constant 0 : i32
    return %c0_i32, %c0_i32_0 : i32, i32
  }
  func.func @transform_10(%arg0: i32) -> (i32, i32) {
    %c0_i32 = arith.constant 0 : i32
    %c0_i32_0 = arith.constant 0 : i32
    %c0_i32_1 = arith.constant 0 : i32
    return %c0_i32, %c0_i32_0 : i32, i32
  }
  func.func @transform_11(%arg0: i32) -> (i32, i32) {
    %c0_i32 = arith.constant 0 : i32
    %c0_i32_0 = arith.constant 0 : i32
    %c0_i32_1 = arith.constant 0 : i32
    return %c0_i32, %c0_i32_0 : i32, i32
  }
  func.func @transform_12(%arg0: i32) -> (i32, i32) {
    %c0_i32 = arith.constant 0 : i32
    %c0_i32_0 = arith.constant 0 : i32
    %c0_i32_1 = arith.constant 0 : i32
    return %c0_i32, %c0_i32_0 : i32, i32
  }
  func.func @transform_13(%arg0: i32) -> i32 {
    %c0_i32 = arith.constant 0 : i32
    return %arg0 : i32
  }
}

</mosaic_0001>

<sc_bundles>
// kernel: kernel.4.cloned.1.call-start
scs
__scs_entry_jumppad:
0x0: {  	(pc) =	sbr.rel $0x88, $3  }
0x1: {  	(tag) =	ssettag $0x0;
	lr =	simm.s32 $0x1  }
0x2: {  	[smem:$0x3F97] =	sst lr;
	_ =	strace $0xD0000000  }
0x3: {  	_ = 	snop  }
0x4: {  	_ = 	snop  }
0x5: {  	_ = 	snop  }
0x6: {  	_ = 	snop  }
0x7: {  	_ = 	snop  }
__scs_overlays_trampoline_lowered:
0x8: {  	[smem:$0x3FA6] =	sst s0  }
0x9: {  	[smem:$0x3FA7] =	sst s1  }
0xa: {  	[smem:$0x3FA8] =	sst s2  }
0xb: {  	[smem:$0x3FA9] =	sst s3  }
0xc: {  	[smem:$0x3FAA] =	sst s4  }
0xd: {  	[smem:$0x3FAB] =	sst s5  }
0xe: {  	[smem:$0x3FAC] =	sst s6  }
0xf: {  	[smem:$0x3FAD] =	sst s7  }
0x10: {  	[smem:$0x3FAE] =	sst s8  }
0x11: {  	[smem:$0x3FAF] =	sst s9;
	s0 =	simm.s32 @!p0 $0x0  }
0x12: {  	s1 =	sld [smem:$0x3F95];
	s0 =	simm.s32 @p0 $0x1  }
0x13: {  	[smem:$0x3FB0] =	sst s0;
	s0 =	simm.s32 @!p1 $0x0  }
0x14: {  	s2 =	sld [smem:$0x3F94];
	s0 =	simm.s32 @p1 $0x1  }
0x15: {  	[smem:$0x3FB1] =	sst s0;
	s0 =	simm.s32 @!p2 $0x0  }
0x16: {  	s3 =	sld [smem:$0x3FDB];
	s0 =	simm.s32 @p2 $0x1  }
0x17: {  	s4 =	simm.s32 $0x1BF5;
	[smem:$0x3FB3] =	sst s0  }
0x18: {  	s0 =	sld [smem:$0x3F96];
	_ =	swait.ge [sflag:s4], $0x0  }
0x19: {  	s7 =	sld [smem:$0x3F97]  }
0x1a: {  	s8 =	sadd.s32 $0xFFFFE003, lr  }
0x1b: {  	s9 =	sadd.s32 $0xFFFFFEF7, lr;
	s5 =	simm.s32 $0xFFFFFFFF;
	p2 =	slt.u32 s8, $0xFFFFF086  }
0x1c: {  	p1 =	slt.u32 s9, $0xF7A;
	s5 =	simm.s32 @!p2 $0x0  }
0x1d: {  	s5 =	simm.s32 @p1 $0x1;
	p0 =	seq.s32 s7, s2  }
0x1e: {  	s7 =	smul.u32 @!p0 $0xF7A, s2;
	p2 =	seq.s32 @!p0 s5, $0x0  }
0x1f: {  	s9 =	smul.u32 $0xF7A, s1;
	s8 =	simm.s32 @!p0 $0x1BF5;
	p2 =	por !p2, p0  }
0x20: {  	[sflag:s8] =	ssyncset.s32 @!p0 $0xFFFFF086;
	s6 =	sadd.s32 @!p0 s3, s7;
	s7 =	simm.s32 @!p0 $0x108  }
0x21: {  	s3 =	sadd.s32 s3, s9;
	s6 =	sadd.s32 @!p0 $0x88, s6;
	s7 =	simm.s32 @p2 $0x1082  }
0x22: {  	[simem:s7], [sflag:s8] =	dma.local @!p0 [hbm:s6], $0xF7A  }
0x23: {  	s9 =	sor.u32 $0xD0000000, s2;
	s6 =	simm.s32 $0x108;
	_ =	swait.ge @!p0 [sflag:s8], $0x0  }
0x24: {  	s3 =	sadd.s32 $0x88, s3;
	s6 =	simm.s32 @!p1 $0x1082;
	[sflag:s4] =	ssyncset.s32 $0xFFFFF086  }
0x25: {  	[simem:s6], [sflag:s4] =	dma.local [hbm:s3], $0xF7A  }
0x26: {  	[smem:$0x3F97] =	sst s1;
	(tag) =	ssettag s2;
	_ =	strace s9  }
0x27: {  	s1 =	sld [smem:$0x3FA7]  }
0x28: {  	s2 =	sld [smem:$0x3FA8]  }
0x29: {  	s4 =	sld [smem:$0x3FAA]  }
0x2a: {  	p0 =	seq.s32 s5, $0x0;
	s5 =	sld [smem:$0x3FAB]  }
0x2b: {  	s6 =	sld [smem:$0x3FAC]  }
0x2c: {  	s7 =	sld [smem:$0x3FAD]  }
0x2d: {  	s3 =	simm.s32 $0x108;
	s8 =	sld [smem:$0x3FAE]  }
0x2e: {  	s3 =	simm.s32 @!p0 $0x1082;
	s9 =	sld [smem:$0x3FAF]  }
0x2f: {  	lr =	sadd.s32 s0, s3;
	s0 =	sld [smem:$0x3FA6]  }
0x30: {  	s3 =	sld [smem:$0x3FA9]  }
0x31: {  	[smem:$0x3FB2] =	sst s10  }
0x32: {  	s10 =	sld [smem:$0x3FB0];
	_ =	sdelay $0x3  }
0x33: {  	p0 =	seq.s32 s10, $0x1;
	s10 =	sld [smem:$0x3FB2];
	_ =	sdelay $0x3  }
0x34: {  	[smem:$0x3FB2] =	sst s10  }
0x35: {  	s10 =	sld [smem:$0x3FB1];
	_ =	sdelay $0x3  }
0x36: {  	p1 =	seq.s32 s10, $0x1;
	s10 =	sld [smem:$0x3FB2];
	_ =	sdelay $0x3  }
0x37: {  	[smem:$0x3FB2] =	sst s10  }
0x38: {  	s10 =	sld [smem:$0x3FB3]  }
0x39: {  	_ = 	snop;
	(pc) =	sbr.ind lr, $3  }
0x3a: {  	_ = 	snop  }
0x3b: {  	_ = 	snop  }
0x3c: {  	p2 =	seq.s32 s10, $0x1;
	s10 =	sld [smem:$0x3FB2]  }
0x3d: {  	_ =	shalt  }
0x3e: {  	_ =	shalt  }
0x3f: {  	_ =	shalt  }
0x40: {  	_ =	shalt  }
0x41: {  	_ =	shalt  }
0x42: {  	_ =	shalt  }
0x43: {  	_ =	shalt  }
0x44: {  	_ =	shalt  }
0x45: {  	_ =	shalt  }
0x46: {  	_ =	shalt  }
0x47: {  	_ =	shalt  }
0x48: {  	_ =	shalt  }
0x49: {  	_ =	shalt  }
0x4a: {  	_ =	shalt  }
0x4b: {  	_ =	shalt  }
0x4c: {  	_ =	shalt  }
0x4d: {  	_ =	shalt  }
0x4e: {  	_ =	shalt  }
0x4f: {  	_ =	shalt  }
0x50: {  	_ =	shalt  }
0x51: {  	_ =	shalt  }
0x52: {  	_ =	shalt  }
0x53: {  	_ =	shalt  }
0x54: {  	_ =	shalt  }
0x55: {  	_ =	shalt  }
0x56: {  	_ =	shalt  }
0x57: {  	_ =	shalt  }
0x58: {  	_ =	shalt  }
0x59: {  	_ =	shalt  }
0x5a: {  	_ =	shalt  }
0x5b: {  	_ =	shalt  }
0x5c: {  	_ =	shalt  }
0x5d: {  	_ =	shalt  }
0x5e: {  	_ =	shalt  }
0x5f: {  	_ =	shalt  }
0x60: {  	_ =	shalt  }
0x61: {  	_ =	shalt  }
0x62: {  	_ =	shalt  }
0x63: {  	_ =	shalt  }
0x64: {  	_ =	shalt  }
0x65: {  	_ =	shalt  }
0x66: {  	_ =	shalt  }
0x67: {  	_ =	shalt  }
0x68: {  	_ =	shalt  }
0x69: {  	_ =	shalt  }
0x6a: {  	_ =	shalt  }
0x6b: {  	_ =	shalt  }
0x6c: {  	_ =	shalt  }
0x6d: {  	_ =	shalt  }
0x6e: {  	_ =	shalt  }
0x6f: {  	_ =	shalt  }
0x70: {  	_ =	shalt  }
0x71: {  	_ =	shalt  }
0x72: {  	_ =	shalt  }
0x73: {  	_ =	shalt  }
0x74: {  	_ =	shalt  }
0x75: {  	_ =	shalt  }
0x76: {  	_ =	shalt  }
0x77: {  	_ =	shalt  }
0x78: {  	_ =	shalt  }
0x79: {  	_ =	shalt  }
0x7a: {  	_ =	shalt  }
0x7b: {  	_ =	shalt  }
0x7c: {  	_ =	shalt  }
0x7d: {  	_ =	shalt  }
0x7e: {  	_ =	shalt  }
0x7f: {  	_ =	shalt  }
0x80: {  	_ =	shalt  }
0x81: {  	_ =	shalt  }
0x82: {  	_ =	shalt  }
0x83: {  	_ =	shalt  }
0x84: {  	_ =	shalt  }
0x85: {  	_ =	shalt  }
0x86: {  	_ =	shalt  }
0x87: {  	_ =	shalt  }
.Lfunc_end0:
.L_simem_size_0:
called_computation_lowered:
.L_overlay_start_0:
0x88: {  	s2 =	sld [smem:$0x3FD9]  }
0x89: {  	s3 =	sld [smem:$0x3FFE];
	_ =	sdelay $0x1  }
0x8a: {  	s1 =	srdreg.scid  }
0x8b: {  	s0 =	sand.u32 $0x1, s1  }
0x8c: {  	s17 =	sshll.u32 s0, $0xA;
	s2 =	sadd.s32 s3, s2  }
0x8d: {  	s2 =	sadd.s32 s2, s17  }
0x8e: {  	[smem:$0x3FBE] =	sst s2  }
0x8f: {  	_ = 	snop  }
0x90: {  	s2 =	sld [smem:$0x3FC9]  }
0x91: {  	s18 =	sld [smem:$0x3FC8]  }
0x92: {  	s4 =	sld [smem:$0x3FC7]  }
0x93: {  	s5 =	sld [smem:$0x3FC6];
	(tm) =	ssettm $0x1  }
0x94: {  	s6 =	sld [smem:$0x3FFB];
	_ =	sdelay $0x3  }
0x95: {  	_ =	strace s6  }
0x96: {  	s6 =	sld [smem:$0x3FFC];
	_ =	sdelay $0x3  }
0x97: {  	_ =	strace s6  }
0x98: {  	s6 =	sld [smem:$0x3FFD];
	_ =	sdelay $0x3  }
0x99: {  	_ =	strace s6  }
0x9a: {  	_ =	strace $0x8FFFFFFF  }
0x9b: {  	s19 =	sld [smem:$0x3FDB];
	_ =	sdelay $0x1  }
0x9c: {  	s7 =	simm.s32 $_scs_section_size  }
0x9d: {  	s8 =	simm.s32 $_size__tile_overlayer_lowered;
	s9 =	simm.s32 $_tile_overlayer_lowered  }
0x9e: {  	s22 =	simm.s32 $0x1BFF;
	s21 =	sshll.u32 s9, $0x1;
	s6 =	sadd.s32 s7, s19  }
0x9f: {  	s10 =	simm.s32 $0x0;
	s20 =	sshll.u32 s8, $0x1;
	s8 =	sadd.s32 s21, s6  }
0xa0: {  	[timem:s10], [sflag:s22] =	dma.local [hbm:s8], s20  }
0xa1: {  	_ =	swait.ge [sflag:s22], s20  }
0xa2: {  	s7 =	ssub.s32 $0x0, s20;
	[sflag:s22] =	ssyncset.done $0x0  }
0xa3: {  	[sflag:s22] =	ssyncadd.s32 s7;
	_ =	sdelay $0x1  }
0xa4: {  	s23 =	simm.s32 $0x1B8B  }
0xa5: {  	_ =	swait.ge [sflag:s23], $0x1  }
0xa6: {  	[sflag:s23] =	ssyncset.done $0x0  }
0xa7: {  	s25 =	simm.s32 $0x1B8E;
	s24 =	sld [smem:$0x3FFE];
	[sflag:s23] =	ssyncadd.s32 $0xFFFFFFFF  }
0xa8: {  	s26 =	simm.s32 $execute0_lowered;
	[smem:$0x3FD2] =	sst s25  }
0xa9: {  	s8 =	sshll.u32 s26, $0x1;
	_ =	strace $0x80000046;
	[dreg:$0x1] =	wrdreg $0xFFFFFFFF  }
0xaa: {  	s28 =	simm.s32 $_size_execute0_lowered;
	s6 =	sadd.s32 s6, s8;
	[dreg:$0x0] =	wrdreg $0x0  }
0xab: {  	s8 =	sshll.u32 s28, $0x1;
	[dreg:$0x2] =	wrdreg s6  }
0xac: {  	[dreg:$0x3] =	wrdreg s8  }
0xad: {  	[dreg:$0x4] =	wrdreg $0xC0  }
0xae: {  	_ =	task [dreg:s10], $0x5FFFF  }
0xaf: {  	[dreg:$0x1] =	wrdreg $0xFFFFFFFF  }
0xb0: {  	[dreg:$0x0] =	wrdreg $0x60  }
0xb1: {  	[dreg:$0x2] =	wrdreg s2  }
0xb2: {  	[dreg:$0x3] =	wrdreg s18  }
0xb3: {  	[dreg:$0x4] =	wrdreg s4  }
0xb4: {  	[dreg:$0x5] =	wrdreg s5  }
0xb5: {  	[dreg:$0x6] =	wrdreg s24  }
0xb6: {  	[dreg:$0x7] =	wrdreg $0x9  }
0xb7: {  	_ =	task.clear_ibuf [dreg:s10], $0x8FFFF;
	_ =	strace $0x90000046  }
0xb8: {  	s29 =	simm.s32 $0x9;
	_ =	strace $0x80000048  }
0xb9: {  	_ =	swait.ge [sflag:s29], $0x1  }
0xba: {  	[sflag:s29] =	ssyncadd.s32 $0xFFFFFFFF  }
0xbb: {  	_ =	strace $0x90000048  }
0xbc: {  	_ =	sfence  }
0xbd: {  	s30 =	sld [smem:$0x0];
	_ =	sdelay $0x2  }
0xbe: {  	s31 =	sshll.u32 s1, $0xD;
	s1 =	sshrl.u32 s1, $0x2  }
0xbf: {  	s3 =	sand.u32 $0x4000, s31;
	s1 =	sadd.s32 s1, s30  }
0xc0: {  	s0 =	sor.u32 s3, s0;
	s1 =	sshll.u32 s1, $0x11  }
0xc1: {  	s0 =	sor.u32 s1, s0  }
0xc2: {  	s0 =	sadd.s32 $0x8F2B, s0  }
0xc3: {  	[sflag:s0] =	ssyncadd.remote.s32 $0x1  }
0xc4: {  	_ =	sfence.sel $0xFFFF  }
0xc5: {  	[dreg:$0x0] =	wrdreg $0xFFFFFFFF;
	(pc) =	sbr.abs _section_cstart, $3  }
0xc6: {  	[dreg:$0x1] =	wrdreg $0xFFFFFFFF  }
0xc7: {  	_ =	task.clear_ibuf [dreg:s10], $0x2FFFF;
	_ =	strace $0x9FFFFFFF  }
0xc8: {  	(tm) =	ssettm $0x7FFFFFFF  }
0xc9: {  	_ =	shalt  }
tec
execute0_lowered:
.L_overlay_start_1:
0x0: {  	(tag) =	ssettag $0x1  }
0x1: {  	s0 =	rddreg [dreg:$0x0]  }
0x2: {  	s3 =	rddreg [dreg:$0x1]  }
0x3: {  	s1 =	rddreg [dreg:$0x2]  }
0x4: {  	s2 =	rddreg [dreg:$0x3]  }
0x5: {  	s4 =	rddreg [dreg:$0x4];
	s11 =	simm.s32 $0x0  }
0x6: {  	s5 =	srdreg.scid;
	s12 =	stileid.u32;
	s14 =	simm.s32 $0x7A1400  }
0x7: {  	s15 =	simm.s32 $0x400;
	s13 =	simm.s32 $0x1400;
	s17 =	simm.s32 $0x2400  }
0x8: {  	s16 =	simm.s32 $0x3400;
	s19 =	simm.s32 $0x4400;
	s20 =	simm.s32 $0x5400  }
0x9: {  	s21 =	simm.s32 $0x6400;
	s28 =	simm.s32 $0xC400;
	s29 =	simm.s32 $0xD400  }
0xa: {  	s30 =	simm.s32 $0xE400;
	[smem:$0x7FF] =	sst s11;
	s6 =	sadd.s32 $0x1C00, s4  }
0xb: {  	s5 =	sand.u32 $0x1, s5;
	s8 =	sshll.u32 s12, $0xA;
	s4 =	sadd.s32 $0x41C00, s4  }
0xc: {  	s25 =	sshll.u32 s12, $0xE;
	_ =	strace $0x80000047;
	s9 =	sshll.u32 s5, $0x9  }
0xd: {  	s7 =	ssub.s32 $0x2, s5;
	s26 =	sadd.s32 s25, s6;
	s8 =	sor.u32 s9, s8  }
0xe: {  	s5 =	sshll.u32 s5, $0xD;
	s10 =	sshrl.u32 s7, $0x1;
	s9 =	sshrl.u32 s8, $0x3  }
0xf: {  	s7 =	ssub.s32 s7, s10;
	s8 =	sshll.u32 s8, $0x4;
	s0 =	sadd.s32 s0, s9  }
0x10: {  	s22 =	sadd.s32 s3, s9;
	s23 =	sor.u32 $0x1C00, s8;
	s31 =	smax.u32 s7, $0x1  }
0x11: {  	s3 =	sadd.s32 s5, s26;
	s26 =	simm.s32 $0xB400;
	[dreg:$0x6] =	wrdreg s0  }
0x12: {  	[dreg:$0x7] =	wrdreg s22;
	s24 =	sadd.s32 s6, s23;
	s0 =	sadd.s32 s4, s23  }
.Ltmp0:
0x13: {  	[dreg:$0xa] =	wrdreg s31;
	s3 =	sadd.s32 $0xFFFFFC00, s3;
	(pc) =	sbr.rel .LBB2_1-.Ltmp0, $4  }
0x14: {  	v0 =	vlaneseq.u32;
	s22 =	simm.s32 $0x7400;
	[dreg:$0x9] =	wrdreg s0;
	s0 =	sadd.s32 s25, s4  }
0x15: {  	v0 =	vmul.u32 $0x80, v0;
	s23 =	simm.s32 $0x8400;
	[dreg:$0x8] =	wrdreg s24;
	s0 =	sadd.s32 s5, s0  }
0x16: {  	[dreg:$0xb] =	wrdreg s3;
	s24 =	simm.s32 $0x9400;
	s0 =	sadd.s32 $0xFFFFFC00, s0  }
0x17: {  	v1 =	vor.u32 $0x800, v0;
	s25 =	simm.s32 $0xA400;
	s3 =	simm.s32 $0x0;
	[dreg:$0xc] =	wrdreg s0  }
.LBB2_8:
0x18: {  	v2 =	vld [tilespmem:$0x1F0];
	_ =	sdelay $0x4  }
0x19: {  	v2 =	vand.u32 $0x7F, v2  }
0x1a: {  	v3 =	vbroadcast v2, $0x8;
	_ =	sdelay $0x1  }
0x1b: {  	v4 =	vor.u32 v0, v3  }
0x1c: {  	s0 =	simm.s32 $0x1;
	v3 =	vor.u32 v1, v3  }
0x1d: {  	v5 =	vld [tilespmem:$0x3F0];
	_ =	swait.ge [sflag:s0], $0x1000  }
0x1e: {  	[sflag:s0] =	ssyncset.done $0x0  }
0x1f: {  	[sflag:s0] =	ssyncadd.s32 $0xFFFFF000  }
0x20: {  	v4 =	vld.idx.msk [tilespmem:v4+s15+$0x0], $0xffff  }
0x21: {  	v6 =	vld.idx.msk [tilespmem:v3+s15+$0x0], $0xffff  }
0x22: {  	v3 =	vand.u32 $0x7F, v5  }
0x23: {  	v5 =	vbroadcast v3, $0x8;
	_ =	sdelay $0x1  }
0x24: {  	v25 =	vor.u32 v0, v5;
	[tilespmem:$0x14000] =	vst v4  }
0x25: {  	s31 =	simm.s32 $0x2;
	v5 =	vor.u32 v1, v5;
	[tilespmem:$0x14010] =	vst v6  }
0x26: {  	_ =	swait.ge [sflag:s31], $0x1000  }
0x27: {  	[sflag:s31] =	ssyncset.done $0x0  }
0x28: {  	[sflag:s31] =	ssyncadd.s32 $0xFFFFF000  }
0x29: {  	v4 =	vld.idx.msk [tilespmem:v25+s13+$0x0], $0xffff  }
0x2a: {  	v5 =	vld.idx.msk [tilespmem:v5+s13+$0x0], $0xffff;
	_ =	sdelay $0x1  }
0x2b: {  	v26 =	vbroadcast v2, $0x9;
	_ =	sdelay $0x1  }
0x2c: {  	v27 =	vor.u32 v0, v26;
	[tilespmem:$0x18000] =	vst v4  }
0x2d: {  	s6 =	simm.s32 $0x3;
	v28 =	vor.u32 v1, v26;
	[tilespmem:$0x18010] =	vst v5  }
0x2e: {  	_ =	swait.ge [sflag:s6], $0x1000  }
0x2f: {  	[sflag:s6] =	ssyncset.done $0x0  }
0x30: {  	[sflag:s6] =	ssyncadd.s32 $0xFFFFF000  }
0x31: {  	v4 =	vld.idx.msk [tilespmem:v27+s17+$0x0], $0xffff  }
0x32: {  	v5 =	vld.idx.msk [tilespmem:v28+s17+$0x0], $0xffff;
	_ =	sdelay $0x1  }
0x33: {  	v29 =	vbroadcast v3, $0x9;
	_ =	sdelay $0x1  }
0x34: {  	v30 =	vor.u32 v0, v29;
	[tilespmem:$0x14080] =	vst v4  }
0x35: {  	s7 =	simm.s32 $0x4;
	v31 =	vor.u32 v1, v29;
	[tilespmem:$0x14090] =	vst v5  }
0x36: {  	_ =	swait.ge [sflag:s7], $0x1000  }
0x37: {  	[sflag:s7] =	ssyncset.done $0x0  }
0x38: {  	[sflag:s7] =	ssyncadd.s32 $0xFFFFF000  }
0x39: {  	v4 =	vld.idx.msk [tilespmem:v30+s16+$0x0], $0xffff  }
0x3a: {  	v5 =	vld.idx.msk [tilespmem:v31+s16+$0x0], $0xffff;
	_ =	sdelay $0x1  }
0x3b: {  	v32 =	vbroadcast v2, $0xA;
	_ =	sdelay $0x1  }
0x3c: {  	v33 =	vor.u32 v0, v32;
	[tilespmem:$0x18080] =	vst v4  }
0x3d: {  	s8 =	simm.s32 $0x5;
	v34 =	vor.u32 v1, v32;
	[tilespmem:$0x18090] =	vst v5  }
0x3e: {  	_ =	swait.ge [sflag:s8], $0x1000  }
0x3f: {  	[sflag:s8] =	ssyncset.done $0x0  }
0x40: {  	[sflag:s8] =	ssyncadd.s32 $0xFFFFF000  }
0x41: {  	v4 =	vld.idx.msk [tilespmem:v33+s19+$0x0], $0xffff  }
0x42: {  	v5 =	vld.idx.msk [tilespmem:v34+s19+$0x0], $0xffff;
	_ =	sdelay $0x1  }
0x43: {  	v35 =	vbroadcast v3, $0xA;
	_ =	sdelay $0x1  }
0x44: {  	v36 =	vor.u32 v0, v35;
	[tilespmem:$0x14100] =	vst v4  }
0x45: {  	s9 =	simm.s32 $0x6;
	v37 =	vor.u32 v1, v35;
	[tilespmem:$0x14110] =	vst v5  }
0x46: {  	_ =	swait.ge [sflag:s9], $0x1000  }
0x47: {  	[sflag:s9] =	ssyncset.done $0x0  }
0x48: {  	[sflag:s9] =	ssyncadd.s32 $0xFFFFF000  }
0x49: {  	v4 =	vld.idx.msk [tilespmem:v36+s20+$0x0], $0xffff  }
0x4a: {  	v5 =	vld.idx.msk [tilespmem:v37+s20+$0x0], $0xffff;
	_ =	sdelay $0x1  }
0x4b: {  	v38 =	vbroadcast v2, $0xB;
	_ =	sdelay $0x1  }
0x4c: {  	v39 =	vor.u32 v0, v38;
	[tilespmem:$0x18100] =	vst v4  }
0x4d: {  	s10 =	simm.s32 $0x7;
	v40 =	vor.u32 v1, v38;
	[tilespmem:$0x18110] =	vst v5  }
0x4e: {  	_ =	swait.ge [sflag:s10], $0x1000  }
0x4f: {  	[sflag:s10] =	ssyncset.done $0x0  }
0x50: {  	[sflag:s10] =	ssyncadd.s32 $0xFFFFF000  }
0x51: {  	v4 =	vld.idx.msk [tilespmem:v39+s21+$0x0], $0xffff  }
0x52: {  	v5 =	vld.idx.msk [tilespmem:v40+s21+$0x0], $0xffff;
	_ =	sdelay $0x1  }
0x53: {  	v41 =	vbroadcast v3, $0xB;
	_ =	sdelay $0x1  }
0x54: {  	v42 =	vor.u32 v0, v41;
	[tilespmem:$0x14180] =	vst v4  }
0x55: {  	s11 =	simm.s32 $0x8;
	v43 =	vor.u32 v1, v41;
	[tilespmem:$0x14190] =	vst v5  }
0x56: {  	_ =	swait.ge [sflag:s11], $0x1000  }
0x57: {  	[sflag:s11] =	ssyncset.done $0x0  }
0x58: {  	[sflag:s11] =	ssyncadd.s32 $0xFFFFF000  }
0x59: {  	v4 =	vld.idx.msk [tilespmem:v42+s22+$0x0], $0xffff  }
0x5a: {  	v5 =	vld.idx.msk [tilespmem:v43+s22+$0x0], $0xffff;
	_ =	sdelay $0x1  }
0x5b: {  	v44 =	vbroadcast v2, $0xC;
	_ =	sdelay $0x1  }
0x5c: {  	v45 =	vor.u32 v0, v44;
	[tilespmem:$0x18180] =	vst v4  }
0x5d: {  	v46 =	vor.u32 v1, v44;
	s31 =	simm.s32 $0x9;
	[tilespmem:$0x18190] =	vst v5  }
0x5e: {  	_ =	swait.ge [sflag:s31], $0x1000  }
0x5f: {  	[sflag:s31] =	ssyncset.done $0x0  }
0x60: {  	[sflag:s31] =	ssyncadd.s32 $0xFFFFF000  }
0x61: {  	v4 =	vld.idx.msk [tilespmem:v45+s23+$0x0], $0xffff  }
0x62: {  	v5 =	vld.idx.msk [tilespmem:v46+s23+$0x0], $0xffff;
	_ =	sdelay $0x1  }
0x63: {  	v47 =	vbroadcast v3, $0xC;
	_ =	sdelay $0x1  }
0x64: {  	v48 =	vor.u32 v0, v47;
	[tilespmem:$0x14200] =	vst v4  }
0x65: {  	v49 =	vor.u32 v1, v47;
	[tilespmem:$0x14210] =	vst v5  }
0x66: {  	_ =	swait.ge [sflag:s3], $0x1000  }
0x67: {  	[sflag:s3] =	ssyncset.done $0x0  }
0x68: {  	[sflag:s3] =	ssyncadd.s32 $0xFFFFF000  }
0x69: {  	v4 =	vld.idx.msk [tilespmem:v48+s24+$0x0], $0xffff  }
0x6a: {  	v5 =	vld.idx.msk [tilespmem:v49+s24+$0x0], $0xffff;
	_ =	sdelay $0x1  }
0x6b: {  	v50 =	vbroadcast v2, $0xD;
	_ =	sdelay $0x1  }
0x6c: {  	v51 =	vor.u32 v0, v50;
	[tilespmem:$0x18200] =	vst v4  }
0x6d: {  	v52 =	vor.u32 v1, v50;
	[tilespmem:$0x18210] =	vst v5  }
0x6e: {  	_ =	swait.ge [sflag:s4], $0x1000  }
0x6f: {  	[sflag:s4] =	ssyncset.done $0x0  }
0x70: {  	[sflag:s4] =	ssyncadd.s32 $0xFFFFF000  }
0x71: {  	v4 =	vld.idx.msk [tilespmem:v51+s25+$0x0], $0xffff  }
0x72: {  	v5 =	vld.idx.msk [tilespmem:v52+s25+$0x0], $0xffff;
	_ =	sdelay $0x1  }
0x73: {  	v53 =	vbroadcast v3, $0xD;
	_ =	sdelay $0x1  }
0x74: {  	v54 =	vor.u32 v0, v53;
	[tilespmem:$0x14280] =	vst v4  }
0x75: {  	v55 =	vor.u32 v1, v53;
	[tilespmem:$0x14290] =	vst v5  }
0x76: {  	_ =	swait.ge [sflag:s5], $0x1000  }
0x77: {  	[sflag:s5] =	ssyncset.done $0x0  }
0x78: {  	[sflag:s5] =	ssyncadd.s32 $0xFFFFF000  }
0x79: {  	v4 =	vld.idx.msk [tilespmem:v54+s26+$0x0], $0xffff  }
0x7a: {  	v5 =	vld.idx.msk [tilespmem:v55+s26+$0x0], $0xffff;
	_ =	sdelay $0x1  }
0x7b: {  	v56 =	vbroadcast v2, $0xE;
	_ =	sdelay $0x1  }
0x7c: {  	v57 =	vor.u32 v0, v56;
	[tilespmem:$0x18280] =	vst v4  }
0x7d: {  	v58 =	vor.u32 v1, v56;
	[tilespmem:$0x18290] =	vst v5  }
0x7e: {  	_ =	swait.ge [sflag:s12], $0x1000  }
0x7f: {  	[sflag:s12] =	ssyncset.done $0x0  }
0x80: {  	[sflag:s12] =	ssyncadd.s32 $0xFFFFF000  }
0x81: {  	v4 =	vld.idx.msk [tilespmem:v57+s28+$0x0], $0xffff  }
0x82: {  	v5 =	vld.idx.msk [tilespmem:v58+s28+$0x0], $0xffff;
	_ =	sdelay $0x1  }
0x83: {  	v59 =	vbroadcast v3, $0xE;
	_ =	sdelay $0x1  }
0x84: {  	v60 =	vor.u32 v0, v59;
	[tilespmem:$0x14300] =	vst v4  }
0x85: {  	v61 =	vor.u32 v1, v59;
	[tilespmem:$0x14310] =	vst v5  }
0x86: {  	_ =	swait.ge [sflag:s18], $0x1000  }
0x87: {  	[sflag:s18] =	ssyncset.done $0x0  }
0x88: {  	[sflag:s18] =	ssyncadd.s32 $0xFFFFF000  }
0x89: {  	v4 =	vld.idx.msk [tilespmem:v60+s29+$0x0], $0xffff  }
0x8a: {  	v5 =	vld.idx.msk [tilespmem:v61+s29+$0x0], $0xffff;
	_ =	sdelay $0x1  }
0x8b: {  	v2 =	vbroadcast v2, $0xF;
	_ =	sdelay $0x1  }
0x8c: {  	v62 =	vor.u32 v0, v2;
	[tilespmem:$0x18300] =	vst v4  }
0x8d: {  	v2 =	vor.u32 v1, v2;
	s3 =	simm.s32 $0xF;
	[tilespmem:$0x18310] =	vst v5  }
0x8e: {  	_ =	swait.ge [sflag:s3], $0x1000  }
0x8f: {  	[sflag:s3] =	ssyncset.done $0x0  }
0x90: {  	[sflag:s3] =	ssyncadd.s32 $0xFFFFF000  }
0x91: {  	v4 =	vld.idx.msk [tilespmem:v62+s30+$0x0], $0xffff  }
0x92: {  	v2 =	vld.idx.msk [tilespmem:v2+s30+$0x0], $0xffff;
	_ =	sdelay $0x1  }
0x93: {  	v3 =	vbroadcast v3, $0xF;
	_ =	sdelay $0x1  }
0x94: {  	v63 =	vor.u32 v0, v3;
	[tilespmem:$0x14380] =	vst v4  }
0x95: {  	s4 =	simm.s32 $0x10;
	[tilespmem:$0x14390] =	vst v2;
	v2 =	vor.u32 v1, v3  }
0x96: {  	_ =	swait.ge [sflag:s4], $0x1000  }
0x97: {  	[sflag:s4] =	ssyncset.done $0x0  }
0x98: {  	s5 =	simm.s32 $0xF400;
	[sflag:s4] =	ssyncadd.s32 $0xFFFFF000  }
0x99: {  	v3 =	vld.idx.msk [tilespmem:v63+s5+$0x0], $0xffff  }
0x9a: {  	v2 =	vld.idx.msk [tilespmem:v2+s5+$0x0], $0xffff;
	_ =	sdelay $0x3  }
0x9b: {  	[tilespmem:$0x18380] =	vst v3  }
0x9c: {  	s6 =	simm.s32 $0x11;
	[tilespmem:$0x18390] =	vst v2  }
0x9d: {  	_ =	swait.ge [sflag:s6], $0x2000  }
0x9e: {  	[sflag:s6] =	ssyncset.done $0x0  }
0x9f: {  	s7 =	simm.s32 $0x12;
	[sflag:s6] =	ssyncadd.s32 $0xFFFFE000  }
0xa0: {  	_ =	swait.ge [sflag:s7], $0x2000  }
0xa1: {  	s9 =	simm.s32 $0x12400;
	[sflag:s7] =	ssyncset.done $0x0  }
0xa2: {  	s11 =	simm.s32 $0x0;
	s8 =	rddreg [dreg:$0x8];
	[sflag:s7] =	ssyncadd.s32 $0xFFFFE000  }
0xa3: {  	[hbm4b:s8+s11] =	stream.linear.scatter [tilespmem:s9], [sflag:$0x11], $0x2000, $0x38;
	[tilespmem:$0x18400] =	vst v63  }
0xa4: {  	s12 =	simm.s32 $0x16400;
	s10 =	rddreg [dreg:$0x9]  }
0xa5: {  	[hbm4b:s10+s11] =	stream.linear.scatter [tilespmem:s12], [sflag:$0x12], $0x2000, $0x38;
	[tilespmem:$0x18400] =	vst v63  }
0xa6: {  	_ =	swait.ge [sflag:s6], $0x2000  }
0xa7: {  	[sflag:s6] =	ssyncset.done $0x0  }
0xa8: {  	[sflag:s6] =	ssyncadd.s32 $0xFFFFE000  }
0xa9: {  	_ =	swait.ge [sflag:s7], $0x2000  }
0xaa: {  	s18 =	rddreg [dreg:$0xd]  }
0xab: {  	s31 =	rddreg [dreg:$0xa];
	s3 =	sadd.s32 $0x1, s18  }
0xac: {  	p0 =	sne.s32 s3, s31  }
.Ltmp1:
0xad: {  	_ = 	snop;
	(pc) =	sbr.rel @!p0 .LBB2_9-.Ltmp1, $3  }
0xae: {  	_ =	sdelay $0x1  }
0xaf: {  	[sflag:s7] =	ssyncset.done $0x0  }
0xb0: {  	[sflag:s7] =	ssyncadd.s32 $0xFFFFE000  }
.LBB2_1:
0xb1: {  	[dreg:$0xd] =	wrdreg s3  }
0xb2: {  	s0 =	rddreg [dreg:$0x6];
	s18 =	simm.s32 $0x13  }
0xb3: {  	[tilespmem:s11], [sflag:$0x13] =	stream.linear.gather [hbm4b:s0+s11], $0x200, $0x38;
	[tilespmem:$0x18400] =	vst v63  }
0xb4: {  	_ =	swait.ge [sflag:s18], $0x200  }
0xb5: {  	s6 =	simm.s32 $0x200;
	[sflag:s18] =	ssyncset.done $0x0  }
.Ltmp2:
0xb6: {  	s31 =	rddreg [dreg:$0x7];
	[sflag:s18] =	ssyncadd.s32 $0xFFFFFE00;
	(pc) =	sbr.rel .LBB2_2-.Ltmp2, $4  }
0xb7: {  	[tilespmem:s6], [sflag:$0x13] =	stream.linear.gather [hbm4b:s31+s11], $0x200, $0x38;
	[tilespmem:$0x18400] =	vst v63  }
0xb8: {  	s7 =	simm.s32 $0xFFFFFFF0;
	s10 =	simm.s32 $0x0;
	_ =	swait.ge [sflag:s18], $0x200  }
0xb9: {  	s6 =	simm.s32 $0x1F0;
	[sflag:s18] =	ssyncset.done $0x0;
	s8 =	rddreg [dreg:$0xc]  }
0xba: {  	s11 =	simm.s32 $0x0;
	s9 =	rddreg [dreg:$0xb];
	[sflag:s18] =	ssyncadd.s32 $0xFFFFFE00  }
.LBB2_6:
0xbb: {  	v6 =	vld [tilespmem:s7+$0x0];
	_ =	sdelay $0x4  }
0xbc: {  	v6 =	vand.u32 $0x7F, v6  }
0xbd: {  	v7 =	vbroadcast v6, $0xC;
	_ =	sdelay $0x1  }
0xbe: {  	v8 =	vor.u32 v0, v7  }
0xbf: {  	s4 =	simm.s32 $0x9;
	v7 =	vor.u32 v1, v7  }
0xc0: {  	v9 =	vld [tilespmem:s6+$0x0];
	_ =	swait.ge [sflag:s4], $0x1000  }
0xc1: {  	[sflag:s4] =	ssyncset.done $0x0  }
0xc2: {  	[sflag:s4] =	ssyncadd.s32 $0xFFFFF000  }
0xc3: {  	v8 =	vld.idx.msk [tilespmem:v8+s23+$0x0], $0xffff  }
0xc4: {  	v7 =	vld.idx.msk [tilespmem:v7+s23+$0x0], $0xffff  }
0xc5: {  	v9 =	vand.u32 $0x7F, v9  }
0xc6: {  	s3 =	sadd.s32 $0x3E00, s10;
	v10 =	vbroadcast v9, $0xC  }
0xc7: {  	s3 =	sand.u32 $0x3E00, s3  }
0xc8: {  	v53 =	vor.u32 v0, v10;
	[tilespmem:s3+$0x10400] =	vst v8  }
0xc9: {  	s13 =	simm.s32 $0xA;
	[tilespmem:s3+$0x10410] =	vst v7;
	v7 =	vor.u32 v1, v10  }
0xca: {  	_ =	swait.ge [sflag:s13], $0x1000  }
0xcb: {  	[sflag:s13] =	ssyncset.done $0x0  }
0xcc: {  	[sflag:s13] =	ssyncadd.s32 $0xFFFFF000  }
0xcd: {  	v8 =	vld.idx.msk [tilespmem:v53+s24+$0x0], $0xffff  }
0xce: {  	v7 =	vld.idx.msk [tilespmem:v7+s24+$0x0], $0xffff;
	_ =	sdelay $0x1  }
0xcf: {  	v54 =	vbroadcast v6, $0xD;
	_ =	sdelay $0x1  }
0xd0: {  	v55 =	vor.u32 v0, v54;
	[tilespmem:s3+$0x14400] =	vst v8  }
0xd1: {  	s5 =	simm.s32 $0xB;
	[tilespmem:s3+$0x14410] =	vst v7;
	v7 =	vor.u32 v1, v54  }
0xd2: {  	_ =	swait.ge [sflag:s5], $0x1000  }
0xd3: {  	[sflag:s5] =	ssyncset.done $0x0  }
0xd4: {  	[sflag:s5] =	ssyncadd.s32 $0xFFFFF000  }
0xd5: {  	v8 =	vld.idx.msk [tilespmem:v55+s25+$0x0], $0xffff  }
0xd6: {  	v7 =	vld.idx.msk [tilespmem:v7+s25+$0x0], $0xffff;
	_ =	sdelay $0x1  }
0xd7: {  	v56 =	vbroadcast v9, $0xD;
	s24 =	sadd.s32 $0x3E80, s10  }
0xd8: {  	s3 =	sand.u32 $0x3E80, s24  }
0xd9: {  	v57 =	vor.u32 v0, v56;
	[tilespmem:s3+$0x10400] =	vst v8  }
0xda: {  	s16 =	simm.s32 $0xC;
	[tilespmem:s3+$0x10410] =	vst v7;
	v7 =	vor.u32 v1, v56  }
0xdb: {  	_ =	swait.ge [sflag:s16], $0x1000  }
0xdc: {  	[sflag:s16] =	ssyncset.done $0x0  }
0xdd: {  	[sflag:s16] =	ssyncadd.s32 $0xFFFFF000  }
0xde: {  	v8 =	vld.idx.msk [tilespmem:v57+s26+$0x0], $0xffff  }
0xdf: {  	v7 =	vld.idx.msk [tilespmem:v7+s26+$0x0], $0xffff;
	_ =	sdelay $0x1  }
0xe0: {  	v58 =	vbroadcast v6, $0xE;
	_ =	sdelay $0x1  }
0xe1: {  	v59 =	vor.u32 v0, v58;
	[tilespmem:s3+$0x14400] =	vst v8  }
0xe2: {  	s18 =	simm.s32 $0xD;
	[tilespmem:s3+$0x14410] =	vst v7;
	v7 =	vor.u32 v1, v58  }
0xe3: {  	_ =	swait.ge [sflag:s18], $0x1000  }
0xe4: {  	[sflag:s18] =	ssyncset.done $0x0  }
0xe5: {  	[sflag:s18] =	ssyncadd.s32 $0xFFFFF000  }
0xe6: {  	v8 =	vld.idx.msk [tilespmem:v59+s28+$0x0], $0xffff  }
0xe7: {  	v7 =	vld.idx.msk [tilespmem:v7+s28+$0x0], $0xffff;
	_ =	sdelay $0x1  }
0xe8: {  	v60 =	vbroadcast v9, $0xE;
	s25 =	sadd.s32 $0x3F00, s10  }
0xe9: {  	s3 =	sand.u32 $0x3F00, s25  }
0xea: {  	v61 =	vor.u32 v0, v60;
	[tilespmem:s3+$0x10400] =	vst v8  }
0xeb: {  	s20 =	simm.s32 $0xE;
	[tilespmem:s3+$0x10410] =	vst v7;
	v7 =	vor.u32 v1, v60  }
0xec: {  	_ =	swait.ge [sflag:s20], $0x1000  }
0xed: {  	[sflag:s20] =	ssyncset.done $0x0  }
0xee: {  	[sflag:s20] =	ssyncadd.s32 $0xFFFFF000  }
0xef: {  	v8 =	vld.idx.msk [tilespmem:v61+s29+$0x0], $0xffff  }
0xf0: {  	v7 =	vld.idx.msk [tilespmem:v7+s29+$0x0], $0xffff;
	_ =	sdelay $0x1  }
0xf1: {  	v6 =	vbroadcast v6, $0xF;
	_ =	sdelay $0x1  }
0xf2: {  	v62 =	vor.u32 v0, v6;
	[tilespmem:s3+$0x14400] =	vst v8  }
0xf3: {  	s22 =	simm.s32 $0xF;
	v6 =	vor.u32 v1, v6;
	[tilespmem:s3+$0x14410] =	vst v7  }
0xf4: {  	_ =	swait.ge [sflag:s22], $0x1000  }
0xf5: {  	[sflag:s22] =	ssyncset.done $0x0  }
0xf6: {  	[sflag:s22] =	ssyncadd.s32 $0xFFFFF000  }
0xf7: {  	v7 =	vld.idx.msk [tilespmem:v62+s30+$0x0], $0xffff  }
0xf8: {  	v6 =	vld.idx.msk [tilespmem:v6+s30+$0x0], $0xffff;
	_ =	sdelay $0x1  }
0xf9: {  	v63 =	vbroadcast v9, $0xF;
	s26 =	sadd.s32 $0x3F80, s10  }
0xfa: {  	s3 =	sand.u32 $0x3F80, s26  }
0xfb: {  	[tilespmem:s3+$0x10400] =	vst v7;
	v7 =	vor.u32 v0, v63  }
0xfc: {  	s24 =	simm.s32 $0x10;
	[tilespmem:s3+$0x10410] =	vst v6;
	v6 =	vor.u32 v1, v63  }
0xfd: {  	_ =	swait.ge [sflag:s24], $0x1000  }
0xfe: {  	[sflag:s24] =	ssyncset.done $0x0  }
0xff: {  	s17 =	simm.s32 $0xF400;
	[sflag:s24] =	ssyncadd.s32 $0xFFFFF000  }
0x100: {  	v7 =	vld.idx.msk [tilespmem:v7+s17+$0x0], $0xffff  }
0x101: {  	v6 =	vld.idx.msk [tilespmem:v6+s17+$0x0], $0xffff  }
0x102: {  	s12 =	sand.u32 $0x3, s11  }
0x103: {  	p0 =	sne.s32 s12, $0x0  }
0x104: {  	p1 =	slt.u32 @!p0 s11, $0x5  }
0x105: {  	p1 =	por p1, p0;
	[tilespmem:s3+$0x14400] =	vst v7  }
0x106: {  	[tilespmem:s3+$0x14410] =	vst v6;
	s3 =	simm.s32 @!p1 $0x11  }
0x107: {  	_ =	swait.ge @!p1 [sflag:s3], $0x2000  }
0x108: {  	[sflag:s3] =	ssyncset.done @!p1 $0x0  }
0x109: {  	[sflag:s3] =	ssyncadd.s32 @!p1 $0xFFFFE000;
	s3 =	simm.s32 @!p1 $0x12  }
0x10a: {  	s31 =	simm.s32 $0xE400;
	s12 =	sadd.s32 @!p0 $0xFFFFE000, s10;
	_ =	swait.ge @!p1 [sflag:s3], $0x2000  }
0x10b: {  	s0 =	simm.s32 @!p0 $0x0;
	s12 =	sand.u32 @!p0 $0x2000, s12;
	[sflag:s3] =	ssyncset.done @!p1 $0x0  }
0x10c: {  	s25 =	simm.s32 $0x9400;
	[sflag:s3] =	ssyncadd.s32 @!p1 $0xFFFFE000;
	s3 =	sor.u32 @!p0 $0x10400, s12  }
0x10d: {  	[hbm4b:s9+s0] =	stream.linear.scatter @!p0 [tilespmem:s3], [sflag:$0x11], $0x2000, $0x38;
	[tilespmem:$0x18400] =	vst v63  }
0x10e: {  	s28 =	simm.s32 $0xB400;
	s29 =	simm.s32 $0xC400;
	s3 =	sor.u32 @!p0 $0x14400, s12  }
0x10f: {  	[hbm4b:s8+s0] =	stream.linear.scatter @!p0 [tilespmem:s3], [sflag:$0x12], $0x2000, $0x38;
	[tilespmem:$0x18400] =	vst v63  }
0x110: {  	s26 =	simm.s32 $0xA400;
	s30 =	simm.s32 $0xD400;
	s3 =	smov.u32 s10  }
.LBB2_7:
0x111: {  	(v2sf) =	vpush v3, $0x4;
	_ =	sdelay $0x2  }
0x112: {  	(v2sf) =	vpush v2, $0x4;
	_ =	sdelay $0x3  }
0x113: {  	(v2sf) =	vpush v3, $0x5;
	_ =	sdelay $0x7  }
0x114: {  	s0 =	spop (v2sf);
	(v2sf) =	vpush v2, $0x5;
	_ =	sdelay $0x1  }
0x115: {  	s12 =	sshll.u32 s0, $0x7  }
0x116: {  	p0 =	sgt.s32 s0, $0x1E83;
	s0 =	sand.u32 $0x1FFFFF80, s12;
	s12 =	spop (v2sf);
	(v2sf) =	vpush v3, $0x6  }
0x117: {  	_ =	sdelay $0x1  }
0x118: {  	s0 =	simm.s32 @p0 $0x0  }
0x119: {  	s19 =	sshll.u32 s12, $0x7;
	s21 =	spop (v2sf);
	s0 =	sadd.s32 s1, s0  }
0x11a: {  	(v2sf) =	vpush v2, $0x6;
	[tilespmem:s23], [sflag:$0x9] =	stream.strided.gather [hbm4b:s0+s15], $0x1000, s14, s15, $0x38;
	[tilespmem:$0x18400] =	vst v63  }
0x11b: {  	p0 =	sgt.s32 s12, $0x1E83;
	s0 =	sand.u32 $0x1FFFFF80, s19  }
0x11c: {  	s0 =	simm.s32 @p0 $0x0  }
0x11d: {  	s23 =	sshll.u32 s21, $0x7;
	s0 =	sadd.s32 s2, s0  }
0x11e: {  	[tilespmem:s25], [sflag:$0xA] =	stream.strided.gather [hbm4b:s0+s15], $0x1000, s14, s15, $0x38;
	[tilespmem:$0x18400] =	vst v63  }
0x11f: {  	p0 =	sgt.s32 s21, $0x1E83;
	s0 =	sand.u32 $0x1FFFFF80, s23  }
0x120: {  	s0 =	simm.s32 @p0 $0x0  }
0x121: {  	s0 =	sadd.s32 s1, s0;
	s12 =	spop (v2sf);
	(v2sf) =	vpush v3, $0x7  }
0x122: {  	[tilespmem:s26], [sflag:$0xB] =	stream.strided.gather [hbm4b:s0+s15], $0x1000, s14, s15, $0x38;
	[tilespmem:$0x18400] =	vst v63  }
0x123: {  	s19 =	sshll.u32 s12, $0x7  }
0x124: {  	p0 =	sgt.s32 s12, $0x1E83;
	s0 =	sand.u32 $0x1FFFFF80, s19;
	s21 =	spop (v2sf);
	(v2sf) =	vpush v2, $0x7  }
0x125: {  	s0 =	simm.s32 @p0 $0x0  }
0x126: {  	s23 =	sshll.u32 s21, $0x7;
	s0 =	sadd.s32 s2, s0  }
0x127: {  	[tilespmem:s28], [sflag:$0xC] =	stream.strided.gather [hbm4b:s0+s15], $0x1000, s14, s15, $0x38;
	[tilespmem:$0x18400] =	vst v63  }
0x128: {  	p0 =	sgt.s32 s21, $0x1E83;
	s0 =	sand.u32 $0x1FFFFF80, s23  }
0x129: {  	s12 =	spop (v2sf);
	s0 =	simm.s32 @p0 $0x0  }
0x12a: {  	s19 =	sshll.u32 s12, $0x7;
	s0 =	sadd.s32 s1, s0  }
0x12b: {  	[tilespmem:s29], [sflag:$0xD] =	stream.strided.gather [hbm4b:s0+s15], $0x1000, s14, s15, $0x38;
	[tilespmem:$0x18400] =	vst v63  }
0x12c: {  	p0 =	sgt.s32 s12, $0x1E83;
	s0 =	sand.u32 $0x1FFFFF80, s19  }
0x12d: {  	s0 =	simm.s32 @p0 $0x0  }
0x12e: {  	s0 =	sadd.s32 s2, s0  }
0x12f: {  	[tilespmem:s30], [sflag:$0xE] =	stream.strided.gather [hbm4b:s0+s15], $0x1000, s14, s15, $0x38;
	[tilespmem:$0x18400] =	vst v63  }
0x130: {  	s21 =	spop (v2sf)  }
0x131: {  	s23 =	sshll.u32 s21, $0x7  }
0x132: {  	p0 =	sgt.s32 s21, $0x1E83;
	s0 =	sand.u32 $0x1FFFFF80, s23  }
0x133: {  	s12 =	spop (v2sf);
	s0 =	simm.s32 @p0 $0x0  }
0x134: {  	s19 =	sshll.u32 s12, $0x7;
	s0 =	sadd.s32 s1, s0  }
0x135: {  	v5 =	vand.u32 $0x7F, v5;
	[tilespmem:s31], [sflag:$0xF] =	stream.strided.gather [hbm4b:s0+s15], $0x1000, s14, s15, $0x38;
	[tilespmem:$0x18400] =	vst v63  }
0x136: {  	v6 =	vbroadcast v5, $0x0;
	p0 =	sgt.s32 s12, $0x1E83;
	s0 =	sand.u32 $0x1FFFFF80, s19  }
0x137: {  	s0 =	simm.s32 @p0 $0x0  }
0x138: {  	v7 =	vor.u32 v0, v6;
	s21 =	simm.s32 $0x1;
	s0 =	sadd.s32 s2, s0  }
0x139: {  	v6 =	vor.u32 v1, v6;
	[tilespmem:s17], [sflag:$0x10] =	stream.strided.gather [hbm4b:s0+s15], $0x1000, s14, s15, $0x38;
	[tilespmem:$0x18400] =	vst v63  }
0x13a: {  	_ =	swait.ge [sflag:s21], $0x1000  }
0x13b: {  	[sflag:s21] =	ssyncset.done $0x0  }
0x13c: {  	[sflag:s21] =	ssyncadd.s32 $0xFFFFF000  }
0x13d: {  	v7 =	vld.idx.msk [tilespmem:v7+s15+$0x0], $0xffff  }
0x13e: {  	v6 =	vld.idx.msk [tilespmem:v6+s15+$0x0], $0xffff  }
0x13f: {  	v4 =	vand.u32 $0x7F, v4  }
0x140: {  	v8 =	vbroadcast v4, $0x0  }
0x141: {  	s3 =	sand.u32 $0x3800, s3  }
0x142: {  	v25 =	vor.u32 v0, v8;
	[tilespmem:s3+$0x10400] =	vst v7  }
0x143: {  	v26 =	vor.u32 v1, v8;
	s23 =	simm.s32 $0x2;
	[tilespmem:s3+$0x10410] =	vst v6  }
0x144: {  	_ =	swait.ge [sflag:s23], $0x1000  }
0x145: {  	[sflag:s23] =	ssyncset.done $0x0  }
0x146: {  	s17 =	simm.s32 $0x1400;
	[sflag:s23] =	ssyncadd.s32 $0xFFFFF000  }
0x147: {  	v7 =	vld.idx.msk [tilespmem:v25+s17+$0x0], $0xffff  }
0x148: {  	v6 =	vld.idx.msk [tilespmem:v26+s17+$0x0], $0xffff;
	_ =	sdelay $0x1  }
0x149: {  	v27 =	vbroadcast v5, $0x1;
	_ =	sdelay $0x1  }
0x14a: {  	v28 =	vor.u32 v0, v27;
	[tilespmem:s3+$0x14400] =	vst v7  }
0x14b: {  	v29 =	vor.u32 v1, v27;
	s12 =	simm.s32 $0x3;
	[tilespmem:s3+$0x14410] =	vst v6  }
0x14c: {  	_ =	swait.ge [sflag:s12], $0x1000  }
0x14d: {  	[sflag:s12] =	ssyncset.done $0x0  }
0x14e: {  	s19 =	simm.s32 $0x2400;
	[sflag:s12] =	ssyncadd.s32 $0xFFFFF000  }
0x14f: {  	v7 =	vld.idx.msk [tilespmem:v28+s19+$0x0], $0xffff  }
0x150: {  	v6 =	vld.idx.msk [tilespmem:v29+s19+$0x0], $0xffff;
	_ =	sdelay $0x1  }
0x151: {  	v30 =	vbroadcast v4, $0x1;
	_ =	sdelay $0x1  }
0x152: {  	v31 =	vor.u32 v0, v30;
	[tilespmem:s3+$0x10480] =	vst v7  }
0x153: {  	v32 =	vor.u32 v1, v30;
	s21 =	simm.s32 $0x4;
	[tilespmem:s3+$0x10490] =	vst v6  }
0x154: {  	_ =	swait.ge [sflag:s21], $0x1000  }
0x155: {  	[sflag:s21] =	ssyncset.done $0x0  }
0x156: {  	s19 =	simm.s32 $0x3400;
	[sflag:s21] =	ssyncadd.s32 $0xFFFFF000  }
0x157: {  	v7 =	vld.idx.msk [tilespmem:v31+s19+$0x0], $0xffff  }
0x158: {  	v6 =	vld.idx.msk [tilespmem:v32+s19+$0x0], $0xffff;
	_ =	sdelay $0x1  }
0x159: {  	v33 =	vbroadcast v5, $0x2;
	_ =	sdelay $0x1  }
0x15a: {  	v34 =	vor.u32 v0, v33;
	[tilespmem:s3+$0x14480] =	vst v7  }
0x15b: {  	v35 =	vor.u32 v1, v33;
	s23 =	simm.s32 $0x5;
	[tilespmem:s3+$0x14490] =	vst v6  }
0x15c: {  	_ =	swait.ge [sflag:s23], $0x1000  }
0x15d: {  	[sflag:s23] =	ssyncset.done $0x0  }
0x15e: {  	s12 =	simm.s32 $0x4400;
	[sflag:s23] =	ssyncadd.s32 $0xFFFFF000  }
0x15f: {  	v7 =	vld.idx.msk [tilespmem:v34+s12+$0x0], $0xffff  }
0x160: {  	v6 =	vld.idx.msk [tilespmem:v35+s12+$0x0], $0xffff;
	_ =	sdelay $0x1  }
0x161: {  	v36 =	vbroadcast v4, $0x2;
	_ =	sdelay $0x1  }
0x162: {  	v37 =	vor.u32 v0, v36;
	[tilespmem:s3+$0x10500] =	vst v7  }
0x163: {  	v38 =	vor.u32 v1, v36;
	s21 =	simm.s32 $0x6;
	[tilespmem:s3+$0x10510] =	vst v6  }
0x164: {  	_ =	swait.ge [sflag:s21], $0x1000  }
0x165: {  	[sflag:s21] =	ssyncset.done $0x0  }
0x166: {  	[sflag:s21] =	ssyncadd.s32 $0xFFFFF000;
	s21 =	simm.s32 $0x5400  }
0x167: {  	v7 =	vld.idx.msk [tilespmem:v37+s21+$0x0], $0xffff  }
0x168: {  	v6 =	vld.idx.msk [tilespmem:v38+s21+$0x0], $0xffff;
	_ =	sdelay $0x1  }
0x169: {  	v39 =	vbroadcast v5, $0x3;
	_ =	sdelay $0x1  }
0x16a: {  	v40 =	vor.u32 v0, v39;
	[tilespmem:s3+$0x14500] =	vst v7  }
0x16b: {  	v41 =	vor.u32 v1, v39;
	s23 =	simm.s32 $0x7;
	[tilespmem:s3+$0x14510] =	vst v6  }
0x16c: {  	_ =	swait.ge [sflag:s23], $0x1000  }
0x16d: {  	[sflag:s23] =	ssyncset.done $0x0  }
0x16e: {  	s12 =	simm.s32 $0x6400;
	[sflag:s23] =	ssyncadd.s32 $0xFFFFF000  }
0x16f: {  	v7 =	vld.idx.msk [tilespmem:v40+s12+$0x0], $0xffff  }
0x170: {  	v6 =	vld.idx.msk [tilespmem:v41+s12+$0x0], $0xffff;
	_ =	sdelay $0x3  }
0x171: {  	[tilespmem:s3+$0x10580] =	vst v7  }
0x172: {  	s23 =	simm.s32 $0x8;
	[tilespmem:s3+$0x10590] =	vst v6  }
0x173: {  	_ =	swait.ge [sflag:s23], $0x1000  }
0x174: {  	(v2sf) =	vpush v3, $0x8;
	_ =	sdelay $0x5  }
0x175: {  	v42 =	vbroadcast v4, $0x3;
	(v2sf) =	vpush v2, $0x8;
	_ =	sdelay $0x1  }
0x176: {  	v43 =	vor.u32 v0, v42  }
0x177: {  	v6 =	vor.u32 v1, v42;
	_ =	sdelay $0x1  }
0x178: {  	[sflag:s23] =	ssyncset.done $0x0  }
0x179: {  	[sflag:s23] =	ssyncadd.s32 $0xFFFFF000;
	s23 =	simm.s32 $0x7400;
	(v2sf) =	vpush v3, $0x9  }
0x17a: {  	v7 =	vld.idx.msk [tilespmem:v43+s23+$0x0], $0xffff  }
0x17b: {  	v6 =	vld.idx.msk [tilespmem:v6+s23+$0x0], $0xffff  }
0x17c: {  	s0 =	spop (v2sf)  }
0x17d: {  	s12 =	sshll.u32 s0, $0x7  }
0x17e: {  	p0 =	sgt.s32 s0, $0x1E83;
	s0 =	sand.u32 $0x1FFFFF80, s12  }
0x17f: {  	[tilespmem:s3+$0x14580] =	vst v7;
	(v2sf) =	vpush v2, $0x9;
	s0 =	simm.s32 @p0 $0x0  }
0x180: {  	[tilespmem:s3+$0x14590] =	vst v6;
	s0 =	sadd.s32 s1, s0  }
0x181: {  	[tilespmem:s15], [sflag:$0x1] =	stream.strided.gather [hbm4b:s0+s15], $0x1000, s14, s15, $0x38;
	[tilespmem:$0x18400] =	vst v63  }
0x182: {  	s0 =	spop (v2sf)  }
0x183: {  	s12 =	sshll.u32 s0, $0x7  }
0x184: {  	p0 =	sgt.s32 s0, $0x1E83;
	s0 =	sand.u32 $0x1FFFFF80, s12  }
0x185: {  	(v2sf) =	vpush v3, $0xA;
	s0 =	simm.s32 @p0 $0x0  }
0x186: {  	s0 =	sadd.s32 s2, s0  }
0x187: {  	[tilespmem:s17], [sflag:$0x2] =	stream.strided.gather [hbm4b:s0+s15], $0x1000, s14, s15, $0x38;
	[tilespmem:$0x18400] =	vst v63  }
0x188: {  	s0 =	spop (v2sf)  }
0x189: {  	s12 =	sshll.u32 s0, $0x7  }
0x18a: {  	p0 =	sgt.s32 s0, $0x1E83;
	s0 =	sand.u32 $0x1FFFFF80, s12  }
0x18b: {  	(v2sf) =	vpush v2, $0xA;
	s0 =	simm.s32 @p0 $0x0  }
0x18c: {  	s17 =	simm.s32 $0x2400;
	s0 =	sadd.s32 s1, s0  }
0x18d: {  	[tilespmem:s17], [sflag:$0x3] =	stream.strided.gather [hbm4b:s0+s15], $0x1000, s14, s15, $0x38;
	[tilespmem:$0x18400] =	vst v63  }
0x18e: {  	s0 =	spop (v2sf)  }
0x18f: {  	s12 =	sshll.u32 s0, $0x7  }
0x190: {  	p0 =	sgt.s32 s0, $0x1E83;
	s0 =	sand.u32 $0x1FFFFF80, s12  }
0x191: {  	(v2sf) =	vpush v3, $0xB;
	s0 =	simm.s32 @p0 $0x0  }
0x192: {  	s0 =	sadd.s32 s2, s0  }
0x193: {  	[tilespmem:s19], [sflag:$0x4] =	stream.strided.gather [hbm4b:s0+s15], $0x1000, s14, s15, $0x38;
	[tilespmem:$0x18400] =	vst v63  }
0x194: {  	s0 =	spop (v2sf)  }
0x195: {  	s12 =	sshll.u32 s0, $0x7  }
0x196: {  	p0 =	sgt.s32 s0, $0x1E83;
	s0 =	sand.u32 $0x1FFFFF80, s12  }
0x197: {  	(v2sf) =	vpush v2, $0xB;
	s0 =	simm.s32 @p0 $0x0  }
0x198: {  	s19 =	simm.s32 $0x4400;
	s0 =	sadd.s32 s1, s0  }
0x199: {  	[tilespmem:s19], [sflag:$0x5] =	stream.strided.gather [hbm4b:s0+s15], $0x1000, s14, s15, $0x38;
	[tilespmem:$0x18400] =	vst v63  }
0x19a: {  	s0 =	spop (v2sf)  }
0x19b: {  	s12 =	sshll.u32 s0, $0x7  }
0x19c: {  	p0 =	sgt.s32 s0, $0x1E83;
	s0 =	sand.u32 $0x1FFFFF80, s12  }
0x19d: {  	s0 =	simm.s32 @p0 $0x0  }
0x19e: {  	s0 =	sadd.s32 s2, s0  }
0x19f: {  	[tilespmem:s21], [sflag:$0x6] =	stream.strided.gather [hbm4b:s0+s15], $0x1000, s14, s15, $0x38;
	[tilespmem:$0x18400] =	vst v63  }
0x1a0: {  	s0 =	spop (v2sf)  }
0x1a1: {  	s12 =	sshll.u32 s0, $0x7  }
0x1a2: {  	p0 =	sgt.s32 s0, $0x1E83;
	s0 =	sand.u32 $0x1FFFFF80, s12  }
0x1a3: {  	s0 =	simm.s32 @p0 $0x0  }
0x1a4: {  	s21 =	simm.s32 $0x6400;
	s0 =	sadd.s32 s1, s0  }
0x1a5: {  	[tilespmem:s21], [sflag:$0x7] =	stream.strided.gather [hbm4b:s0+s15], $0x1000, s14, s15, $0x38;
	[tilespmem:$0x18400] =	vst v63  }
0x1a6: {  	s0 =	spop (v2sf)  }
0x1a7: {  	s12 =	sshll.u32 s0, $0x7  }
0x1a8: {  	v44 =	vbroadcast v5, $0x4;
	p0 =	sgt.s32 s0, $0x1E83;
	s0 =	sand.u32 $0x1FFFFF80, s12  }
0x1a9: {  	s0 =	simm.s32 @p0 $0x0  }
0x1aa: {  	v45 =	vor.u32 v0, v44;
	s0 =	sadd.s32 s2, s0  }
0x1ab: {  	v6 =	vor.u32 v1, v44;
	[tilespmem:s23], [sflag:$0x8] =	stream.strided.gather [hbm4b:s0+s15], $0x1000, s14, s15, $0x38;
	[tilespmem:$0x18400] =	vst v63  }
0x1ac: {  	_ =	swait.ge [sflag:s4], $0x1000  }
0x1ad: {  	[sflag:s4] =	ssyncset.done $0x0  }
0x1ae: {  	s23 =	simm.s32 $0x8400;
	[sflag:s4] =	ssyncadd.s32 $0xFFFFF000  }
0x1af: {  	v7 =	vld.idx.msk [tilespmem:v45+s23+$0x0], $0xffff  }
0x1b0: {  	v6 =	vld.idx.msk [tilespmem:v6+s23+$0x0], $0xffff;
	_ =	sdelay $0x1  }
0x1b1: {  	v46 =	vbroadcast v4, $0x4;
	_ =	sdelay $0x1  }
0x1b2: {  	v47 =	vor.u32 v0, v46;
	[tilespmem:s3+$0x10600] =	vst v7  }
0x1b3: {  	v48 =	vor.u32 v1, v46;
	[tilespmem:s3+$0x10610] =	vst v6  }
0x1b4: {  	_ =	swait.ge [sflag:s13], $0x1000  }
0x1b5: {  	[sflag:s13] =	ssyncset.done $0x0  }
0x1b6: {  	[sflag:s13] =	ssyncadd.s32 $0xFFFFF000  }
0x1b7: {  	v7 =	vld.idx.msk [tilespmem:v47+s25+$0x0], $0xffff  }
0x1b8: {  	v6 =	vld.idx.msk [tilespmem:v48+s25+$0x0], $0xffff;
	_ =	sdelay $0x1  }
0x1b9: {  	v49 =	vbroadcast v5, $0x5;
	_ =	sdelay $0x1  }
0x1ba: {  	v50 =	vor.u32 v0, v49;
	[tilespmem:s3+$0x14600] =	vst v7  }
0x1bb: {  	v51 =	vor.u32 v1, v49;
	[tilespmem:s3+$0x14610] =	vst v6  }
0x1bc: {  	_ =	swait.ge [sflag:s5], $0x1000  }
0x1bd: {  	[sflag:s5] =	ssyncset.done $0x0  }
0x1be: {  	[sflag:s5] =	ssyncadd.s32 $0xFFFFF000  }
0x1bf: {  	v7 =	vld.idx.msk [tilespmem:v50+s26+$0x0], $0xffff  }
0x1c0: {  	v6 =	vld.idx.msk [tilespmem:v51+s26+$0x0], $0xffff;
	_ =	sdelay $0x1  }
0x1c1: {  	v52 =	vbroadcast v4, $0x5;
	_ =	sdelay $0x1  }
0x1c2: {  	v53 =	vor.u32 v0, v52;
	[tilespmem:s3+$0x10680] =	vst v7  }
0x1c3: {  	v54 =	vor.u32 v1, v52;
	[tilespmem:s3+$0x10690] =	vst v6  }
0x1c4: {  	_ =	swait.ge [sflag:s16], $0x1000  }
0x1c5: {  	[sflag:s16] =	ssyncset.done $0x0  }
0x1c6: {  	[sflag:s16] =	ssyncadd.s32 $0xFFFFF000  }
0x1c7: {  	v7 =	vld.idx.msk [tilespmem:v53+s28+$0x0], $0xffff  }
0x1c8: {  	v6 =	vld.idx.msk [tilespmem:v54+s28+$0x0], $0xffff;
	_ =	sdelay $0x1  }
0x1c9: {  	v55 =	vbroadcast v5, $0x6;
	_ =	sdelay $0x1  }
0x1ca: {  	v56 =	vor.u32 v0, v55;
	[tilespmem:s3+$0x14680] =	vst v7  }
0x1cb: {  	v57 =	vor.u32 v1, v55;
	[tilespmem:s3+$0x14690] =	vst v6  }
0x1cc: {  	_ =	swait.ge [sflag:s18], $0x1000  }
0x1cd: {  	[sflag:s18] =	ssyncset.done $0x0  }
0x1ce: {  	[sflag:s18] =	ssyncadd.s32 $0xFFFFF000  }
0x1cf: {  	v7 =	vld.idx.msk [tilespmem:v56+s29+$0x0], $0xffff  }
0x1d0: {  	v6 =	vld.idx.msk [tilespmem:v57+s29+$0x0], $0xffff;
	_ =	sdelay $0x1  }
0x1d1: {  	v58 =	vbroadcast v4, $0x6;
	_ =	sdelay $0x1  }
0x1d2: {  	v59 =	vor.u32 v0, v58;
	[tilespmem:s3+$0x10700] =	vst v7  }
0x1d3: {  	v60 =	vor.u32 v1, v58;
	[tilespmem:s3+$0x10710] =	vst v6  }
0x1d4: {  	_ =	swait.ge [sflag:s20], $0x1000  }
0x1d5: {  	[sflag:s20] =	ssyncset.done $0x0  }
0x1d6: {  	[sflag:s20] =	ssyncadd.s32 $0xFFFFF000  }
0x1d7: {  	v7 =	vld.idx.msk [tilespmem:v59+s30+$0x0], $0xffff  }
0x1d8: {  	v6 =	vld.idx.msk [tilespmem:v60+s30+$0x0], $0xffff;
	_ =	sdelay $0x1  }
0x1d9: {  	v5 =	vbroadcast v5, $0x7;
	_ =	sdelay $0x1  }
0x1da: {  	v61 =	vor.u32 v0, v5;
	[tilespmem:s3+$0x14700] =	vst v7  }
0x1db: {  	v5 =	vor.u32 v1, v5;
	[tilespmem:s3+$0x14710] =	vst v6  }
0x1dc: {  	_ =	swait.ge [sflag:s22], $0x1000  }
0x1dd: {  	[sflag:s22] =	ssyncset.done $0x0  }
0x1de: {  	[sflag:s22] =	ssyncadd.s32 $0xFFFFF000  }
0x1df: {  	v62 =	vld.idx.msk [tilespmem:v61+s31+$0x0], $0xffff  }
0x1e0: {  	v5 =	vld.idx.msk [tilespmem:v5+s31+$0x0], $0xffff;
	_ =	sdelay $0x3  }
0x1e1: {  	[tilespmem:s3+$0x10780] =	vst v62  }
0x1e2: {  	[tilespmem:s3+$0x10790] =	vst v5  }
0x1e3: {  	_ =	swait.ge [sflag:s24], $0x1000  }
0x1e4: {  	(v2sf) =	vpush v3, $0xC;
	_ =	sdelay $0x3  }
0x1e5: {  	(v2sf) =	vpush v2, $0xC;
	_ =	sdelay $0x2  }
0x1e6: {  	(v2sf) =	vpush v3, $0xD;
	_ =	sdelay $0x1  }
0x1e7: {  	v4 =	vbroadcast v4, $0x7;
	_ =	sdelay $0x1  }
0x1e8: {  	v63 =	vor.u32 v0, v4  }
0x1e9: {  	v4 =	vor.u32 v1, v4;
	_ =	sdelay $0x1  }
0x1ea: {  	[sflag:s24] =	ssyncset.done $0x0  }
0x1eb: {  	s12 =	simm.s32 $0xF400;
	[sflag:s24] =	ssyncadd.s32 $0xFFFFF000;
	s18 =	spop (v2sf);
	(v2sf) =	vpush v2, $0xD  }
0x1ec: {  	v5 =	vld.idx.msk [tilespmem:v63+s12+$0x0], $0xffff  }
0x1ed: {  	v4 =	vld.idx.msk [tilespmem:v4+s12+$0x0], $0xffff;
	_ =	sdelay $0x1  }
0x1ee: {  	s24 =	sshll.u32 s18, $0x7;
	s5 =	spop (v2sf);
	(v2sf) =	vpush v3, $0xE  }
0x1ef: {  	p0 =	sgt.s32 s18, $0x1E83;
	s0 =	sand.u32 $0x1FFFFF80, s24  }
0x1f0: {  	[tilespmem:s3+$0x14780] =	vst v5;
	s0 =	simm.s32 @p0 $0x0  }
0x1f1: {  	[tilespmem:s3+$0x14790] =	vst v4;
	s12 =	sshll.u32 s5, $0x7;
	s18 =	spop (v2sf);
	s0 =	sadd.s32 s1, s0  }
0x1f2: {  	(v2sf) =	vpush v2, $0xE;
	[tilespmem:s23], [sflag:$0x9] =	stream.strided.gather [hbm4b:s0+s15], $0x1000, s14, s15, $0x38;
	[tilespmem:$0x18400] =	vst v63  }
0x1f3: {  	p0 =	sgt.s32 s5, $0x1E83;
	s0 =	sand.u32 $0x1FFFFF80, s12  }
0x1f4: {  	s0 =	simm.s32 @p0 $0x0  }
0x1f5: {  	s24 =	sshll.u32 s18, $0x7;
	s0 =	sadd.s32 s2, s0  }
0x1f6: {  	[tilespmem:s25], [sflag:$0xA] =	stream.strided.gather [hbm4b:s0+s15], $0x1000, s14, s15, $0x38;
	[tilespmem:$0x18400] =	vst v63  }
0x1f7: {  	p0 =	sgt.s32 s18, $0x1E83;
	s0 =	sand.u32 $0x1FFFFF80, s24  }
0x1f8: {  	s0 =	simm.s32 @p0 $0x0  }
0x1f9: {  	s0 =	sadd.s32 s1, s0;
	s25 =	spop (v2sf);
	(v2sf) =	vpush v3, $0xF  }
0x1fa: {  	[tilespmem:s26], [sflag:$0xB] =	stream.strided.gather [hbm4b:s0+s15], $0x1000, s14, s15, $0x38;
	[tilespmem:$0x18400] =	vst v63  }
0x1fb: {  	s26 =	sshll.u32 s25, $0x7  }
0x1fc: {  	p0 =	sgt.s32 s25, $0x1E83;
	s0 =	sand.u32 $0x1FFFFF80, s26  }
0x1fd: {  	s3 =	spop (v2sf);
	(v2sf) =	vpush v2, $0xF;
	s0 =	simm.s32 @p0 $0x0  }
0x1fe: {  	s5 =	sshll.u32 s3, $0x7;
	s0 =	sadd.s32 s2, s0  }
0x1ff: {  	[tilespmem:s28], [sflag:$0xC] =	stream.strided.gather [hbm4b:s0+s15], $0x1000, s14, s15, $0x38;
	[tilespmem:$0x18400] =	vst v63  }
0x200: {  	p0 =	sgt.s32 s3, $0x1E83;
	s0 =	sand.u32 $0x1FFFFF80, s5  }
0x201: {  	s12 =	spop (v2sf);
	s0 =	simm.s32 @p0 $0x0  }
0x202: {  	s18 =	sshll.u32 s12, $0x7;
	s0 =	sadd.s32 s1, s0  }
0x203: {  	[tilespmem:s29], [sflag:$0xD] =	stream.strided.gather [hbm4b:s0+s15], $0x1000, s14, s15, $0x38;
	[tilespmem:$0x18400] =	vst v63  }
0x204: {  	p0 =	sgt.s32 s12, $0x1E83;
	s0 =	sand.u32 $0x1FFFFF80, s18  }
0x205: {  	s0 =	simm.s32 @p0 $0x0  }
0x206: {  	s0 =	sadd.s32 s2, s0  }
0x207: {  	[tilespmem:s30], [sflag:$0xE] =	stream.strided.gather [hbm4b:s0+s15], $0x1000, s14, s15, $0x38;
	[tilespmem:$0x18400] =	vst v63  }
0x208: {  	s10 =	sadd.s32 $0x800, s10;
	s11 =	sadd.s32 $0x1, s11;
	s24 =	spop (v2sf)  }
0x209: {  	s6 =	sadd.s32 $0x10, s6;
	s9 =	sadd.s32 $0x100, s9;
	s25 =	sshll.u32 s24, $0x7  }
0x20a: {  	s8 =	sadd.s32 $0x100, s8;
	p0 =	sgt.s32 s24, $0x1E83;
	s0 =	sand.u32 $0x1FFFFF80, s25  }
0x20b: {  	s7 =	sadd.s32 $0x10, s7;
	s4 =	simm.s32 $0xF400;
	s0 =	simm.s32 @p0 $0x0  }
0x20c: {  	s13 =	simm.s32 $0x1400;
	s26 =	spop (v2sf);
	s0 =	sadd.s32 s1, s0  }
0x20d: {  	[tilespmem:s31], [sflag:$0xF] =	stream.strided.gather [hbm4b:s0+s15], $0x1000, s14, s15, $0x38;
	[tilespmem:$0x18400] =	vst v63  }
0x20e: {  	s16 =	simm.s32 $0x3400;
	s20 =	simm.s32 $0x5400;
	s31 =	sshll.u32 s26, $0x7  }
0x20f: {  	s22 =	simm.s32 $0x7400;
	p0 =	sgt.s32 s26, $0x1E83;
	s0 =	sand.u32 $0x1FFFFF80, s31  }
0x210: {  	s3 =	simm.s32 $0xA;
	s0 =	simm.s32 @p0 $0x0;
	p0 =	sne.s32 s10, $0x10000  }
.Ltmp3:
0x211: {  	s5 =	simm.s32 $0xC;
	s28 =	simm.s32 $0xC400;
	(pc) =	sbr.rel @!p0 .LBB2_8-.Ltmp3, $4  }
0x212: {  	s12 =	simm.s32 $0xD;
	s18 =	simm.s32 $0xE;
	s29 =	simm.s32 $0xD400  }
0x213: {  	s30 =	simm.s32 $0xE400;
	s24 =	simm.s32 $0x9400;
	s0 =	sadd.s32 s2, s0  }
0x214: {  	[tilespmem:s4], [sflag:$0x10] =	stream.strided.gather [hbm4b:s0+s15], $0x1000, s14, s15, $0x38;
	[tilespmem:$0x18400] =	vst v63  }
0x215: {  	s25 =	simm.s32 $0xA400;
	s26 =	simm.s32 $0xB400;
	s4 =	simm.s32 $0xB  }
.LBB2_2:
0x216: {  	p0 =	seq.s32 s10, $0x0  }
.Ltmp4:
0x217: {  	_ = 	snop;
	(pc) =	sbr.rel @p0 .LBB2_4-.Ltmp4, $3  }
0x218: {  	_ =	sdelay $0x1  }
0x219: {  	v5 =	vld [tilespmem:s7+$0x10]  }
0x21a: {  	v4 =	vld [tilespmem:s6+$0x10]  }
0x21b: {  	v2 =	vld [tilespmem:s7+$0x0];
	_ =	sdelay $0x4  }
0x21c: {  	v2 =	vand.u32 $0x7F, v2  }
0x21d: {  	v3 =	vbroadcast v2, $0x8;
	_ =	sdelay $0x1  }
0x21e: {  	v6 =	vor.u32 v0, v3  }
0x21f: {  	s0 =	simm.s32 $0x1;
	v3 =	vor.u32 v1, v3  }
0x220: {  	v7 =	vld [tilespmem:s6+$0x0];
	_ =	swait.ge [sflag:s0], $0x1000  }
0x221: {  	[sflag:s0] =	ssyncset.done $0x0  }
0x222: {  	[sflag:s0] =	ssyncadd.s32 $0xFFFFF000  }
0x223: {  	v6 =	vld.idx.msk [tilespmem:v6+s15+$0x0], $0xffff  }
0x224: {  	v3 =	vld.idx.msk [tilespmem:v3+s15+$0x0], $0xffff  }
0x225: {  	v7 =	vand.u32 $0x7F, v7  }
0x226: {  	s3 =	sadd.s32 $0x3C00, s10;
	v8 =	vbroadcast v7, $0x8  }
0x227: {  	s3 =	sand.u32 $0x3C00, s3  }
0x228: {  	[tilespmem:s3+$0x10400] =	vst v6;
	v6 =	vor.u32 v0, v8  }
0x229: {  	s5 =	simm.s32 $0x2;
	[tilespmem:s3+$0x10410] =	vst v3;
	v3 =	vor.u32 v1, v8  }
0x22a: {  	_ =	swait.ge [sflag:s5], $0x1000  }
0x22b: {  	[sflag:s5] =	ssyncset.done $0x0  }
0x22c: {  	[sflag:s5] =	ssyncadd.s32 $0xFFFFF000  }
0x22d: {  	v6 =	vld.idx.msk [tilespmem:v6+s13+$0x0], $0xffff  }
0x22e: {  	v3 =	vld.idx.msk [tilespmem:v3+s13+$0x0], $0xffff;
	_ =	sdelay $0x1  }
0x22f: {  	v60 =	vbroadcast v2, $0x9;
	_ =	sdelay $0x1  }
0x230: {  	[tilespmem:s3+$0x14400] =	vst v6;
	v6 =	vor.u32 v0, v60  }
0x231: {  	s12 =	simm.s32 $0x3;
	[tilespmem:s3+$0x14410] =	vst v3;
	v3 =	vor.u32 v1, v60  }
0x232: {  	_ =	swait.ge [sflag:s12], $0x1000  }
0x233: {  	[sflag:s12] =	ssyncset.done $0x0  }
0x234: {  	[sflag:s12] =	ssyncadd.s32 $0xFFFFF000  }
0x235: {  	v6 =	vld.idx.msk [tilespmem:v6+s17+$0x0], $0xffff  }
0x236: {  	v3 =	vld.idx.msk [tilespmem:v3+s17+$0x0], $0xffff;
	_ =	sdelay $0x1  }
0x237: {  	s18 =	sadd.s32 $0x3C80, s10;
	v61 =	vbroadcast v7, $0x9  }
0x238: {  	s3 =	sand.u32 $0x3C80, s18  }
0x239: {  	[tilespmem:s3+$0x10400] =	vst v6;
	v6 =	vor.u32 v0, v61  }
0x23a: {  	s31 =	simm.s32 $0x4;
	[tilespmem:s3+$0x10410] =	vst v3;
	v3 =	vor.u32 v1, v61  }
0x23b: {  	_ =	swait.ge [sflag:s31], $0x1000  }
0x23c: {  	[sflag:s31] =	ssyncset.done $0x0  }
0x23d: {  	[sflag:s31] =	ssyncadd.s32 $0xFFFFF000  }
0x23e: {  	v6 =	vld.idx.msk [tilespmem:v6+s16+$0x0], $0xffff  }
0x23f: {  	v3 =	vld.idx.msk [tilespmem:v3+s16+$0x0], $0xffff;
	_ =	sdelay $0x1  }
0x240: {  	v62 =	vbroadcast v2, $0xA;
	_ =	sdelay $0x1  }
0x241: {  	[tilespmem:s3+$0x14400] =	vst v6;
	v6 =	vor.u32 v0, v62  }
0x242: {  	[tilespmem:s3+$0x14410] =	vst v3;
	v3 =	vor.u32 v1, v62;
	s3 =	simm.s32 $0x5  }
0x243: {  	_ =	swait.ge [sflag:s3], $0x1000  }
0x244: {  	[sflag:s3] =	ssyncset.done $0x0  }
0x245: {  	[sflag:s3] =	ssyncadd.s32 $0xFFFFF000  }
0x246: {  	v6 =	vld.idx.msk [tilespmem:v6+s19+$0x0], $0xffff  }
0x247: {  	v3 =	vld.idx.msk [tilespmem:v3+s19+$0x0], $0xffff;
	_ =	sdelay $0x1  }
0x248: {  	s4 =	sadd.s32 $0x3D00, s10;
	v63 =	vbroadcast v7, $0xA  }
0x249: {  	s3 =	sand.u32 $0x3D00, s4  }
0x24a: {  	[tilespmem:s3+$0x10400] =	vst v6;
	v6 =	vor.u32 v0, v63  }
0x24b: {  	s5 =	simm.s32 $0x6;
	[tilespmem:s3+$0x10410] =	vst v3;
	v3 =	vor.u32 v1, v63  }
0x24c: {  	_ =	swait.ge [sflag:s5], $0x1000  }
0x24d: {  	[sflag:s5] =	ssyncset.done $0x0  }
0x24e: {  	[sflag:s5] =	ssyncadd.s32 $0xFFFFF000  }
0x24f: {  	v6 =	vld.idx.msk [tilespmem:v6+s20+$0x0], $0xffff  }
0x250: {  	v3 =	vld.idx.msk [tilespmem:v3+s20+$0x0], $0xffff;
	_ =	sdelay $0x1  }
0x251: {  	v2 =	vbroadcast v2, $0xB;
	_ =	sdelay $0x1  }
0x252: {  	[tilespmem:s3+$0x14400] =	vst v6;
	v6 =	vor.u32 v0, v2  }
0x253: {  	s12 =	simm.s32 $0x7;
	[tilespmem:s3+$0x14410] =	vst v3;
	v2 =	vor.u32 v1, v2  }
0x254: {  	_ =	swait.ge [sflag:s12], $0x1000  }
0x255: {  	[sflag:s12] =	ssyncset.done $0x0  }
0x256: {  	[sflag:s12] =	ssyncadd.s32 $0xFFFFF000  }
0x257: {  	v3 =	vld.idx.msk [tilespmem:v6+s21+$0x0], $0xffff  }
0x258: {  	v2 =	vld.idx.msk [tilespmem:v2+s21+$0x0], $0xffff;
	_ =	sdelay $0x1  }
0x259: {  	s18 =	sadd.s32 $0x3D80, s10;
	v6 =	vbroadcast v7, $0xB  }
0x25a: {  	s3 =	sand.u32 $0x3D80, s18  }
0x25b: {  	[tilespmem:s3+$0x10400] =	vst v3;
	v3 =	vor.u32 v0, v6  }
0x25c: {  	s31 =	simm.s32 $0x8;
	[tilespmem:s3+$0x10410] =	vst v2;
	v2 =	vor.u32 v1, v6  }
0x25d: {  	_ =	swait.ge [sflag:s31], $0x1000  }
0x25e: {  	[sflag:s31] =	ssyncset.done $0x0  }
0x25f: {  	[sflag:s31] =	ssyncadd.s32 $0xFFFFF000  }
0x260: {  	v3 =	vld.idx.msk [tilespmem:v3+s22+$0x0], $0xffff  }
0x261: {  	v2 =	vld.idx.msk [tilespmem:v2+s22+$0x0], $0xffff;
	_ =	sdelay $0x3  }
0x262: {  	[tilespmem:s3+$0x14400] =	vst v3  }
0x263: {  	[tilespmem:s3+$0x14410] =	vst v2  }
.LBB2_4:
0x264: {  	_ =	sdelay $0x2  }
0x265: {  	v3 =	vshra.s32 v5, $0x7  }
0x266: {  	(v2sf) =	vpush v3, $0x0;
	_ =	sdelay $0x2  }
0x267: {  	v2 =	vshra.s32 v4, $0x7  }
0x268: {  	(v2sf) =	vpush v2, $0x0;
	_ =	sdelay $0x3  }
0x269: {  	(v2sf) =	vpush v3, $0x1;
	_ =	sdelay $0x6  }
0x26a: {  	s3 =	spop (v2sf);
	(v2sf) =	vpush v2, $0x1;
	_ =	sdelay $0x1  }
0x26b: {  	s12 =	sshll.u32 s3, $0x7  }
0x26c: {  	p1 =	sgt.s32 s3, $0x1E83;
	s3 =	sand.u32 $0x1FFFFF80, s12  }
0x26d: {  	s12 =	spop (v2sf);
	(v2sf) =	vpush v3, $0x2;
	s3 =	simm.s32 @p1 $0x0  }
0x26e: {  	s18 =	sshll.u32 s12, $0x7;
	s3 =	sadd.s32 s1, s3  }
0x26f: {  	[tilespmem:s15], [sflag:$0x1] =	stream.strided.gather [hbm4b:s3+s15], $0x1000, s14, s15, $0x38;
	[tilespmem:$0x18400] =	vst v63  }
0x270: {  	p1 =	sgt.s32 s12, $0x1E83;
	s3 =	sand.u32 $0x1FFFFF80, s18  }
0x271: {  	s31 =	spop (v2sf);
	(v2sf) =	vpush v2, $0x2;
	s3 =	simm.s32 @p1 $0x0  }
0x272: {  	s0 =	sshll.u32 s31, $0x7;
	s3 =	sadd.s32 s2, s3  }
0x273: {  	[tilespmem:s13], [sflag:$0x2] =	stream.strided.gather [hbm4b:s3+s15], $0x1000, s14, s15, $0x38;
	[tilespmem:$0x18400] =	vst v63  }
0x274: {  	p1 =	sgt.s32 s31, $0x1E83;
	s3 =	sand.u32 $0x1FFFFF80, s0  }
0x275: {  	s3 =	simm.s32 @p1 $0x0  }
0x276: {  	s3 =	sadd.s32 s1, s3  }
0x277: {  	[tilespmem:s17], [sflag:$0x3] =	stream.strided.gather [hbm4b:s3+s15], $0x1000, s14, s15, $0x38;
	[tilespmem:$0x18400] =	vst v63  }
0x278: {  	s4 =	spop (v2sf);
	(v2sf) =	vpush v3, $0x3  }
0x279: {  	s5 =	sshll.u32 s4, $0x7  }
0x27a: {  	p1 =	sgt.s32 s4, $0x1E83;
	s3 =	sand.u32 $0x1FFFFF80, s5  }
0x27b: {  	s3 =	simm.s32 @p1 $0x0  }
0x27c: {  	s13 =	spop (v2sf);
	s3 =	sadd.s32 s2, s3  }
0x27d: {  	[tilespmem:s16], [sflag:$0x4] =	stream.strided.gather [hbm4b:s3+s15], $0x1000, s14, s15, $0x38;
	[tilespmem:$0x18400] =	vst v63  }
0x27e: {  	(v2sf) =	vpush v2, $0x3;
	s16 =	sshll.u32 s13, $0x7  }
0x27f: {  	p1 =	sgt.s32 s13, $0x1E83;
	s3 =	sand.u32 $0x1FFFFF80, s16  }
0x280: {  	s17 =	spop (v2sf);
	s3 =	simm.s32 @p1 $0x0  }
0x281: {  	s18 =	sshll.u32 s17, $0x7;
	s3 =	sadd.s32 s1, s3  }
0x282: {  	[tilespmem:s19], [sflag:$0x5] =	stream.strided.gather [hbm4b:s3+s15], $0x1000, s14, s15, $0x38;
	[tilespmem:$0x18400] =	vst v63  }
0x283: {  	p1 =	sgt.s32 s17, $0x1E83;
	s3 =	sand.u32 $0x1FFFFF80, s18  }
0x284: {  	s3 =	simm.s32 @p1 $0x0  }
0x285: {  	s3 =	sadd.s32 s2, s3  }
0x286: {  	[tilespmem:s20], [sflag:$0x6] =	stream.strided.gather [hbm4b:s3+s15], $0x1000, s14, s15, $0x38;
	[tilespmem:$0x18400] =	vst v63  }
0x287: {  	s19 =	spop (v2sf)  }
0x288: {  	s20 =	sshll.u32 s19, $0x7  }
0x289: {  	p1 =	sgt.s32 s19, $0x1E83;
	s3 =	sand.u32 $0x1FFFFF80, s20  }
0x28a: {  	s3 =	simm.s32 @p1 $0x0  }
0x28b: {  	s3 =	sadd.s32 s1, s3  }
0x28c: {  	[tilespmem:s21], [sflag:$0x7] =	stream.strided.gather [hbm4b:s3+s15], $0x1000, s14, s15, $0x38;
	[tilespmem:$0x18400] =	vst v63  }
0x28d: {  	s21 =	spop (v2sf)  }
.Ltmp5:
0x28e: {  	s31 =	sshll.u32 s21, $0x7;
	(pc) =	sbr.rel @!p0 .LBB2_6-.Ltmp5, $4  }
0x28f: {  	p1 =	sgt.s32 s21, $0x1E83;
	s3 =	sand.u32 $0x1FFFFF80, s31  }
0x290: {  	s3 =	simm.s32 @p1 $0x0  }
0x291: {  	s3 =	sadd.s32 s2, s3  }
0x292: {  	[tilespmem:s22], [sflag:$0x8] =	stream.strided.gather [hbm4b:s3+s15], $0x1000, s14, s15, $0x38;
	[tilespmem:$0x18400] =	vst v63  }
0x293: {  	s3 =	simm.s32 $0x0;
	s4 =	simm.s32 $0x9  }
.Ltmp6:
0x294: {  	s13 =	simm.s32 $0xA;
	s5 =	simm.s32 $0xB;
	(pc) =	sbr.rel .LBB2_7-.Ltmp6, $4  }
0x295: {  	s16 =	simm.s32 $0xC;
	s18 =	simm.s32 $0xD;
	s20 =	simm.s32 $0xE  }
0x296: {  	s22 =	simm.s32 $0xF;
	s31 =	simm.s32 $0xE400;
	s30 =	simm.s32 $0xD400  }
0x297: {  	s29 =	simm.s32 $0xC400;
	s28 =	simm.s32 $0xB400;
	s26 =	simm.s32 $0xA400  }
0x298: {  	s25 =	simm.s32 $0x9400;
	s24 =	simm.s32 $0x10;
	s17 =	simm.s32 $0xF400  }
.LBB2_9:
0x299: {  	_ =	sfence.sel $0x180000  }
0x29a: {  	[bflag:$0x0] =	sbarrier.arrive $0xFFFF  }
0x29b: {  	_ =	strace $0x90000047  }
0x29c: {  	s0 =	stileid.u32;
	[bflag:$0x2] =	sbarrier.arrive $0xFFFF  }
0x29d: {  	p0 =	sne.s32 s0, $0x0;
	s0 =	rddreg [dreg:$0x5]  }
0x29e: {  	s0 =	sadd.s32 @!p0 $0x100000, s0  }
0x29f: {  	[sflag:s0] =	ssyncadd.tile.s32 @!p0 $0x1;
	_ =	shalt  }
.Lfunc_end2:
_tile_overlayer_lowered:
.L_overlay_start_2:
0x2a0: {  	(tag) =	ssettag $0x2  }
0x2a1: {  	s0 =	rddreg [dreg:$0x0];
	s2 =	stileid.u32  }
0x2a2: {  	s1 =	rddreg [dreg:$0x1];
	p0 =	sne.s32 s2, $0x0  }
0x2a3: {  	s3 =	rddreg [dreg:$0x2];
	[bflag:$0x3] =	sbarrier.arrive $0xFFFF;
	s2 =	simm.s32 @!p0 $0x1C13  }
0x2a4: {  	[timem:s3], [sflag:s2] =	dma.local @!p0 [hbm:s0], s1  }
0x2a5: {  	s0 =	simm.s32 @!p0 $0x13  }
0x2a6: {  	_ =	swait.ge @!p0 [sflag:s0], s1  }
0x2a7: {  	s1 =	ssub.s32 @!p0 $0x0, s1;
	[sflag:s0] =	ssyncset.done @!p0 $0x0  }
0x2a8: {  	[sflag:s0] =	ssyncadd.s32 @!p0 s1  }
0x2a9: {  	[bflag:$0x3] =	sbarrier.arrive $0xFFFF  }
0x2aa: {  	_ =	shalt  }

</sc_bundles>
